<compile_context>
chip_gen: v7x
topology: tpu7x:2x2x1
jax: 0.10.2.dev20260603
libtpu: 0.0.44.dev20260713+nightly
codegen_flags: <defaults>
</compile_context>

<pallas_src>
import functools

import jax
import jax.numpy as jnp
from jax import lax
from jax.experimental import pallas as pl
from jax.experimental.pallas import tpu as pltpu
from jax.experimental.pallas import tpu_sc as plsc

_B, _S = 4, 2048
_T = _B * _S
_D = 128
_NW = 32
_TPW = _T // _NW
_CHUNK = 64
_NCH = _TPW // _CHUNK

_mesh = plsc.VectorSubcoreMesh(core_axis_name="c", subcore_axis_name="s")


@functools.partial(
    pl.kernel,
    mesh=_mesh,
    out_type=jax.ShapeDtypeStruct((_T, 6 * _D), jnp.float32),
    scratch_types=[
        *[pltpu.VMEM((2, _CHUNK), jnp.int32) for _ in range(6)],
        *[pltpu.VMEM((2, _CHUNK, _D), jnp.float32) for _ in range(6)],
        pltpu.SemaphoreType.DMA,
        *[pltpu.SemaphoreType.DMA for _ in range(6)],
        *[pltpu.SemaphoreType.DMA for _ in range(6)],
    ],
)
def _spatial_lookup(c0_hbm, c1_hbm, c2_hbm, c3_hbm,
                    x_hbm, y_hbm, h_hbm, w_hbm, out_hbm,
                    i0, i1, i2, i3, i4, i5,
                    g0, g1, g2, g3, g4, g5, isem,
                    gs0, gs1, gs2, gs3, gs4, gs5,
                    ws0, ws1, ws2, ws3, ws4, ws5):
    wid = lax.axis_index("s") * 2 + lax.axis_index("c")
    base = wid * _TPW
    idx_refs = (i0, i1, i2, i3)
    cols = (c0_hbm, c1_hbm, c2_hbm, c3_hbm)
    gsems = (gs0, gs1, gs2, gs3, gs4, gs5)
    wsems = (ws0, ws1, ws2, ws3, ws4, ws5)
    pending_iloads = [None, None]
    pending_writes = [None, None]

    def fire_iloads(ch):
        s = ch % 2
        tok = base + ch * _CHUNK
        pending_iloads[s] = [
            pltpu.async_copy(col.at[pl.ds(tok, _CHUNK)], iv.at[s], isem)
            for col, iv in zip(cols, idx_refs)
        ]

    fire_iloads(0)
    for ch in range(_NCH):
        s = ch % 2
        tok = base + ch * _CHUNK
        for cp in pending_iloads[s]:
            cp.wait()
        pending_iloads[s] = None
        for g in range(_CHUNK // 16):
            sl = pl.ds(g * 16, 16)
            i4[s, sl] = i3[s, sl] - i1[s, sl]
            i5[s, sl] = i2[s, sl] - i0[s, sl]
        if pending_writes[s] is not None:
            for cp in pending_writes[s]:
                cp.wait()
            pending_writes[s] = None
        gathers = [
            pltpu.async_copy(x_hbm.at[i0.at[s]], g0.at[s], gs0),
            pltpu.async_copy(y_hbm.at[i1.at[s]], g1.at[s], gs1),
            pltpu.async_copy(x_hbm.at[i2.at[s]], g2.at[s], gs2),
            pltpu.async_copy(y_hbm.at[i3.at[s]], g3.at[s], gs3),
            pltpu.async_copy(h_hbm.at[i4.at[s]], g4.at[s], gs4),
            pltpu.async_copy(w_hbm.at[i5.at[s]], g5.at[s], gs5),
        ]
        if ch + 1 < _NCH:
            fire_iloads(ch + 1)
        writes = []
        for c, (cp, gv) in enumerate(zip(gathers, (g0, g1, g2, g3, g4, g5))):
            cp.wait()
            writes.append(pltpu.async_copy(
                gv.at[s], out_hbm.at[pl.ds(tok, _CHUNK), pl.ds(c * _D, _D)],
                wsems[c]))
        pending_writes[s] = writes
    for cps in pending_writes:
        if cps is not None:
            for cp in cps:
                cp.wait()


def kernel(bbox, x_tab, y_tab, h_tab, w_tab):
    cols = bbox.reshape(_T, 4)
    out = _spatial_lookup(cols[:, 0], cols[:, 1], cols[:, 2], cols[:, 3],
                          x_tab, y_tab, h_tab, w_tab)
    return out.reshape(_B, _S, 6 * _D)

# --- scband reference (transcript-rebuilt; emitter-appended) ---
"""Pipeline reference for scband-layout-lmv2-embeddings-10471130268518 (READ-ONLY COPY).

The authoritative reference and input builder live on the scoring server;
editing this copy changes nothing except your own understanding.
"""

import jax, jax.numpy as jnp
import numpy as np

B, S = 4, 2048
MAX_2D = 1024
COORD = 128
SHAPE = 128

def setup_inputs(seed: int = 0) -> dict:
    key = jax.random.key(seed)
    kb, kx, ky, kh, kw = jax.random.split(key, 5)
    # sorted along last axis so bbox[...,0]<=bbox[...,1]<=bbox[...,2]<=bbox[...,3]
    bbox = jnp.sort(jax.random.randint(kb, (B, S, 4), 0, 1000), axis=-1).astype(jnp.int32)
    x_tab = jax.random.normal(kx, (MAX_2D, COORD), dtype=jnp.float32) * 0.02
    y_tab = jax.random.normal(ky, (MAX_2D, COORD), dtype=jnp.float32) * 0.02
    h_tab = jax.random.normal(kh, (MAX_2D, SHAPE), dtype=jnp.float32) * 0.02
    w_tab = jax.random.normal(kw, (MAX_2D, SHAPE), dtype=jnp.float32) * 0.02
    return {"bbox": bbox, "x_tab": x_tab, "y_tab": y_tab, "h_tab": h_tab, "w_tab": w_tab}

def reference(bbox, x_tab, y_tab, h_tab, w_tab):
    # LayoutLMv2Embeddings._cal_spatial_position_embeddings
    left_pos = jnp.take(x_tab, bbox[:, :, 0], axis=0)
    upper_pos = jnp.take(y_tab, bbox[:, :, 1], axis=0)
    right_pos = jnp.take(x_tab, bbox[:, :, 2], axis=0)
    lower_pos = jnp.take(y_tab, bbox[:, :, 3], axis=0)
    h_pos = jnp.take(h_tab, bbox[:, :, 3] - bbox[:, :, 1], axis=0)
    w_pos = jnp.take(w_tab, bbox[:, :, 2] - bbox[:, :, 0], axis=0)
    spatial = jnp.concatenate([left_pos, upper_pos, right_pos, lower_pos, h_pos, w_pos], axis=-1)
    return spatial

if __name__ == "__main__":
    import jax
    _d = setup_inputs()
    print(jax.jit(kernel)(*tuple(_d.values())))

</pallas_src>

<mosaic_0001>
#map = affine_map<(d0, d1) -> (0)>
#map1 = affine_map<(d0, d1) -> (0, 0)>
module attributes {stable_mosaic.version = 14 : i64} {
  func.func @_spatial_lookup(%arg0: i32, %arg1: i32, %arg2: memref<8192xi32, #tpu.memory_space<hbm>>, %arg3: memref<8192xi32, #tpu.memory_space<hbm>>, %arg4: memref<8192xi32, #tpu.memory_space<hbm>>, %arg5: memref<8192xi32, #tpu.memory_space<hbm>>, %arg6: memref<1024x128xf32, #tpu.memory_space<hbm>>, %arg7: memref<1024x128xf32, #tpu.memory_space<hbm>>, %arg8: memref<1024x128xf32, #tpu.memory_space<hbm>>, %arg9: memref<1024x128xf32, #tpu.memory_space<hbm>>, %arg10: memref<8192x768xf32, #tpu.memory_space<hbm>>, %arg11: memref<2x64xi32, #tpu.memory_space<vmem>>, %arg12: memref<2x64xi32, #tpu.memory_space<vmem>>, %arg13: memref<2x64xi32, #tpu.memory_space<vmem>>, %arg14: memref<2x64xi32, #tpu.memory_space<vmem>>, %arg15: memref<2x64xi32, #tpu.memory_space<vmem>>, %arg16: memref<2x64xi32, #tpu.memory_space<vmem>>, %arg17: memref<2x64x128xf32, #tpu.memory_space<vmem>>, %arg18: memref<2x64x128xf32, #tpu.memory_space<vmem>>, %arg19: memref<2x64x128xf32, #tpu.memory_space<vmem>>, %arg20: memref<2x64x128xf32, #tpu.memory_space<vmem>>, %arg21: memref<2x64x128xf32, #tpu.memory_space<vmem>>, %arg22: memref<2x64x128xf32, #tpu.memory_space<vmem>>, %arg23: memref<!tpu.dma_semaphore, #tpu.memory_space<semaphore_mem>>, %arg24: memref<!tpu.dma_semaphore, #tpu.memory_space<semaphore_mem>>, %arg25: memref<!tpu.dma_semaphore, #tpu.memory_space<semaphore_mem>>, %arg26: memref<!tpu.dma_semaphore, #tpu.memory_space<semaphore_mem>>, %arg27: memref<!tpu.dma_semaphore, #tpu.memory_space<semaphore_mem>>, %arg28: memref<!tpu.dma_semaphore, #tpu.memory_space<semaphore_mem>>, %arg29: memref<!tpu.dma_semaphore, #tpu.memory_space<semaphore_mem>>, %arg30: memref<!tpu.dma_semaphore, #tpu.memory_space<semaphore_mem>>, %arg31: memref<!tpu.dma_semaphore, #tpu.memory_space<semaphore_mem>>, %arg32: memref<!tpu.dma_semaphore, #tpu.memory_space<semaphore_mem>>, %arg33: memref<!tpu.dma_semaphore, #tpu.memory_space<semaphore_mem>>, %arg34: memref<!tpu.dma_semaphore, #tpu.memory_space<semaphore_mem>>, %arg35: memref<!tpu.dma_semaphore, #tpu.memory_space<semaphore_mem>>) attributes {dimension_semantics = [#tpu.dimension_semantics<core_parallel>, #tpu.dimension_semantics<subcore_parallel>], iteration_bounds = array<i64: 2, 16>, scalar_prefetch = 0 : i64, scratch_operands = 25 : i64, tpu.core_type = #tpu.core_type<sc_vector_subcore>, window_params = [{transform_indices = #map}, {transform_indices = #map}, {transform_indices = #map}, {transform_indices = #map}, {transform_indices = #map1}, {transform_indices = #map1}, {transform_indices = #map1}, {transform_indices = #map1}, {transform_indices = #map1}]} {
    %mul3A = arith.constant 2 : i32
    %mul3A_0 = arith.muli %arg1, %mul3A : i32
    %add3A = arith.addi %mul3A_0, %arg0 : i32
    %mul3A_1 = arith.constant 256 : i32
    %mul3A_2 = arith.muli %add3A, %mul3A_1 : i32
    %add3A_3 = arith.constant 0 : i32
    %add3A_4 = arith.addi %mul3A_2, %add3A_3 : i32
    %dma_start3A = arith.constant 0 : i32
    %dma_start3A_5 = arith.constant 0 : i32
    %dma_start3A_6 = tpu.memref_slice %arg11[%dma_start3A, %dma_start3A_5] : memref<2x64xi32, #tpu.memory_space<vmem>> -> memref<1x64xi32, #tpu.memory_space<vmem>>
    %dma_start3A_7 = tpu.memref_squeeze %dma_start3A_6 : memref<1x64xi32, #tpu.memory_space<vmem>> -> memref<64xi32, #tpu.memory_space<vmem>>
    %dma_start3A_8 = tpu.memref_slice %arg2[%add3A_4] : memref<8192xi32, #tpu.memory_space<hbm>> -> memref<64xi32, #tpu.memory_space<hbm>>
    %dma_start3A_9 = arith.constant 0 : i32
    %dma_start3A_10 = tpu.memref_slice %arg11[%dma_start3A, %dma_start3A_9] : memref<2x64xi32, #tpu.memory_space<vmem>> -> memref<1x64xi32, #tpu.memory_space<vmem>>
    %dma_start3A_11 = tpu.memref_squeeze %dma_start3A_10 : memref<1x64xi32, #tpu.memory_space<vmem>> -> memref<64xi32, #tpu.memory_space<vmem>>
    %dma_start3A_12 = tpu.memref_slice %arg2[%add3A_4] : memref<8192xi32, #tpu.memory_space<hbm>> -> memref<64xi32, #tpu.memory_space<hbm>>
    tpu.enqueue_dma source(%dma_start3A_12 : memref<64xi32, #tpu.memory_space<hbm>>) target(%dma_start3A_11 : memref<64xi32, #tpu.memory_space<vmem>>) target_semaphore(%arg23 : memref<!tpu.dma_semaphore, #tpu.memory_space<semaphore_mem>>)
    %dma_start3A_13 = arith.constant 0 : i32
    %dma_start3A_14 = arith.constant 0 : i32
    %dma_start3A_15 = tpu.memref_slice %arg12[%dma_start3A_13, %dma_start3A_14] : memref<2x64xi32, #tpu.memory_space<vmem>> -> memref<1x64xi32, #tpu.memory_space<vmem>>
    %dma_start3A_16 = tpu.memref_squeeze %dma_start3A_15 : memref<1x64xi32, #tpu.memory_space<vmem>> -> memref<64xi32, #tpu.memory_space<vmem>>
    %dma_start3A_17 = tpu.memref_slice %arg3[%add3A_4] : memref<8192xi32, #tpu.memory_space<hbm>> -> memref<64xi32, #tpu.memory_space<hbm>>
    %dma_start3A_18 = arith.constant 0 : i32
    %dma_start3A_19 = tpu.memref_slice %arg12[%dma_start3A_13, %dma_start3A_18] : memref<2x64xi32, #tpu.memory_space<vmem>> -> memref<1x64xi32, #tpu.memory_space<vmem>>
    %dma_start3A_20 = tpu.memref_squeeze %dma_start3A_19 : memref<1x64xi32, #tpu.memory_space<vmem>> -> memref<64xi32, #tpu.memory_space<vmem>>
    %dma_start3A_21 = tpu.memref_slice %arg3[%add3A_4] : memref<8192xi32, #tpu.memory_space<hbm>> -> memref<64xi32, #tpu.memory_space<hbm>>
    tpu.enqueue_dma source(%dma_start3A_21 : memref<64xi32, #tpu.memory_space<hbm>>) target(%dma_start3A_20 : memref<64xi32, #tpu.memory_space<vmem>>) target_semaphore(%arg23 : memref<!tpu.dma_semaphore, #tpu.memory_space<semaphore_mem>>)
    %dma_start3A_22 = arith.constant 0 : i32
    %dma_start3A_23 = arith.constant 0 : i32
    %dma_start3A_24 = tpu.memref_slice %arg13[%dma_start3A_22, %dma_start3A_23] : memref<2x64xi32, #tpu.memory_space<vmem>> -> memref<1x64xi32, #tpu.memory_space<vmem>>
    %dma_start3A_25 = tpu.memref_squeeze %dma_start3A_24 : memref<1x64xi32, #tpu.memory_space<vmem>> -> memref<64xi32, #tpu.memory_space<vmem>>
    %dma_start3A_26 = tpu.memref_slice %arg4[%add3A_4] : memref<8192xi32, #tpu.memory_space<hbm>> -> memref<64xi32, #tpu.memory_space<hbm>>
    %dma_start3A_27 = arith.constant 0 : i32
    %dma_start3A_28 = tpu.memref_slice %arg13[%dma_start3A_22, %dma_start3A_27] : memref<2x64xi32, #tpu.memory_space<vmem>> -> memref<1x64xi32, #tpu.memory_space<vmem>>
    %dma_start3A_29 = tpu.memref_squeeze %dma_start3A_28 : memref<1x64xi32, #tpu.memory_space<vmem>> -> memref<64xi32, #tpu.memory_space<vmem>>
    %dma_start3A_30 = tpu.memref_slice %arg4[%add3A_4] : memref<8192xi32, #tpu.memory_space<hbm>> -> memref<64xi32, #tpu.memory_space<hbm>>
    tpu.enqueue_dma source(%dma_start3A_30 : memref<64xi32, #tpu.memory_space<hbm>>) target(%dma_start3A_29 : memref<64xi32, #tpu.memory_space<vmem>>) target_semaphore(%arg23 : memref<!tpu.dma_semaphore, #tpu.memory_space<semaphore_mem>>)
    %dma_start3A_31 = arith.constant 0 : i32
    %dma_start3A_32 = arith.constant 0 : i32
    %dma_start3A_33 = tpu.memref_slice %arg14[%dma_start3A_31, %dma_start3A_32] : memref<2x64xi32, #tpu.memory_space<vmem>> -> memref<1x64xi32, #tpu.memory_space<vmem>>
    %dma_start3A_34 = tpu.memref_squeeze %dma_start3A_33 : memref<1x64xi32, #tpu.memory_space<vmem>> -> memref<64xi32, #tpu.memory_space<vmem>>
    %dma_start3A_35 = tpu.memref_slice %arg5[%add3A_4] : memref<8192xi32, #tpu.memory_space<hbm>> -> memref<64xi32, #tpu.memory_space<hbm>>
    %dma_start3A_36 = arith.constant 0 : i32
    %dma_start3A_37 = tpu.memref_slice %arg14[%dma_start3A_31, %dma_start3A_36] : memref<2x64xi32, #tpu.memory_space<vmem>> -> memref<1x64xi32, #tpu.memory_space<vmem>>
    %dma_start3A_38 = tpu.memref_squeeze %dma_start3A_37 : memref<1x64xi32, #tpu.memory_space<vmem>> -> memref<64xi32, #tpu.memory_space<vmem>>
    %dma_start3A_39 = tpu.memref_slice %arg5[%add3A_4] : memref<8192xi32, #tpu.memory_space<hbm>> -> memref<64xi32, #tpu.memory_space<hbm>>
    tpu.enqueue_dma source(%dma_start3A_39 : memref<64xi32, #tpu.memory_space<hbm>>) target(%dma_start3A_38 : memref<64xi32, #tpu.memory_space<vmem>>) target_semaphore(%arg23 : memref<!tpu.dma_semaphore, #tpu.memory_space<semaphore_mem>>)
    %add3A_40 = arith.constant 0 : i32
    %add3A_41 = arith.addi %mul3A_2, %add3A_40 : i32
    %dma_wait3A = arith.constant 0 : i32
    %dma_wait3A_42 = arith.constant 0 : i32
    %dma_wait3A_43 = tpu.memref_slice %arg11[%dma_wait3A, %dma_wait3A_42] : memref<2x64xi32, #tpu.memory_space<vmem>> -> memref<1x64xi32, #tpu.memory_space<vmem>>
    %dma_wait3A_44 = tpu.memref_squeeze %dma_wait3A_43 : memref<1x64xi32, #tpu.memory_space<vmem>> -> memref<64xi32, #tpu.memory_space<vmem>>
    %dma_wait3A_45 = tpu.memref_slice %arg2[%add3A_4] : memref<8192xi32, #tpu.memory_space<hbm>> -> memref<64xi32, #tpu.memory_space<hbm>>
    %dma_wait3A_46 = arith.constant 0 : i32
    %dma_wait3A_47 = tpu.memref_slice %arg11[%dma_wait3A, %dma_wait3A_46] : memref<2x64xi32, #tpu.memory_space<vmem>> -> memref<1x64xi32, #tpu.memory_space<vmem>>
    %dma_wait3A_48 = tpu.memref_squeeze %dma_wait3A_47 : memref<1x64xi32, #tpu.memory_space<vmem>> -> memref<64xi32, #tpu.memory_space<vmem>>
    %dma_wait3A_49 = tpu.memref_slice %arg2[%add3A_4] : memref<8192xi32, #tpu.memory_space<hbm>> -> memref<64xi32, #tpu.memory_space<hbm>>
    tpu.wait_dma2 semaphore(%arg23 : memref<!tpu.dma_semaphore, #tpu.memory_space<semaphore_mem>>) src(%dma_wait3A_49 : memref<64xi32, #tpu.memory_space<hbm>>) dst(%dma_wait3A_48 : memref<64xi32, #tpu.memory_space<vmem>>)
    %dma_wait3A_50 = arith.constant 0 : i32
    %dma_wait3A_51 = arith.constant 0 : i32
    %dma_wait3A_52 = tpu.memref_slice %arg12[%dma_wait3A_50, %dma_wait3A_51] : memref<2x64xi32, #tpu.memory_space<vmem>> -> memref<1x64xi32, #tpu.memory_space<vmem>>
    %dma_wait3A_53 = tpu.memref_squeeze %dma_wait3A_52 : memref<1x64xi32, #tpu.memory_space<vmem>> -> memref<64xi32, #tpu.memory_space<vmem>>
    %dma_wait3A_54 = tpu.memref_slice %arg3[%add3A_4] : memref<8192xi32, #tpu.memory_space<hbm>> -> memref<64xi32, #tpu.memory_space<hbm>>
    %dma_wait3A_55 = arith.constant 0 : i32
    %dma_wait3A_56 = tpu.memref_slice %arg12[%dma_wait3A_50, %dma_wait3A_55] : memref<2x64xi32, #tpu.memory_space<vmem>> -> memref<1x64xi32, #tpu.memory_space<vmem>>
    %dma_wait3A_57 = tpu.memref_squeeze %dma_wait3A_56 : memref<1x64xi32, #tpu.memory_space<vmem>> -> memref<64xi32, #tpu.memory_space<vmem>>
    %dma_wait3A_58 = tpu.memref_slice %arg3[%add3A_4] : memref<8192xi32, #tpu.memory_space<hbm>> -> memref<64xi32, #tpu.memory_space<hbm>>
    tpu.wait_dma2 semaphore(%arg23 : memref<!tpu.dma_semaphore, #tpu.memory_space<semaphore_mem>>) src(%dma_wait3A_58 : memref<64xi32, #tpu.memory_space<hbm>>) dst(%dma_wait3A_57 : memref<64xi32, #tpu.memory_space<vmem>>)
    %dma_wait3A_59 = arith.constant 0 : i32
    %dma_wait3A_60 = arith.constant 0 : i32
    %dma_wait3A_61 = tpu.memref_slice %arg13[%dma_wait3A_59, %dma_wait3A_60] : memref<2x64xi32, #tpu.memory_space<vmem>> -> memref<1x64xi32, #tpu.memory_space<vmem>>
    %dma_wait3A_62 = tpu.memref_squeeze %dma_wait3A_61 : memref<1x64xi32, #tpu.memory_space<vmem>> -> memref<64xi32, #tpu.memory_space<vmem>>
    %dma_wait3A_63 = tpu.memref_slice %arg4[%add3A_4] : memref<8192xi32, #tpu.memory_space<hbm>> -> memref<64xi32, #tpu.memory_space<hbm>>
    %dma_wait3A_64 = arith.constant 0 : i32
    %dma_wait3A_65 = tpu.memref_slice %arg13[%dma_wait3A_59, %dma_wait3A_64] : memref<2x64xi32, #tpu.memory_space<vmem>> -> memref<1x64xi32, #tpu.memory_space<vmem>>
    %dma_wait3A_66 = tpu.memref_squeeze %dma_wait3A_65 : memref<1x64xi32, #tpu.memory_space<vmem>> -> memref<64xi32, #tpu.memory_space<vmem>>
    %dma_wait3A_67 = tpu.memref_slice %arg4[%add3A_4] : memref<8192xi32, #tpu.memory_space<hbm>> -> memref<64xi32, #tpu.memory_space<hbm>>
    tpu.wait_dma2 semaphore(%arg23 : memref<!tpu.dma_semaphore, #tpu.memory_space<semaphore_mem>>) src(%dma_wait3A_67 : memref<64xi32, #tpu.memory_space<hbm>>) dst(%dma_wait3A_66 : memref<64xi32, #tpu.memory_space<vmem>>)
    %dma_wait3A_68 = arith.constant 0 : i32
    %dma_wait3A_69 = arith.constant 0 : i32
    %dma_wait3A_70 = tpu.memref_slice %arg14[%dma_wait3A_68, %dma_wait3A_69] : memref<2x64xi32, #tpu.memory_space<vmem>> -> memref<1x64xi32, #tpu.memory_space<vmem>>
    %dma_wait3A_71 = tpu.memref_squeeze %dma_wait3A_70 : memref<1x64xi32, #tpu.memory_space<vmem>> -> memref<64xi32, #tpu.memory_space<vmem>>
    %dma_wait3A_72 = tpu.memref_slice %arg5[%add3A_4] : memref<8192xi32, #tpu.memory_space<hbm>> -> memref<64xi32, #tpu.memory_space<hbm>>
    %dma_wait3A_73 = arith.constant 0 : i32
    %dma_wait3A_74 = tpu.memref_slice %arg14[%dma_wait3A_68, %dma_wait3A_73] : memref<2x64xi32, #tpu.memory_space<vmem>> -> memref<1x64xi32, #tpu.memory_space<vmem>>
    %dma_wait3A_75 = tpu.memref_squeeze %dma_wait3A_74 : memref<1x64xi32, #tpu.memory_space<vmem>> -> memref<64xi32, #tpu.memory_space<vmem>>
    %dma_wait3A_76 = tpu.memref_slice %arg5[%add3A_4] : memref<8192xi32, #tpu.memory_space<hbm>> -> memref<64xi32, #tpu.memory_space<hbm>>
    tpu.wait_dma2 semaphore(%arg23 : memref<!tpu.dma_semaphore, #tpu.memory_space<semaphore_mem>>) src(%dma_wait3A_76 : memref<64xi32, #tpu.memory_space<hbm>>) dst(%dma_wait3A_75 : memref<64xi32, #tpu.memory_space<vmem>>)
    %get3A = arith.constant 0 : i32
    %get3A_77 = arith.index_cast %get3A : i32 to index
    %get3A_78 = arith.constant 0 : index
    %get3A_79 = tpu.vector_load %arg14[%get3A_77, %get3A_78] {strides = array<i32>} : memref<2x64xi32, #tpu.memory_space<vmem>>, vector<1x16xi32>,
    %get3A_80 = vector.shape_cast %get3A_79 : vector<1x16xi32> to vector<16xi32>
    %get3A_81 = arith.constant 0 : i32
    %get3A_82 = arith.index_cast %get3A_81 : i32 to index
    %get3A_83 = arith.constant 0 : index
    %get3A_84 = tpu.vector_load %arg12[%get3A_82, %get3A_83] {strides = array<i32>} : memref<2x64xi32, #tpu.memory_space<vmem>>, vector<1x16xi32>,
    %get3A_85 = vector.shape_cast %get3A_84 : vector<1x16xi32> to vector<16xi32>
    %sub3A = arith.subi %get3A_80, %get3A_85 : vector<16xi32>
    %swap3A = arith.constant 0 : i32
    %swap3A_86 = arith.index_cast %swap3A : i32 to index
    %swap3A_87 = arith.constant 0 : index
    %swap3A_88 = tpu.vector_load %arg15[%swap3A_86, %swap3A_87] {strides = array<i32>} : memref<2x64xi32, #tpu.memory_space<vmem>>, vector<1x16xi32>,
    %swap3A_89 = vector.shape_cast %swap3A_88 : vector<1x16xi32> to vector<16xi32>
    %swap3A_90 = vector.shape_cast %sub3A : vector<16xi32> to vector<1x16xi32>
    tpu.vector_store %arg15[%swap3A_86, %swap3A_87], %swap3A_90 {strides = array<i32>} : memref<2x64xi32, #tpu.memory_space<vmem>>, vector<1x16xi32>,
    %get3A_91 = arith.constant 0 : i32
    %get3A_92 = arith.index_cast %get3A_91 : i32 to index
    %get3A_93 = arith.constant 0 : index
    %get3A_94 = tpu.vector_load %arg13[%get3A_92, %get3A_93] {strides = array<i32>} : memref<2x64xi32, #tpu.memory_space<vmem>>, vector<1x16xi32>,
    %get3A_95 = vector.shape_cast %get3A_94 : vector<1x16xi32> to vector<16xi32>
    %get3A_96 = arith.constant 0 : i32
    %get3A_97 = arith.index_cast %get3A_96 : i32 to index
    %get3A_98 = arith.constant 0 : index
    %get3A_99 = tpu.vector_load %arg11[%get3A_97, %get3A_98] {strides = array<i32>} : memref<2x64xi32, #tpu.memory_space<vmem>>, vector<1x16xi32>,
    %get3A_100 = vector.shape_cast %get3A_99 : vector<1x16xi32> to vector<16xi32>
    %sub3A_101 = arith.subi %get3A_95, %get3A_100 : vector<16xi32>
    %swap3A_102 = arith.constant 0 : i32
    %swap3A_103 = arith.index_cast %swap3A_102 : i32 to index
    %swap3A_104 = arith.constant 0 : index
    %swap3A_105 = tpu.vector_load %arg16[%swap3A_103, %swap3A_104] {strides = array<i32>} : memref<2x64xi32, #tpu.memory_space<vmem>>, vector<1x16xi32>,
    %swap3A_106 = vector.shape_cast %swap3A_105 : vector<1x16xi32> to vector<16xi32>
    %swap3A_107 = vector.shape_cast %sub3A_101 : vector<16xi32> to vector<1x16xi32>
    tpu.vector_store %arg16[%swap3A_103, %swap3A_104], %swap3A_107 {strides = array<i32>} : memref<2x64xi32, #tpu.memory_space<vmem>>, vector<1x16xi32>,
    %get3A_108 = arith.constant 0 : i32
    %get3A_109 = arith.index_cast %get3A_108 : i32 to index
    %get3A_110 = arith.constant 16 : index
    %get3A_111 = tpu.vector_load %arg14[%get3A_109, %get3A_110] {strides = array<i32>} : memref<2x64xi32, #tpu.memory_space<vmem>>, vector<1x16xi32>,
    %get3A_112 = vector.shape_cast %get3A_111 : vector<1x16xi32> to vector<16xi32>
    %get3A_113 = arith.constant 0 : i32
    %get3A_114 = arith.index_cast %get3A_113 : i32 to index
    %get3A_115 = arith.constant 16 : index
    %get3A_116 = tpu.vector_load %arg12[%get3A_114, %get3A_115] {strides = array<i32>} : memref<2x64xi32, #tpu.memory_space<vmem>>, vector<1x16xi32>,
    %get3A_117 = vector.shape_cast %get3A_116 : vector<1x16xi32> to vector<16xi32>
    %sub3A_118 = arith.subi %get3A_112, %get3A_117 : vector<16xi32>
    %swap3A_119 = arith.constant 0 : i32
    %swap3A_120 = arith.index_cast %swap3A_119 : i32 to index
    %swap3A_121 = arith.constant 16 : index
    %swap3A_122 = tpu.vector_load %arg15[%swap3A_120, %swap3A_121] {strides = array<i32>} : memref<2x64xi32, #tpu.memory_space<vmem>>, vector<1x16xi32>,
    %swap3A_123 = vector.shape_cast %swap3A_122 : vector<1x16xi32> to vector<16xi32>
    %swap3A_124 = vector.shape_cast %sub3A_118 : vector<16xi32> to vector<1x16xi32>
    tpu.vector_store %arg15[%swap3A_120, %swap3A_121], %swap3A_124 {strides = array<i32>} : memref<2x64xi32, #tpu.memory_space<vmem>>, vector<1x16xi32>,
    %get3A_125 = arith.constant 0 : i32
    %get3A_126 = arith.index_cast %get3A_125 : i32 to index
    %get3A_127 = arith.constant 16 : index
    %get3A_128 = tpu.vector_load %arg13[%get3A_126, %get3A_127] {strides = array<i32>} : memref<2x64xi32, #tpu.memory_space<vmem>>, vector<1x16xi32>,
    %get3A_129 = vector.shape_cast %get3A_128 : vector<1x16xi32> to vector<16xi32>
    %get3A_130 = arith.constant 0 : i32
    %get3A_131 = arith.index_cast %get3A_130 : i32 to index
    %get3A_132 = arith.constant 16 : index
    %get3A_133 = tpu.vector_load %arg11[%get3A_131, %get3A_132] {strides = array<i32>} : memref<2x64xi32, #tpu.memory_space<vmem>>, vector<1x16xi32>,
    %get3A_134 = vector.shape_cast %get3A_133 : vector<1x16xi32> to vector<16xi32>
    %sub3A_135 = arith.subi %get3A_129, %get3A_134 : vector<16xi32>
    %swap3A_136 = arith.constant 0 : i32
    %swap3A_137 = arith.index_cast %swap3A_136 : i32 to index
    %swap3A_138 = arith.constant 16 : index
    %swap3A_139 = tpu.vector_load %arg16[%swap3A_137, %swap3A_138] {strides = array<i32>} : memref<2x64xi32, #tpu.memory_space<vmem>>, vector<1x16xi32>,
    %swap3A_140 = vector.shape_cast %swap3A_139 : vector<1x16xi32> to vector<16xi32>
    %swap3A_141 = vector.shape_cast %sub3A_135 : vector<16xi32> to vector<1x16xi32>
    tpu.vector_store %arg16[%swap3A_137, %swap3A_138], %swap3A_141 {strides = array<i32>} : memref<2x64xi32, #tpu.memory_space<vmem>>, vector<1x16xi32>,
    %get3A_142 = arith.constant 0 : i32
    %get3A_143 = arith.index_cast %get3A_142 : i32 to index
    %get3A_144 = arith.constant 32 : index
    %get3A_145 = tpu.vector_load %arg14[%get3A_143, %get3A_144] {strides = array<i32>} : memref<2x64xi32, #tpu.memory_space<vmem>>, vector<1x16xi32>,
    %get3A_146 = vector.shape_cast %get3A_145 : vector<1x16xi32> to vector<16xi32>
    %get3A_147 = arith.constant 0 : i32
    %get3A_148 = arith.index_cast %get3A_147 : i32 to index
    %get3A_149 = arith.constant 32 : index
    %get3A_150 = tpu.vector_load %arg12[%get3A_148, %get3A_149] {strides = array<i32>} : memref<2x64xi32, #tpu.memory_space<vmem>>, vector<1x16xi32>,
    %get3A_151 = vector.shape_cast %get3A_150 : vector<1x16xi32> to vector<16xi32>
    %sub3A_152 = arith.subi %get3A_146, %get3A_151 : vector<16xi32>
    %swap3A_153 = arith.constant 0 : i32
    %swap3A_154 = arith.index_cast %swap3A_153 : i32 to index
    %swap3A_155 = arith.constant 32 : index
    %swap3A_156 = tpu.vector_load %arg15[%swap3A_154, %swap3A_155] {strides = array<i32>} : memref<2x64xi32, #tpu.memory_space<vmem>>, vector<1x16xi32>,
    %swap3A_157 = vector.shape_cast %swap3A_156 : vector<1x16xi32> to vector<16xi32>
    %swap3A_158 = vector.shape_cast %sub3A_152 : vector<16xi32> to vector<1x16xi32>
    tpu.vector_store %arg15[%swap3A_154, %swap3A_155], %swap3A_158 {strides = array<i32>} : memref<2x64xi32, #tpu.memory_space<vmem>>, vector<1x16xi32>,
    %get3A_159 = arith.constant 0 : i32
    %get3A_160 = arith.index_cast %get3A_159 : i32 to index
    %get3A_161 = arith.constant 32 : index
    %get3A_162 = tpu.vector_load %arg13[%get3A_160, %get3A_161] {strides = array<i32>} : memref<2x64xi32, #tpu.memory_space<vmem>>, vector<1x16xi32>,
    %get3A_163 = vector.shape_cast %get3A_162 : vector<1x16xi32> to vector<16xi32>
    %get3A_164 = arith.constant 0 : i32
    %get3A_165 = arith.index_cast %get3A_164 : i32 to index
    %get3A_166 = arith.constant 32 : index
    %get3A_167 = tpu.vector_load %arg11[%get3A_165, %get3A_166] {strides = array<i32>} : memref<2x64xi32, #tpu.memory_space<vmem>>, vector<1x16xi32>,
    %get3A_168 = vector.shape_cast %get3A_167 : vector<1x16xi32> to vector<16xi32>
    %sub3A_169 = arith.subi %get3A_163, %get3A_168 : vector<16xi32>
    %swap3A_170 = arith.constant 0 : i32
    %swap3A_171 = arith.index_cast %swap3A_170 : i32 to index
    %swap3A_172 = arith.constant 32 : index
    %swap3A_173 = tpu.vector_load %arg16[%swap3A_171, %swap3A_172] {strides = array<i32>} : memref<2x64xi32, #tpu.memory_space<vmem>>, vector<1x16xi32>,
    %swap3A_174 = vector.shape_cast %swap3A_173 : vector<1x16xi32> to vector<16xi32>
    %swap3A_175 = vector.shape_cast %sub3A_169 : vector<16xi32> to vector<1x16xi32>
    tpu.vector_store %arg16[%swap3A_171, %swap3A_172], %swap3A_175 {strides = array<i32>} : memref<2x64xi32, #tpu.memory_space<vmem>>, vector<1x16xi32>,
    %get3A_176 = arith.constant 0 : i32
    %get3A_177 = arith.index_cast %get3A_176 : i32 to index
    %get3A_178 = arith.constant 48 : index
    %get3A_179 = tpu.vector_load %arg14[%get3A_177, %get3A_178] {strides = array<i32>} : memref<2x64xi32, #tpu.memory_space<vmem>>, vector<1x16xi32>,
    %get3A_180 = vector.shape_cast %get3A_179 : vector<1x16xi32> to vector<16xi32>
    %get3A_181 = arith.constant 0 : i32
    %get3A_182 = arith.index_cast %get3A_181 : i32 to index
    %get3A_183 = arith.constant 48 : index
    %get3A_184 = tpu.vector_load %arg12[%get3A_182, %get3A_183] {strides = array<i32>} : memref<2x64xi32, #tpu.memory_space<vmem>>, vector<1x16xi32>,
    %get3A_185 = vector.shape_cast %get3A_184 : vector<1x16xi32> to vector<16xi32>
    %sub3A_186 = arith.subi %get3A_180, %get3A_185 : vector<16xi32>
    %swap3A_187 = arith.constant 0 : i32
    %swap3A_188 = arith.index_cast %swap3A_187 : i32 to index
    %swap3A_189 = arith.constant 48 : index
    %swap3A_190 = tpu.vector_load %arg15[%swap3A_188, %swap3A_189] {strides = array<i32>} : memref<2x64xi32, #tpu.memory_space<vmem>>, vector<1x16xi32>,
    %swap3A_191 = vector.shape_cast %swap3A_190 : vector<1x16xi32> to vector<16xi32>
    %swap3A_192 = vector.shape_cast %sub3A_186 : vector<16xi32> to vector<1x16xi32>
    tpu.vector_store %arg15[%swap3A_188, %swap3A_189], %swap3A_192 {strides = array<i32>} : memref<2x64xi32, #tpu.memory_space<vmem>>, vector<1x16xi32>,
    %get3A_193 = arith.constant 0 : i32
    %get3A_194 = arith.index_cast %get3A_193 : i32 to index
    %get3A_195 = arith.constant 48 : index
    %get3A_196 = tpu.vector_load %arg13[%get3A_194, %get3A_195] {strides = array<i32>} : memref<2x64xi32, #tpu.memory_space<vmem>>, vector<1x16xi32>,
    %get3A_197 = vector.shape_cast %get3A_196 : vector<1x16xi32> to vector<16xi32>
    %get3A_198 = arith.constant 0 : i32
    %get3A_199 = arith.index_cast %get3A_198 : i32 to index
    %get3A_200 = arith.constant 48 : index
    %get3A_201 = tpu.vector_load %arg11[%get3A_199, %get3A_200] {strides = array<i32>} : memref<2x64xi32, #tpu.memory_space<vmem>>, vector<1x16xi32>,
    %get3A_202 = vector.shape_cast %get3A_201 : vector<1x16xi32> to vector<16xi32>
    %sub3A_203 = arith.subi %get3A_197, %get3A_202 : vector<16xi32>
    %swap3A_204 = arith.constant 0 : i32
    %swap3A_205 = arith.index_cast %swap3A_204 : i32 to index
    %swap3A_206 = arith.constant 48 : index
    %swap3A_207 = tpu.vector_load %arg16[%swap3A_205, %swap3A_206] {strides = array<i32>} : memref<2x64xi32, #tpu.memory_space<vmem>>, vector<1x16xi32>,
    %swap3A_208 = vector.shape_cast %swap3A_207 : vector<1x16xi32> to vector<16xi32>
    %swap3A_209 = vector.shape_cast %sub3A_203 : vector<16xi32> to vector<1x16xi32>
    tpu.vector_store %arg16[%swap3A_205, %swap3A_206], %swap3A_209 {strides = array<i32>} : memref<2x64xi32, #tpu.memory_space<vmem>>, vector<1x16xi32>,
    %dma_start3A_210 = arith.constant 0 : i32
    %dma_start3A_211 = arith.constant 0 : i32
    %dma_start3A_212 = arith.constant 0 : i32
    %dma_start3A_213 = arith.constant 0 : i32
    %dma_start3A_214 = tpu.memref_slice %arg17[%dma_start3A_211, %dma_start3A_212, %dma_start3A_213] : memref<2x64x128xf32, #tpu.memory_space<vmem>> -> memref<1x64x128xf32, #tpu.memory_space<vmem>>
    %dma_start3A_215 = tpu.memref_squeeze %dma_start3A_214 : memref<1x64x128xf32, #tpu.memory_space<vmem>> -> memref<64x128xf32, #tpu.memory_space<vmem>>
    %dma_start3A_216 = arith.constant 0 : i32
    %dma_start3A_217 = tpu.memref_slice %arg11[%dma_start3A_210, %dma_start3A_216] : memref<2x64xi32, #tpu.memory_space<vmem>> -> memref<1x64xi32, #tpu.memory_space<vmem>>
    %dma_start3A_218 = tpu.memref_squeeze %dma_start3A_217 : memref<1x64xi32, #tpu.memory_space<vmem>> -> memref<64xi32, #tpu.memory_space<vmem>>
    %dma_start3A_219 = arith.constant 0 : i32
    %dma_start3A_220 = arith.constant 0 : i32
    %dma_start3A_221 = tpu.memref_slice %arg6[%dma_start3A_219, %dma_start3A_220] : memref<1024x128xf32, #tpu.memory_space<hbm>> -> memref<1024x128xf32, #tpu.memory_space<hbm>>
    tpu.enqueue_indirect_dma source(%dma_start3A_221 : memref<1024x128xf32, #tpu.memory_space<hbm>>) target(%dma_start3A_215 : memref<64x128xf32, #tpu.memory_space<vmem>>) offsets(%dma_start3A_218 : memref<64xi32, #tpu.memory_space<vmem>>) semaphore(%arg24 : memref<!tpu.dma_semaphore, #tpu.memory_space<semaphore_mem>>)
    %dma_start3A_222 = arith.constant 0 : i32
    %dma_start3A_223 = arith.constant 0 : i32
    %dma_start3A_224 = arith.constant 0 : i32
    %dma_start3A_225 = arith.constant 0 : i32
    %dma_start3A_226 = tpu.memref_slice %arg18[%dma_start3A_223, %dma_start3A_224, %dma_start3A_225] : memref<2x64x128xf32, #tpu.memory_space<vmem>> -> memref<1x64x128xf32, #tpu.memory_space<vmem>>
    %dma_start3A_227 = tpu.memref_squeeze %dma_start3A_226 : memref<1x64x128xf32, #tpu.memory_space<vmem>> -> memref<64x128xf32, #tpu.memory_space<vmem>>
    %dma_start3A_228 = arith.constant 0 : i32
    %dma_start3A_229 = tpu.memref_slice %arg12[%dma_start3A_222, %dma_start3A_228] : memref<2x64xi32, #tpu.memory_space<vmem>> -> memref<1x64xi32, #tpu.memory_space<vmem>>
    %dma_start3A_230 = tpu.memref_squeeze %dma_start3A_229 : memref<1x64xi32, #tpu.memory_space<vmem>> -> memref<64xi32, #tpu.memory_space<vmem>>
    %dma_start3A_231 = arith.constant 0 : i32
    %dma_start3A_232 = arith.constant 0 : i32
    %dma_start3A_233 = tpu.memref_slice %arg7[%dma_start3A_231, %dma_start3A_232] : memref<1024x128xf32, #tpu.memory_space<hbm>> -> memref<1024x128xf32, #tpu.memory_space<hbm>>
    tpu.enqueue_indirect_dma source(%dma_start3A_233 : memref<1024x128xf32, #tpu.memory_space<hbm>>) target(%dma_start3A_227 : memref<64x128xf32, #tpu.memory_space<vmem>>) offsets(%dma_start3A_230 : memref<64xi32, #tpu.memory_space<vmem>>) semaphore(%arg25 : memref<!tpu.dma_semaphore, #tpu.memory_space<semaphore_mem>>)
    %dma_start3A_234 = arith.constant 0 : i32
    %dma_start3A_235 = arith.constant 0 : i32
    %dma_start3A_236 = arith.constant 0 : i32
    %dma_start3A_237 = arith.constant 0 : i32
    %dma_start3A_238 = tpu.memref_slice %arg19[%dma_start3A_235, %dma_start3A_236, %dma_start3A_237] : memref<2x64x128xf32, #tpu.memory_space<vmem>> -> memref<1x64x128xf32, #tpu.memory_space<vmem>>
    %dma_start3A_239 = tpu.memref_squeeze %dma_start3A_238 : memref<1x64x128xf32, #tpu.memory_space<vmem>> -> memref<64x128xf32, #tpu.memory_space<vmem>>
    %dma_start3A_240 = arith.constant 0 : i32
    %dma_start3A_241 = tpu.memref_slice %arg13[%dma_start3A_234, %dma_start3A_240] : memref<2x64xi32, #tpu.memory_space<vmem>> -> memref<1x64xi32, #tpu.memory_space<vmem>>
    %dma_start3A_242 = tpu.memref_squeeze %dma_start3A_241 : memref<1x64xi32, #tpu.memory_space<vmem>> -> memref<64xi32, #tpu.memory_space<vmem>>
    %dma_start3A_243 = arith.constant 0 : i32
    %dma_start3A_244 = arith.constant 0 : i32
    %dma_start3A_245 = tpu.memref_slice %arg6[%dma_start3A_243, %dma_start3A_244] : memref<1024x128xf32, #tpu.memory_space<hbm>> -> memref<1024x128xf32, #tpu.memory_space<hbm>>
    tpu.enqueue_indirect_dma source(%dma_start3A_245 : memref<1024x128xf32, #tpu.memory_space<hbm>>) target(%dma_start3A_239 : memref<64x128xf32, #tpu.memory_space<vmem>>) offsets(%dma_start3A_242 : memref<64xi32, #tpu.memory_space<vmem>>) semaphore(%arg26 : memref<!tpu.dma_semaphore, #tpu.memory_space<semaphore_mem>>)
    %dma_start3A_246 = arith.constant 0 : i32
    %dma_start3A_247 = arith.constant 0 : i32
    %dma_start3A_248 = arith.constant 0 : i32
    %dma_start3A_249 = arith.constant 0 : i32
    %dma_start3A_250 = tpu.memref_slice %arg20[%dma_start3A_247, %dma_start3A_248, %dma_start3A_249] : memref<2x64x128xf32, #tpu.memory_space<vmem>> -> memref<1x64x128xf32, #tpu.memory_space<vmem>>
    %dma_start3A_251 = tpu.memref_squeeze %dma_start3A_250 : memref<1x64x128xf32, #tpu.memory_space<vmem>> -> memref<64x128xf32, #tpu.memory_space<vmem>>
    %dma_start3A_252 = arith.constant 0 : i32
    %dma_start3A_253 = tpu.memref_slice %arg14[%dma_start3A_246, %dma_start3A_252] : memref<2x64xi32, #tpu.memory_space<vmem>> -> memref<1x64xi32, #tpu.memory_space<vmem>>
    %dma_start3A_254 = tpu.memref_squeeze %dma_start3A_253 : memref<1x64xi32, #tpu.memory_space<vmem>> -> memref<64xi32, #tpu.memory_space<vmem>>
    %dma_start3A_255 = arith.constant 0 : i32
    %dma_start3A_256 = arith.constant 0 : i32
    %dma_start3A_257 = tpu.memref_slice %arg7[%dma_start3A_255, %dma_start3A_256] : memref<1024x128xf32, #tpu.memory_space<hbm>> -> memref<1024x128xf32, #tpu.memory_space<hbm>>
    tpu.enqueue_indirect_dma source(%dma_start3A_257 : memref<1024x128xf32, #tpu.memory_space<hbm>>) target(%dma_start3A_251 : memref<64x128xf32, #tpu.memory_space<vmem>>) offsets(%dma_start3A_254 : memref<64xi32, #tpu.memory_space<vmem>>) semaphore(%arg27 : memref<!tpu.dma_semaphore, #tpu.memory_space<semaphore_mem>>)
    %dma_start3A_258 = arith.constant 0 : i32
    %dma_start3A_259 = arith.constant 0 : i32
    %dma_start3A_260 = arith.constant 0 : i32
    %dma_start3A_261 = arith.constant 0 : i32
    %dma_start3A_262 = tpu.memref_slice %arg21[%dma_start3A_259, %dma_start3A_260, %dma_start3A_261] : memref<2x64x128xf32, #tpu.memory_space<vmem>> -> memref<1x64x128xf32, #tpu.memory_space<vmem>>
    %dma_start3A_263 = tpu.memref_squeeze %dma_start3A_262 : memref<1x64x128xf32, #tpu.memory_space<vmem>> -> memref<64x128xf32, #tpu.memory_space<vmem>>
    %dma_start3A_264 = arith.constant 0 : i32
    %dma_start3A_265 = tpu.memref_slice %arg15[%dma_start3A_258, %dma_start3A_264] : memref<2x64xi32, #tpu.memory_space<vmem>> -> memref<1x64xi32, #tpu.memory_space<vmem>>
    %dma_start3A_266 = tpu.memref_squeeze %dma_start3A_265 : memref<1x64xi32, #tpu.memory_space<vmem>> -> memref<64xi32, #tpu.memory_space<vmem>>
    %dma_start3A_267 = arith.constant 0 : i32
    %dma_start3A_268 = arith.constant 0 : i32
    %dma_start3A_269 = tpu.memref_slice %arg8[%dma_start3A_267, %dma_start3A_268] : memref<1024x128xf32, #tpu.memory_space<hbm>> -> memref<1024x128xf32, #tpu.memory_space<hbm>>
    tpu.enqueue_indirect_dma source(%dma_start3A_269 : memref<1024x128xf32, #tpu.memory_space<hbm>>) target(%dma_start3A_263 : memref<64x128xf32, #tpu.memory_space<vmem>>) offsets(%dma_start3A_266 : memref<64xi32, #tpu.memory_space<vmem>>) semaphore(%arg28 : memref<!tpu.dma_semaphore, #tpu.memory_space<semaphore_mem>>)
    %dma_start3A_270 = arith.constant 0 : i32
    %dma_start3A_271 = arith.constant 0 : i32
    %dma_start3A_272 = arith.constant 0 : i32
    %dma_start3A_273 = arith.constant 0 : i32
    %dma_start3A_274 = tpu.memref_slice %arg22[%dma_start3A_271, %dma_start3A_272, %dma_start3A_273] : memref<2x64x128xf32, #tpu.memory_space<vmem>> -> memref<1x64x128xf32, #tpu.memory_space<vmem>>
    %dma_start3A_275 = tpu.memref_squeeze %dma_start3A_274 : memref<1x64x128xf32, #tpu.memory_space<vmem>> -> memref<64x128xf32, #tpu.memory_space<vmem>>
    %dma_start3A_276 = arith.constant 0 : i32
    %dma_start3A_277 = tpu.memref_slice %arg16[%dma_start3A_270, %dma_start3A_276] : memref<2x64xi32, #tpu.memory_space<vmem>> -> memref<1x64xi32, #tpu.memory_space<vmem>>
    %dma_start3A_278 = tpu.memref_squeeze %dma_start3A_277 : memref<1x64xi32, #tpu.memory_space<vmem>> -> memref<64xi32, #tpu.memory_space<vmem>>
    %dma_start3A_279 = arith.constant 0 : i32
    %dma_start3A_280 = arith.constant 0 : i32
    %dma_start3A_281 = tpu.memref_slice %arg9[%dma_start3A_279, %dma_start3A_280] : memref<1024x128xf32, #tpu.memory_space<hbm>> -> memref<1024x128xf32, #tpu.memory_space<hbm>>
    tpu.enqueue_indirect_dma source(%dma_start3A_281 : memref<1024x128xf32, #tpu.memory_space<hbm>>) target(%dma_start3A_275 : memref<64x128xf32, #tpu.memory_space<vmem>>) offsets(%dma_start3A_278 : memref<64xi32, #tpu.memory_space<vmem>>) semaphore(%arg29 : memref<!tpu.dma_semaphore, #tpu.memory_space<semaphore_mem>>)
    %add3A_282 = arith.constant 64 : i32
    %add3A_283 = arith.addi %mul3A_2, %add3A_282 : i32
    %dma_start3A_284 = arith.constant 1 : i32
    %dma_start3A_285 = arith.constant 0 : i32
    %dma_start3A_286 = tpu.memref_slice %arg11[%dma_start3A_284, %dma_start3A_285] : memref<2x64xi32, #tpu.memory_space<vmem>> -> memref<1x64xi32, #tpu.memory_space<vmem>>
    %dma_start3A_287 = tpu.memref_squeeze %dma_start3A_286 : memref<1x64xi32, #tpu.memory_space<vmem>> -> memref<64xi32, #tpu.memory_space<vmem>>
    %dma_start3A_288 = tpu.memref_slice %arg2[%add3A_283] : memref<8192xi32, #tpu.memory_space<hbm>> -> memref<64xi32, #tpu.memory_space<hbm>>
    %dma_start3A_289 = arith.constant 0 : i32
    %dma_start3A_290 = tpu.memref_slice %arg11[%dma_start3A_284, %dma_start3A_289] : memref<2x64xi32, #tpu.memory_space<vmem>> -> memref<1x64xi32, #tpu.memory_space<vmem>>
    %dma_start3A_291 = tpu.memref_squeeze %dma_start3A_290 : memref<1x64xi32, #tpu.memory_space<vmem>> -> memref<64xi32, #tpu.memory_space<vmem>>
    %dma_start3A_292 = tpu.memref_slice %arg2[%add3A_283] : memref<8192xi32, #tpu.memory_space<hbm>> -> memref<64xi32, #tpu.memory_space<hbm>>
    tpu.enqueue_dma source(%dma_start3A_292 : memref<64xi32, #tpu.memory_space<hbm>>) target(%dma_start3A_291 : memref<64xi32, #tpu.memory_space<vmem>>) target_semaphore(%arg23 : memref<!tpu.dma_semaphore, #tpu.memory_space<semaphore_mem>>)
    %dma_start3A_293 = arith.constant 1 : i32
    %dma_start3A_294 = arith.constant 0 : i32
    %dma_start3A_295 = tpu.memref_slice %arg12[%dma_start3A_293, %dma_start3A_294] : memref<2x64xi32, #tpu.memory_space<vmem>> -> memref<1x64xi32, #tpu.memory_space<vmem>>
    %dma_start3A_296 = tpu.memref_squeeze %dma_start3A_295 : memref<1x64xi32, #tpu.memory_space<vmem>> -> memref<64xi32, #tpu.memory_space<vmem>>
    %dma_start3A_297 = tpu.memref_slice %arg3[%add3A_283] : memref<8192xi32, #tpu.memory_space<hbm>> -> memref<64xi32, #tpu.memory_space<hbm>>
    %dma_start3A_298 = arith.constant 0 : i32
    %dma_start3A_299 = tpu.memref_slice %arg12[%dma_start3A_293, %dma_start3A_298] : memref<2x64xi32, #tpu.memory_space<vmem>> -> memref<1x64xi32, #tpu.memory_space<vmem>>
    %dma_start3A_300 = tpu.memref_squeeze %dma_start3A_299 : memref<1x64xi32, #tpu.memory_space<vmem>> -> memref<64xi32, #tpu.memory_space<vmem>>
    %dma_start3A_301 = tpu.memref_slice %arg3[%add3A_283] : memref<8192xi32, #tpu.memory_space<hbm>> -> memref<64xi32, #tpu.memory_space<hbm>>
    tpu.enqueue_dma source(%dma_start3A_301 : memref<64xi32, #tpu.memory_space<hbm>>) target(%dma_start3A_300 : memref<64xi32, #tpu.memory_space<vmem>>) target_semaphore(%arg23 : memref<!tpu.dma_semaphore, #tpu.memory_space<semaphore_mem>>)
    %dma_start3A_302 = arith.constant 1 : i32
    %dma_start3A_303 = arith.constant 0 : i32
    %dma_start3A_304 = tpu.memref_slice %arg13[%dma_start3A_302, %dma_start3A_303] : memref<2x64xi32, #tpu.memory_space<vmem>> -> memref<1x64xi32, #tpu.memory_space<vmem>>
    %dma_start3A_305 = tpu.memref_squeeze %dma_start3A_304 : memref<1x64xi32, #tpu.memory_space<vmem>> -> memref<64xi32, #tpu.memory_space<vmem>>
    %dma_start3A_306 = tpu.memref_slice %arg4[%add3A_283] : memref<8192xi32, #tpu.memory_space<hbm>> -> memref<64xi32, #tpu.memory_space<hbm>>
    %dma_start3A_307 = arith.constant 0 : i32
    %dma_start3A_308 = tpu.memref_slice %arg13[%dma_start3A_302, %dma_start3A_307] : memref<2x64xi32, #tpu.memory_space<vmem>> -> memref<1x64xi32, #tpu.memory_space<vmem>>
    %dma_start3A_309 = tpu.memref_squeeze %dma_start3A_308 : memref<1x64xi32, #tpu.memory_space<vmem>> -> memref<64xi32, #tpu.memory_space<vmem>>
    %dma_start3A_310 = tpu.memref_slice %arg4[%add3A_283] : memref<8192xi32, #tpu.memory_space<hbm>> -> memref<64xi32, #tpu.memory_space<hbm>>
    tpu.enqueue_dma source(%dma_start3A_310 : memref<64xi32, #tpu.memory_space<hbm>>) target(%dma_start3A_309 : memref<64xi32, #tpu.memory_space<vmem>>) target_semaphore(%arg23 : memref<!tpu.dma_semaphore, #tpu.memory_space<semaphore_mem>>)
    %dma_start3A_311 = arith.constant 1 : i32
    %dma_start3A_312 = arith.constant 0 : i32
    %dma_start3A_313 = tpu.memref_slice %arg14[%dma_start3A_311, %dma_start3A_312] : memref<2x64xi32, #tpu.memory_space<vmem>> -> memref<1x64xi32, #tpu.memory_space<vmem>>
    %dma_start3A_314 = tpu.memref_squeeze %dma_start3A_313 : memref<1x64xi32, #tpu.memory_space<vmem>> -> memref<64xi32, #tpu.memory_space<vmem>>
    %dma_start3A_315 = tpu.memref_slice %arg5[%add3A_283] : memref<8192xi32, #tpu.memory_space<hbm>> -> memref<64xi32, #tpu.memory_space<hbm>>
    %dma_start3A_316 = arith.constant 0 : i32
    %dma_start3A_317 = tpu.memref_slice %arg14[%dma_start3A_311, %dma_start3A_316] : memref<2x64xi32, #tpu.memory_space<vmem>> -> memref<1x64xi32, #tpu.memory_space<vmem>>
    %dma_start3A_318 = tpu.memref_squeeze %dma_start3A_317 : memref<1x64xi32, #tpu.memory_space<vmem>> -> memref<64xi32, #tpu.memory_space<vmem>>
    %dma_start3A_319 = tpu.memref_slice %arg5[%add3A_283] : memref<8192xi32, #tpu.memory_space<hbm>> -> memref<64xi32, #tpu.memory_space<hbm>>
    tpu.enqueue_dma source(%dma_start3A_319 : memref<64xi32, #tpu.memory_space<hbm>>) target(%dma_start3A_318 : memref<64xi32, #tpu.memory_space<vmem>>) target_semaphore(%arg23 : memref<!tpu.dma_semaphore, #tpu.memory_space<semaphore_mem>>)
    %dma_wait3A_320 = arith.constant 0 : i32
    %dma_wait3A_321 = arith.constant 0 : i32
    %dma_wait3A_322 = arith.constant 0 : i32
    %dma_wait3A_323 = arith.constant 0 : i32
    %dma_wait3A_324 = tpu.memref_slice %arg17[%dma_wait3A_321, %dma_wait3A_322, %dma_wait3A_323] : memref<2x64x128xf32, #tpu.memory_space<vmem>> -> memref<1x64x128xf32, #tpu.memory_space<vmem>>
    %dma_wait3A_325 = tpu.memref_squeeze %dma_wait3A_324 : memref<1x64x128xf32, #tpu.memory_space<vmem>> -> memref<64x128xf32, #tpu.memory_space<vmem>>
    %dma_wait3A_326 = arith.constant 0 : i32
    %dma_wait3A_327 = tpu.memref_slice %arg11[%dma_wait3A_320, %dma_wait3A_326] : memref<2x64xi32, #tpu.memory_space<vmem>> -> memref<1x64xi32, #tpu.memory_space<vmem>>
    %dma_wait3A_328 = tpu.memref_squeeze %dma_wait3A_327 : memref<1x64xi32, #tpu.memory_space<vmem>> -> memref<64xi32, #tpu.memory_space<vmem>>
    %dma_wait3A_329 = arith.constant 0 : i32
    %dma_wait3A_330 = arith.constant 0 : i32
    %dma_wait3A_331 = tpu.memref_slice %arg6[%dma_wait3A_329, %dma_wait3A_330] : memref<1024x128xf32, #tpu.memory_space<hbm>> -> memref<1024x128xf32, #tpu.memory_space<hbm>>
    tpu.wait_indirect_dma semaphore(%arg24 : memref<!tpu.dma_semaphore, #tpu.memory_space<semaphore_mem>>) src(%dma_wait3A_331 : memref<1024x128xf32, #tpu.memory_space<hbm>>) dst(%dma_wait3A_325 : memref<64x128xf32, #tpu.memory_space<vmem>>)
    %dma_start3A_332 = arith.constant 0 : i32
    %dma_start3A_333 = arith.constant 0 : i32
    %dma_start3A_334 = arith.constant 0 : i32
    %dma_start3A_335 = tpu.memref_slice %arg17[%dma_start3A_332, %dma_start3A_333, %dma_start3A_334] : memref<2x64x128xf32, #tpu.memory_space<vmem>> -> memref<1x64x128xf32, #tpu.memory_space<vmem>>
    %dma_start3A_336 = tpu.memref_squeeze %dma_start3A_335 : memref<1x64x128xf32, #tpu.memory_space<vmem>> -> memref<64x128xf32, #tpu.memory_space<vmem>>
    %dma_start3A_337 = arith.constant 0 : i32
    %dma_start3A_338 = tpu.memref_slice %arg10[%add3A_41, %dma_start3A_337] : memref<8192x768xf32, #tpu.memory_space<hbm>> -> memref<64x128xf32, #tpu.memory_space<hbm>>
    %dma_start3A_339 = arith.constant 0 : i32
    %dma_start3A_340 = tpu.memref_slice %arg10[%add3A_41, %dma_start3A_339] : memref<8192x768xf32, #tpu.memory_space<hbm>> -> memref<64x128xf32, #tpu.memory_space<hbm>>
    %dma_start3A_341 = arith.constant 0 : i32
    %dma_start3A_342 = arith.constant 0 : i32
    %dma_start3A_343 = tpu.memref_slice %arg17[%dma_start3A_332, %dma_start3A_341, %dma_start3A_342] : memref<2x64x128xf32, #tpu.memory_space<vmem>> -> memref<1x64x128xf32, #tpu.memory_space<vmem>>
    %dma_start3A_344 = tpu.memref_squeeze %dma_start3A_343 : memref<1x64x128xf32, #tpu.memory_space<vmem>> -> memref<64x128xf32, #tpu.memory_space<vmem>>
    tpu.enqueue_dma source(%dma_start3A_344 : memref<64x128xf32, #tpu.memory_space<vmem>>) target(%dma_start3A_340 : memref<64x128xf32, #tpu.memory_space<hbm>>) target_semaphore(%arg30 : memref<!tpu.dma_semaphore, #tpu.memory_space<semaphore_mem>>)
    %dma_wait3A_345 = arith.constant 0 : i32
    %dma_wait3A_346 = arith.constant 0 : i32
    %dma_wait3A_347 = arith.constant 0 : i32
    %dma_wait3A_348 = arith.constant 0 : i32
    %dma_wait3A_349 = tpu.memref_slice %arg18[%dma_wait3A_346, %dma_wait3A_347, %dma_wait3A_348] : memref<2x64x128xf32, #tpu.memory_space<vmem>> -> memref<1x64x128xf32, #tpu.memory_space<vmem>>
    %dma_wait3A_350 = tpu.memref_squeeze %dma_wait3A_349 : memref<1x64x128xf32, #tpu.memory_space<vmem>> -> memref<64x128xf32, #tpu.memory_space<vmem>>
    %dma_wait3A_351 = arith.constant 0 : i32
    %dma_wait3A_352 = tpu.memref_slice %arg12[%dma_wait3A_345, %dma_wait3A_351] : memref<2x64xi32, #tpu.memory_space<vmem>> -> memref<1x64xi32, #tpu.memory_space<vmem>>
    %dma_wait3A_353 = tpu.memref_squeeze %dma_wait3A_352 : memref<1x64xi32, #tpu.memory_space<vmem>> -> memref<64xi32, #tpu.memory_space<vmem>>
    %dma_wait3A_354 = arith.constant 0 : i32
    %dma_wait3A_355 = arith.constant 0 : i32
    %dma_wait3A_356 = tpu.memref_slice %arg7[%dma_wait3A_354, %dma_wait3A_355] : memref<1024x128xf32, #tpu.memory_space<hbm>> -> memref<1024x128xf32, #tpu.memory_space<hbm>>
    tpu.wait_indirect_dma semaphore(%arg25 : memref<!tpu.dma_semaphore, #tpu.memory_space<semaphore_mem>>) src(%dma_wait3A_356 : memref<1024x128xf32, #tpu.memory_space<hbm>>) dst(%dma_wait3A_350 : memref<64x128xf32, #tpu.memory_space<vmem>>)
    %dma_start3A_357 = arith.constant 0 : i32
    %dma_start3A_358 = arith.constant 0 : i32
    %dma_start3A_359 = arith.constant 0 : i32
    %dma_start3A_360 = tpu.memref_slice %arg18[%dma_start3A_357, %dma_start3A_358, %dma_start3A_359] : memref<2x64x128xf32, #tpu.memory_space<vmem>> -> memref<1x64x128xf32, #tpu.memory_space<vmem>>
    %dma_start3A_361 = tpu.memref_squeeze %dma_start3A_360 : memref<1x64x128xf32, #tpu.memory_space<vmem>> -> memref<64x128xf32, #tpu.memory_space<vmem>>
    %dma_start3A_362 = arith.constant 128 : i32
    %dma_start3A_363 = tpu.memref_slice %arg10[%add3A_41, %dma_start3A_362] : memref<8192x768xf32, #tpu.memory_space<hbm>> -> memref<64x128xf32, #tpu.memory_space<hbm>>
    %dma_start3A_364 = arith.constant 128 : i32
    %dma_start3A_365 = tpu.memref_slice %arg10[%add3A_41, %dma_start3A_364] : memref<8192x768xf32, #tpu.memory_space<hbm>> -> memref<64x128xf32, #tpu.memory_space<hbm>>
    %dma_start3A_366 = arith.constant 0 : i32
    %dma_start3A_367 = arith.constant 0 : i32
    %dma_start3A_368 = tpu.memref_slice %arg18[%dma_start3A_357, %dma_start3A_366, %dma_start3A_367] : memref<2x64x128xf32, #tpu.memory_space<vmem>> -> memref<1x64x128xf32, #tpu.memory_space<vmem>>
    %dma_start3A_369 = tpu.memref_squeeze %dma_start3A_368 : memref<1x64x128xf32, #tpu.memory_space<vmem>> -> memref<64x128xf32, #tpu.memory_space<vmem>>
    tpu.enqueue_dma source(%dma_start3A_369 : memref<64x128xf32, #tpu.memory_space<vmem>>) target(%dma_start3A_365 : memref<64x128xf32, #tpu.memory_space<hbm>>) target_semaphore(%arg31 : memref<!tpu.dma_semaphore, #tpu.memory_space<semaphore_mem>>)
    %dma_wait3A_370 = arith.constant 0 : i32
    %dma_wait3A_371 = arith.constant 0 : i32
    %dma_wait3A_372 = arith.constant 0 : i32
    %dma_wait3A_373 = arith.constant 0 : i32
    %dma_wait3A_374 = tpu.memref_slice %arg19[%dma_wait3A_371, %dma_wait3A_372, %dma_wait3A_373] : memref<2x64x128xf32, #tpu.memory_space<vmem>> -> memref<1x64x128xf32, #tpu.memory_space<vmem>>
    %dma_wait3A_375 = tpu.memref_squeeze %dma_wait3A_374 : memref<1x64x128xf32, #tpu.memory_space<vmem>> -> memref<64x128xf32, #tpu.memory_space<vmem>>
    %dma_wait3A_376 = arith.constant 0 : i32
    %dma_wait3A_377 = tpu.memref_slice %arg13[%dma_wait3A_370, %dma_wait3A_376] : memref<2x64xi32, #tpu.memory_space<vmem>> -> memref<1x64xi32, #tpu.memory_space<vmem>>
    %dma_wait3A_378 = tpu.memref_squeeze %dma_wait3A_377 : memref<1x64xi32, #tpu.memory_space<vmem>> -> memref<64xi32, #tpu.memory_space<vmem>>
    %dma_wait3A_379 = arith.constant 0 : i32
    %dma_wait3A_380 = arith.constant 0 : i32
    %dma_wait3A_381 = tpu.memref_slice %arg6[%dma_wait3A_379, %dma_wait3A_380] : memref<1024x128xf32, #tpu.memory_space<hbm>> -> memref<1024x128xf32, #tpu.memory_space<hbm>>
    tpu.wait_indirect_dma semaphore(%arg26 : memref<!tpu.dma_semaphore, #tpu.memory_space<semaphore_mem>>) src(%dma_wait3A_381 : memref<1024x128xf32, #tpu.memory_space<hbm>>) dst(%dma_wait3A_375 : memref<64x128xf32, #tpu.memory_space<vmem>>)
    %dma_start3A_382 = arith.constant 0 : i32
    %dma_start3A_383 = arith.constant 0 : i32
    %dma_start3A_384 = arith.constant 0 : i32
    %dma_start3A_385 = tpu.memref_slice %arg19[%dma_start3A_382, %dma_start3A_383, %dma_start3A_384] : memref<2x64x128xf32, #tpu.memory_space<vmem>> -> memref<1x64x128xf32, #tpu.memory_space<vmem>>
    %dma_start3A_386 = tpu.memref_squeeze %dma_start3A_385 : memref<1x64x128xf32, #tpu.memory_space<vmem>> -> memref<64x128xf32, #tpu.memory_space<vmem>>
    %dma_start3A_387 = arith.constant 256 : i32
    %dma_start3A_388 = tpu.memref_slice %arg10[%add3A_41, %dma_start3A_387] : memref<8192x768xf32, #tpu.memory_space<hbm>> -> memref<64x128xf32, #tpu.memory_space<hbm>>
    %dma_start3A_389 = arith.constant 256 : i32
    %dma_start3A_390 = tpu.memref_slice %arg10[%add3A_41, %dma_start3A_389] : memref<8192x768xf32, #tpu.memory_space<hbm>> -> memref<64x128xf32, #tpu.memory_space<hbm>>
    %dma_start3A_391 = arith.constant 0 : i32
    %dma_start3A_392 = arith.constant 0 : i32
    %dma_start3A_393 = tpu.memref_slice %arg19[%dma_start3A_382, %dma_start3A_391, %dma_start3A_392] : memref<2x64x128xf32, #tpu.memory_space<vmem>> -> memref<1x64x128xf32, #tpu.memory_space<vmem>>
    %dma_start3A_394 = tpu.memref_squeeze %dma_start3A_393 : memref<1x64x128xf32, #tpu.memory_space<vmem>> -> memref<64x128xf32, #tpu.memory_space<vmem>>
    tpu.enqueue_dma source(%dma_start3A_394 : memref<64x128xf32, #tpu.memory_space<vmem>>) target(%dma_start3A_390 : memref<64x128xf32, #tpu.memory_space<hbm>>) target_semaphore(%arg32 : memref<!tpu.dma_semaphore, #tpu.memory_space<semaphore_mem>>)
    %dma_wait3A_395 = arith.constant 0 : i32
    %dma_wait3A_396 = arith.constant 0 : i32
    %dma_wait3A_397 = arith.constant 0 : i32
    %dma_wait3A_398 = arith.constant 0 : i32
    %dma_wait3A_399 = tpu.memref_slice %arg20[%dma_wait3A_396, %dma_wait3A_397, %dma_wait3A_398] : memref<2x64x128xf32, #tpu.memory_space<vmem>> -> memref<1x64x128xf32, #tpu.memory_space<vmem>>
    %dma_wait3A_400 = tpu.memref_squeeze %dma_wait3A_399 : memref<1x64x128xf32, #tpu.memory_space<vmem>> -> memref<64x128xf32, #tpu.memory_space<vmem>>
    %dma_wait3A_401 = arith.constant 0 : i32
    %dma_wait3A_402 = tpu.memref_slice %arg14[%dma_wait3A_395, %dma_wait3A_401] : memref<2x64xi32, #tpu.memory_space<vmem>> -> memref<1x64xi32, #tpu.memory_space<vmem>>
    %dma_wait3A_403 = tpu.memref_squeeze %dma_wait3A_402 : memref<1x64xi32, #tpu.memory_space<vmem>> -> memref<64xi32, #tpu.memory_space<vmem>>
    %dma_wait3A_404 = arith.constant 0 : i32
    %dma_wait3A_405 = arith.constant 0 : i32
    %dma_wait3A_406 = tpu.memref_slice %arg7[%dma_wait3A_404, %dma_wait3A_405] : memref<1024x128xf32, #tpu.memory_space<hbm>> -> memref<1024x128xf32, #tpu.memory_space<hbm>>
    tpu.wait_indirect_dma semaphore(%arg27 : memref<!tpu.dma_semaphore, #tpu.memory_space<semaphore_mem>>) src(%dma_wait3A_406 : memref<1024x128xf32, #tpu.memory_space<hbm>>) dst(%dma_wait3A_400 : memref<64x128xf32, #tpu.memory_space<vmem>>)
    %dma_start3A_407 = arith.constant 0 : i32
    %dma_start3A_408 = arith.constant 0 : i32
    %dma_start3A_409 = arith.constant 0 : i32
    %dma_start3A_410 = tpu.memref_slice %arg20[%dma_start3A_407, %dma_start3A_408, %dma_start3A_409] : memref<2x64x128xf32, #tpu.memory_space<vmem>> -> memref<1x64x128xf32, #tpu.memory_space<vmem>>
    %dma_start3A_411 = tpu.memref_squeeze %dma_start3A_410 : memref<1x64x128xf32, #tpu.memory_space<vmem>> -> memref<64x128xf32, #tpu.memory_space<vmem>>
    %dma_start3A_412 = arith.constant 384 : i32
    %dma_start3A_413 = tpu.memref_slice %arg10[%add3A_41, %dma_start3A_412] : memref<8192x768xf32, #tpu.memory_space<hbm>> -> memref<64x128xf32, #tpu.memory_space<hbm>>
    %dma_start3A_414 = arith.constant 384 : i32
    %dma_start3A_415 = tpu.memref_slice %arg10[%add3A_41, %dma_start3A_414] : memref<8192x768xf32, #tpu.memory_space<hbm>> -> memref<64x128xf32, #tpu.memory_space<hbm>>
    %dma_start3A_416 = arith.constant 0 : i32
    %dma_start3A_417 = arith.constant 0 : i32
    %dma_start3A_418 = tpu.memref_slice %arg20[%dma_start3A_407, %dma_start3A_416, %dma_start3A_417] : memref<2x64x128xf32, #tpu.memory_space<vmem>> -> memref<1x64x128xf32, #tpu.memory_space<vmem>>
    %dma_start3A_419 = tpu.memref_squeeze %dma_start3A_418 : memref<1x64x128xf32, #tpu.memory_space<vmem>> -> memref<64x128xf32, #tpu.memory_space<vmem>>
    tpu.enqueue_dma source(%dma_start3A_419 : memref<64x128xf32, #tpu.memory_space<vmem>>) target(%dma_start3A_415 : memref<64x128xf32, #tpu.memory_space<hbm>>) target_semaphore(%arg33 : memref<!tpu.dma_semaphore, #tpu.memory_space<semaphore_mem>>)
    %dma_wait3A_420 = arith.constant 0 : i32
    %dma_wait3A_421 = arith.constant 0 : i32
    %dma_wait3A_422 = arith.constant 0 : i32
    %dma_wait3A_423 = arith.constant 0 : i32
    %dma_wait3A_424 = tpu.memref_slice %arg21[%dma_wait3A_421, %dma_wait3A_422, %dma_wait3A_423] : memref<2x64x128xf32, #tpu.memory_space<vmem>> -> memref<1x64x128xf32, #tpu.memory_space<vmem>>
    %dma_wait3A_425 = tpu.memref_squeeze %dma_wait3A_424 : memref<1x64x128xf32, #tpu.memory_space<vmem>> -> memref<64x128xf32, #tpu.memory_space<vmem>>
    %dma_wait3A_426 = arith.constant 0 : i32
    %dma_wait3A_427 = tpu.memref_slice %arg15[%dma_wait3A_420, %dma_wait3A_426] : memref<2x64xi32, #tpu.memory_space<vmem>> -> memref<1x64xi32, #tpu.memory_space<vmem>>
    %dma_wait3A_428 = tpu.memref_squeeze %dma_wait3A_427 : memref<1x64xi32, #tpu.memory_space<vmem>> -> memref<64xi32, #tpu.memory_space<vmem>>
    %dma_wait3A_429 = arith.constant 0 : i32
    %dma_wait3A_430 = arith.constant 0 : i32
    %dma_wait3A_431 = tpu.memref_slice %arg8[%dma_wait3A_429, %dma_wait3A_430] : memref<1024x128xf32, #tpu.memory_space<hbm>> -> memref<1024x128xf32, #tpu.memory_space<hbm>>
    tpu.wait_indirect_dma semaphore(%arg28 : memref<!tpu.dma_semaphore, #tpu.memory_space<semaphore_mem>>) src(%dma_wait3A_431 : memref<1024x128xf32, #tpu.memory_space<hbm>>) dst(%dma_wait3A_425 : memref<64x128xf32, #tpu.memory_space<vmem>>)
    %dma_start3A_432 = arith.constant 0 : i32
    %dma_start3A_433 = arith.constant 0 : i32
    %dma_start3A_434 = arith.constant 0 : i32
    %dma_start3A_435 = tpu.memref_slice %arg21[%dma_start3A_432, %dma_start3A_433, %dma_start3A_434] : memref<2x64x128xf32, #tpu.memory_space<vmem>> -> memref<1x64x128xf32, #tpu.memory_space<vmem>>
    %dma_start3A_436 = tpu.memref_squeeze %dma_start3A_435 : memref<1x64x128xf32, #tpu.memory_space<vmem>> -> memref<64x128xf32, #tpu.memory_space<vmem>>
    %dma_start3A_437 = arith.constant 512 : i32
    %dma_start3A_438 = tpu.memref_slice %arg10[%add3A_41, %dma_start3A_437] : memref<8192x768xf32, #tpu.memory_space<hbm>> -> memref<64x128xf32, #tpu.memory_space<hbm>>
    %dma_start3A_439 = arith.constant 512 : i32
    %dma_start3A_440 = tpu.memref_slice %arg10[%add3A_41, %dma_start3A_439] : memref<8192x768xf32, #tpu.memory_space<hbm>> -> memref<64x128xf32, #tpu.memory_space<hbm>>
    %dma_start3A_441 = arith.constant 0 : i32
    %dma_start3A_442 = arith.constant 0 : i32
    %dma_start3A_443 = tpu.memref_slice %arg21[%dma_start3A_432, %dma_start3A_441, %dma_start3A_442] : memref<2x64x128xf32, #tpu.memory_space<vmem>> -> memref<1x64x128xf32, #tpu.memory_space<vmem>>
    %dma_start3A_444 = tpu.memref_squeeze %dma_start3A_443 : memref<1x64x128xf32, #tpu.memory_space<vmem>> -> memref<64x128xf32, #tpu.memory_space<vmem>>
    tpu.enqueue_dma source(%dma_start3A_444 : memref<64x128xf32, #tpu.memory_space<vmem>>) target(%dma_start3A_440 : memref<64x128xf32, #tpu.memory_space<hbm>>) target_semaphore(%arg34 : memref<!tpu.dma_semaphore, #tpu.memory_space<semaphore_mem>>)
    %dma_wait3A_445 = arith.constant 0 : i32
    %dma_wait3A_446 = arith.constant 0 : i32
    %dma_wait3A_447 = arith.constant 0 : i32
    %dma_wait3A_448 = arith.constant 0 : i32
    %dma_wait3A_449 = tpu.memref_slice %arg22[%dma_wait3A_446, %dma_wait3A_447, %dma_wait3A_448] : memref<2x64x128xf32, #tpu.memory_space<vmem>> -> memref<1x64x128xf32, #tpu.memory_space<vmem>>
    %dma_wait3A_450 = tpu.memref_squeeze %dma_wait3A_449 : memref<1x64x128xf32, #tpu.memory_space<vmem>> -> memref<64x128xf32, #tpu.memory_space<vmem>>
    %dma_wait3A_451 = arith.constant 0 : i32
    %dma_wait3A_452 = tpu.memref_slice %arg16[%dma_wait3A_445, %dma_wait3A_451] : memref<2x64xi32, #tpu.memory_space<vmem>> -> memref<1x64xi32, #tpu.memory_space<vmem>>
    %dma_wait3A_453 = tpu.memref_squeeze %dma_wait3A_452 : memref<1x64xi32, #tpu.memory_space<vmem>> -> memref<64xi32, #tpu.memory_space<vmem>>
    %dma_wait3A_454 = arith.constant 0 : i32
    %dma_wait3A_455 = arith.constant 0 : i32
    %dma_wait3A_456 = tpu.memref_slice %arg9[%dma_wait3A_454, %dma_wait3A_455] : memref<1024x128xf32, #tpu.memory_space<hbm>> -> memref<1024x128xf32, #tpu.memory_space<hbm>>
    tpu.wait_indirect_dma semaphore(%arg29 : memref<!tpu.dma_semaphore, #tpu.memory_space<semaphore_mem>>) src(%dma_wait3A_456 : memref<1024x128xf32, #tpu.memory_space<hbm>>) dst(%dma_wait3A_450 : memref<64x128xf32, #tpu.memory_space<vmem>>)
    %dma_start3A_457 = arith.constant 0 : i32
    %dma_start3A_458 = arith.constant 0 : i32
    %dma_start3A_459 = arith.constant 0 : i32
    %dma_start3A_460 = tpu.memref_slice %arg22[%dma_start3A_457, %dma_start3A_458, %dma_start3A_459] : memref<2x64x128xf32, #tpu.memory_space<vmem>> -> memref<1x64x128xf32, #tpu.memory_space<vmem>>
    %dma_start3A_461 = tpu.memref_squeeze %dma_start3A_460 : memref<1x64x128xf32, #tpu.memory_space<vmem>> -> memref<64x128xf32, #tpu.memory_space<vmem>>
    %dma_start3A_462 = arith.constant 640 : i32
    %dma_start3A_463 = tpu.memref_slice %arg10[%add3A_41, %dma_start3A_462] : memref<8192x768xf32, #tpu.memory_space<hbm>> -> memref<64x128xf32, #tpu.memory_space<hbm>>
    %dma_start3A_464 = arith.constant 640 : i32
    %dma_start3A_465 = tpu.memref_slice %arg10[%add3A_41, %dma_start3A_464] : memref<8192x768xf32, #tpu.memory_space<hbm>> -> memref<64x128xf32, #tpu.memory_space<hbm>>
    %dma_start3A_466 = arith.constant 0 : i32
    %dma_start3A_467 = arith.constant 0 : i32
    %dma_start3A_468 = tpu.memref_slice %arg22[%dma_start3A_457, %dma_start3A_466, %dma_start3A_467] : memref<2x64x128xf32, #tpu.memory_space<vmem>> -> memref<1x64x128xf32, #tpu.memory_space<vmem>>
    %dma_start3A_469 = tpu.memref_squeeze %dma_start3A_468 : memref<1x64x128xf32, #tpu.memory_space<vmem>> -> memref<64x128xf32, #tpu.memory_space<vmem>>
    tpu.enqueue_dma source(%dma_start3A_469 : memref<64x128xf32, #tpu.memory_space<vmem>>) target(%dma_start3A_465 : memref<64x128xf32, #tpu.memory_space<hbm>>) target_semaphore(%arg35 : memref<!tpu.dma_semaphore, #tpu.memory_space<semaphore_mem>>)
    %add3A_470 = arith.constant 64 : i32
    %add3A_471 = arith.addi %mul3A_2, %add3A_470 : i32
    %dma_wait3A_472 = arith.constant 1 : i32
    %dma_wait3A_473 = arith.constant 0 : i32
    %dma_wait3A_474 = tpu.memref_slice %arg11[%dma_wait3A_472, %dma_wait3A_473] : memref<2x64xi32, #tpu.memory_space<vmem>> -> memref<1x64xi32, #tpu.memory_space<vmem>>
    %dma_wait3A_475 = tpu.memref_squeeze %dma_wait3A_474 : memref<1x64xi32, #tpu.memory_space<vmem>> -> memref<64xi32, #tpu.memory_space<vmem>>
    %dma_wait3A_476 = tpu.memref_slice %arg2[%add3A_283] : memref<8192xi32, #tpu.memory_space<hbm>> -> memref<64xi32, #tpu.memory_space<hbm>>
    %dma_wait3A_477 = arith.constant 0 : i32
    %dma_wait3A_478 = tpu.memref_slice %arg11[%dma_wait3A_472, %dma_wait3A_477] : memref<2x64xi32, #tpu.memory_space<vmem>> -> memref<1x64xi32, #tpu.memory_space<vmem>>
    %dma_wait3A_479 = tpu.memref_squeeze %dma_wait3A_478 : memref<1x64xi32, #tpu.memory_space<vmem>> -> memref<64xi32, #tpu.memory_space<vmem>>
    %dma_wait3A_480 = tpu.memref_slice %arg2[%add3A_283] : memref<8192xi32, #tpu.memory_space<hbm>> -> memref<64xi32, #tpu.memory_space<hbm>>
    tpu.wait_dma2 semaphore(%arg23 : memref<!tpu.dma_semaphore, #tpu.memory_space<semaphore_mem>>) src(%dma_wait3A_480 : memref<64xi32, #tpu.memory_space<hbm>>) dst(%dma_wait3A_479 : memref<64xi32, #tpu.memory_space<vmem>>)
    %dma_wait3A_481 = arith.constant 1 : i32
    %dma_wait3A_482 = arith.constant 0 : i32
    %dma_wait3A_483 = tpu.memref_slice %arg12[%dma_wait3A_481, %dma_wait3A_482] : memref<2x64xi32, #tpu.memory_space<vmem>> -> memref<1x64xi32, #tpu.memory_space<vmem>>
    %dma_wait3A_484 = tpu.memref_squeeze %dma_wait3A_483 : memref<1x64xi32, #tpu.memory_space<vmem>> -> memref<64xi32, #tpu.memory_space<vmem>>
    %dma_wait3A_485 = tpu.memref_slice %arg3[%add3A_283] : memref<8192xi32, #tpu.memory_space<hbm>> -> memref<64xi32, #tpu.memory_space<hbm>>
    %dma_wait3A_486 = arith.constant 0 : i32
    %dma_wait3A_487 = tpu.memref_slice %arg12[%dma_wait3A_481, %dma_wait3A_486] : memref<2x64xi32, #tpu.memory_space<vmem>> -> memref<1x64xi32, #tpu.memory_space<vmem>>
    %dma_wait3A_488 = tpu.memref_squeeze %dma_wait3A_487 : memref<1x64xi32, #tpu.memory_space<vmem>> -> memref<64xi32, #tpu.memory_space<vmem>>
    %dma_wait3A_489 = tpu.memref_slice %arg3[%add3A_283] : memref<8192xi32, #tpu.memory_space<hbm>> -> memref<64xi32, #tpu.memory_space<hbm>>
    tpu.wait_dma2 semaphore(%arg23 : memref<!tpu.dma_semaphore, #tpu.memory_space<semaphore_mem>>) src(%dma_wait3A_489 : memref<64xi32, #tpu.memory_space<hbm>>) dst(%dma_wait3A_488 : memref<64xi32, #tpu.memory_space<vmem>>)
    %dma_wait3A_490 = arith.constant 1 : i32
    %dma_wait3A_491 = arith.constant 0 : i32
    %dma_wait3A_492 = tpu.memref_slice %arg13[%dma_wait3A_490, %dma_wait3A_491] : memref<2x64xi32, #tpu.memory_space<vmem>> -> memref<1x64xi32, #tpu.memory_space<vmem>>
    %dma_wait3A_493 = tpu.memref_squeeze %dma_wait3A_492 : memref<1x64xi32, #tpu.memory_space<vmem>> -> memref<64xi32, #tpu.memory_space<vmem>>
    %dma_wait3A_494 = tpu.memref_slice %arg4[%add3A_283] : memref<8192xi32, #tpu.memory_space<hbm>> -> memref<64xi32, #tpu.memory_space<hbm>>
    %dma_wait3A_495 = arith.constant 0 : i32
    %dma_wait3A_496 = tpu.memref_slice %arg13[%dma_wait3A_490, %dma_wait3A_495] : memref<2x64xi32, #tpu.memory_space<vmem>> -> memref<1x64xi32, #tpu.memory_space<vmem>>
    %dma_wait3A_497 = tpu.memref_squeeze %dma_wait3A_496 : memref<1x64xi32, #tpu.memory_space<vmem>> -> memref<64xi32, #tpu.memory_space<vmem>>
    %dma_wait3A_498 = tpu.memref_slice %arg4[%add3A_283] : memref<8192xi32, #tpu.memory_space<hbm>> -> memref<64xi32, #tpu.memory_space<hbm>>
    tpu.wait_dma2 semaphore(%arg23 : memref<!tpu.dma_semaphore, #tpu.memory_space<semaphore_mem>>) src(%dma_wait3A_498 : memref<64xi32, #tpu.memory_space<hbm>>) dst(%dma_wait3A_497 : memref<64xi32, #tpu.memory_space<vmem>>)
    %dma_wait3A_499 = arith.constant 1 : i32
    %dma_wait3A_500 = arith.constant 0 : i32
    %dma_wait3A_501 = tpu.memref_slice %arg14[%dma_wait3A_499, %dma_wait3A_500] : memref<2x64xi32, #tpu.memory_space<vmem>> -> memref<1x64xi32, #tpu.memory_space<vmem>>
    %dma_wait3A_502 = tpu.memref_squeeze %dma_wait3A_501 : memref<1x64xi32, #tpu.memory_space<vmem>> -> memref<64xi32, #tpu.memory_space<vmem>>
    %dma_wait3A_503 = tpu.memref_slice %arg5[%add3A_283] : memref<8192xi32, #tpu.memory_space<hbm>> -> memref<64xi32, #tpu.memory_space<hbm>>
    %dma_wait3A_504 = arith.constant 0 : i32
    %dma_wait3A_505 = tpu.memref_slice %arg14[%dma_wait3A_499, %dma_wait3A_504] : memref<2x64xi32, #tpu.memory_space<vmem>> -> memref<1x64xi32, #tpu.memory_space<vmem>>
    %dma_wait3A_506 = tpu.memref_squeeze %dma_wait3A_505 : memref<1x64xi32, #tpu.memory_space<vmem>> -> memref<64xi32, #tpu.memory_space<vmem>>
    %dma_wait3A_507 = tpu.memref_slice %arg5[%add3A_283] : memref<8192xi32, #tpu.memory_space<hbm>> -> memref<64xi32, #tpu.memory_space<hbm>>
    tpu.wait_dma2 semaphore(%arg23 : memref<!tpu.dma_semaphore, #tpu.memory_space<semaphore_mem>>) src(%dma_wait3A_507 : memref<64xi32, #tpu.memory_space<hbm>>) dst(%dma_wait3A_506 : memref<64xi32, #tpu.memory_space<vmem>>)
    %get3A_508 = arith.constant 1 : i32
    %get3A_509 = arith.index_cast %get3A_508 : i32 to index
    %get3A_510 = arith.constant 0 : index
    %get3A_511 = tpu.vector_load %arg14[%get3A_509, %get3A_510] {strides = array<i32>} : memref<2x64xi32, #tpu.memory_space<vmem>>, vector<1x16xi32>,
    %get3A_512 = vector.shape_cast %get3A_511 : vector<1x16xi32> to vector<16xi32>
    %get3A_513 = arith.constant 1 : i32
    %get3A_514 = arith.index_cast %get3A_513 : i32 to index
    %get3A_515 = arith.constant 0 : index
    %get3A_516 = tpu.vector_load %arg12[%get3A_514, %get3A_515] {strides = array<i32>} : memref<2x64xi32, #tpu.memory_space<vmem>>, vector<1x16xi32>,
    %get3A_517 = vector.shape_cast %get3A_516 : vector<1x16xi32> to vector<16xi32>
    %sub3A_518 = arith.subi %get3A_512, %get3A_517 : vector<16xi32>
    %swap3A_519 = arith.constant 1 : i32
    %swap3A_520 = arith.index_cast %swap3A_519 : i32 to index
    %swap3A_521 = arith.constant 0 : index
    %swap3A_522 = tpu.vector_load %arg15[%swap3A_520, %swap3A_521] {strides = array<i32>} : memref<2x64xi32, #tpu.memory_space<vmem>>, vector<1x16xi32>,
    %swap3A_523 = vector.shape_cast %swap3A_522 : vector<1x16xi32> to vector<16xi32>
    %swap3A_524 = vector.shape_cast %sub3A_518 : vector<16xi32> to vector<1x16xi32>
    tpu.vector_store %arg15[%swap3A_520, %swap3A_521], %swap3A_524 {strides = array<i32>} : memref<2x64xi32, #tpu.memory_space<vmem>>, vector<1x16xi32>,
    %get3A_525 = arith.constant 1 : i32
    %get3A_526 = arith.index_cast %get3A_525 : i32 to index
    %get3A_527 = arith.constant 0 : index
    %get3A_528 = tpu.vector_load %arg13[%get3A_526, %get3A_527] {strides = array<i32>} : memref<2x64xi32, #tpu.memory_space<vmem>>, vector<1x16xi32>,
    %get3A_529 = vector.shape_cast %get3A_528 : vector<1x16xi32> to vector<16xi32>
    %get3A_530 = arith.constant 1 : i32
    %get3A_531 = arith.index_cast %get3A_530 : i32 to index
    %get3A_532 = arith.constant 0 : index
    %get3A_533 = tpu.vector_load %arg11[%get3A_531, %get3A_532] {strides = array<i32>} : memref<2x64xi32, #tpu.memory_space<vmem>>, vector<1x16xi32>,
    %get3A_534 = vector.shape_cast %get3A_533 : vector<1x16xi32> to vector<16xi32>
    %sub3A_535 = arith.subi %get3A_529, %get3A_534 : vector<16xi32>
    %swap3A_536 = arith.constant 1 : i32
    %swap3A_537 = arith.index_cast %swap3A_536 : i32 to index
    %swap3A_538 = arith.constant 0 : index
    %swap3A_539 = tpu.vector_load %arg16[%swap3A_537, %swap3A_538] {strides = array<i32>} : memref<2x64xi32, #tpu.memory_space<vmem>>, vector<1x16xi32>,
    %swap3A_540 = vector.shape_cast %swap3A_539 : vector<1x16xi32> to vector<16xi32>
    %swap3A_541 = vector.shape_cast %sub3A_535 : vector<16xi32> to vector<1x16xi32>
    tpu.vector_store %arg16[%swap3A_537, %swap3A_538], %swap3A_541 {strides = array<i32>} : memref<2x64xi32, #tpu.memory_space<vmem>>, vector<1x16xi32>,
    %get3A_542 = arith.constant 1 : i32
    %get3A_543 = arith.index_cast %get3A_542 : i32 to index
    %get3A_544 = arith.constant 16 : index
    %get3A_545 = tpu.vector_load %arg14[%get3A_543, %get3A_544] {strides = array<i32>} : memref<2x64xi32, #tpu.memory_space<vmem>>, vector<1x16xi32>,
    %get3A_546 = vector.shape_cast %get3A_545 : vector<1x16xi32> to vector<16xi32>
    %get3A_547 = arith.constant 1 : i32
    %get3A_548 = arith.index_cast %get3A_547 : i32 to index
    %get3A_549 = arith.constant 16 : index
    %get3A_550 = tpu.vector_load %arg12[%get3A_548, %get3A_549] {strides = array<i32>} : memref<2x64xi32, #tpu.memory_space<vmem>>, vector<1x16xi32>,
    %get3A_551 = vector.shape_cast %get3A_550 : vector<1x16xi32> to vector<16xi32>
    %sub3A_552 = arith.subi %get3A_546, %get3A_551 : vector<16xi32>
    %swap3A_553 = arith.constant 1 : i32
    %swap3A_554 = arith.index_cast %swap3A_553 : i32 to index
    %swap3A_555 = arith.constant 16 : index
    %swap3A_556 = tpu.vector_load %arg15[%swap3A_554, %swap3A_555] {strides = array<i32>} : memref<2x64xi32, #tpu.memory_space<vmem>>, vector<1x16xi32>,
    %swap3A_557 = vector.shape_cast %swap3A_556 : vector<1x16xi32> to vector<16xi32>
    %swap3A_558 = vector.shape_cast %sub3A_552 : vector<16xi32> to vector<1x16xi32>
    tpu.vector_store %arg15[%swap3A_554, %swap3A_555], %swap3A_558 {strides = array<i32>} : memref<2x64xi32, #tpu.memory_space<vmem>>, vector<1x16xi32>,
    %get3A_559 = arith.constant 1 : i32
    %get3A_560 = arith.index_cast %get3A_559 : i32 to index
    %get3A_561 = arith.constant 16 : index
    %get3A_562 = tpu.vector_load %arg13[%get3A_560, %get3A_561] {strides = array<i32>} : memref<2x64xi32, #tpu.memory_space<vmem>>, vector<1x16xi32>,
    %get3A_563 = vector.shape_cast %get3A_562 : vector<1x16xi32> to vector<16xi32>
    %get3A_564 = arith.constant 1 : i32
    %get3A_565 = arith.index_cast %get3A_564 : i32 to index
    %get3A_566 = arith.constant 16 : index
    %get3A_567 = tpu.vector_load %arg11[%get3A_565, %get3A_566] {strides = array<i32>} : memref<2x64xi32, #tpu.memory_space<vmem>>, vector<1x16xi32>,
    %get3A_568 = vector.shape_cast %get3A_567 : vector<1x16xi32> to vector<16xi32>
    %sub3A_569 = arith.subi %get3A_563, %get3A_568 : vector<16xi32>
    %swap3A_570 = arith.constant 1 : i32
    %swap3A_571 = arith.index_cast %swap3A_570 : i32 to index
    %swap3A_572 = arith.constant 16 : index
    %swap3A_573 = tpu.vector_load %arg16[%swap3A_571, %swap3A_572] {strides = array<i32>} : memref<2x64xi32, #tpu.memory_space<vmem>>, vector<1x16xi32>,
    %swap3A_574 = vector.shape_cast %swap3A_573 : vector<1x16xi32> to vector<16xi32>
    %swap3A_575 = vector.shape_cast %sub3A_569 : vector<16xi32> to vector<1x16xi32>
    tpu.vector_store %arg16[%swap3A_571, %swap3A_572], %swap3A_575 {strides = array<i32>} : memref<2x64xi32, #tpu.memory_space<vmem>>, vector<1x16xi32>,
    %get3A_576 = arith.constant 1 : i32
    %get3A_577 = arith.index_cast %get3A_576 : i32 to index
    %get3A_578 = arith.constant 32 : index
    %get3A_579 = tpu.vector_load %arg14[%get3A_577, %get3A_578] {strides = array<i32>} : memref<2x64xi32, #tpu.memory_space<vmem>>, vector<1x16xi32>,
    %get3A_580 = vector.shape_cast %get3A_579 : vector<1x16xi32> to vector<16xi32>
    %get3A_581 = arith.constant 1 : i32
    %get3A_582 = arith.index_cast %get3A_581 : i32 to index
    %get3A_583 = arith.constant 32 : index
    %get3A_584 = tpu.vector_load %arg12[%get3A_582, %get3A_583] {strides = array<i32>} : memref<2x64xi32, #tpu.memory_space<vmem>>, vector<1x16xi32>,
    %get3A_585 = vector.shape_cast %get3A_584 : vector<1x16xi32> to vector<16xi32>
    %sub3A_586 = arith.subi %get3A_580, %get3A_585 : vector<16xi32>
    %swap3A_587 = arith.constant 1 : i32
    %swap3A_588 = arith.index_cast %swap3A_587 : i32 to index
    %swap3A_589 = arith.constant 32 : index
    %swap3A_590 = tpu.vector_load %arg15[%swap3A_588, %swap3A_589] {strides = array<i32>} : memref<2x64xi32, #tpu.memory_space<vmem>>, vector<1x16xi32>,
    %swap3A_591 = vector.shape_cast %swap3A_590 : vector<1x16xi32> to vector<16xi32>
    %swap3A_592 = vector.shape_cast %sub3A_586 : vector<16xi32> to vector<1x16xi32>
    tpu.vector_store %arg15[%swap3A_588, %swap3A_589], %swap3A_592 {strides = array<i32>} : memref<2x64xi32, #tpu.memory_space<vmem>>, vector<1x16xi32>,
    %get3A_593 = arith.constant 1 : i32
    %get3A_594 = arith.index_cast %get3A_593 : i32 to index
    %get3A_595 = arith.constant 32 : index
    %get3A_596 = tpu.vector_load %arg13[%get3A_594, %get3A_595] {strides = array<i32>} : memref<2x64xi32, #tpu.memory_space<vmem>>, vector<1x16xi32>,
    %get3A_597 = vector.shape_cast %get3A_596 : vector<1x16xi32> to vector<16xi32>
    %get3A_598 = arith.constant 1 : i32
    %get3A_599 = arith.index_cast %get3A_598 : i32 to index
    %get3A_600 = arith.constant 32 : index
    %get3A_601 = tpu.vector_load %arg11[%get3A_599, %get3A_600] {strides = array<i32>} : memref<2x64xi32, #tpu.memory_space<vmem>>, vector<1x16xi32>,
    %get3A_602 = vector.shape_cast %get3A_601 : vector<1x16xi32> to vector<16xi32>
    %sub3A_603 = arith.subi %get3A_597, %get3A_602 : vector<16xi32>
    %swap3A_604 = arith.constant 1 : i32
    %swap3A_605 = arith.index_cast %swap3A_604 : i32 to index
    %swap3A_606 = arith.constant 32 : index
    %swap3A_607 = tpu.vector_load %arg16[%swap3A_605, %swap3A_606] {strides = array<i32>} : memref<2x64xi32, #tpu.memory_space<vmem>>, vector<1x16xi32>,
    %swap3A_608 = vector.shape_cast %swap3A_607 : vector<1x16xi32> to vector<16xi32>
    %swap3A_609 = vector.shape_cast %sub3A_603 : vector<16xi32> to vector<1x16xi32>
    tpu.vector_store %arg16[%swap3A_605, %swap3A_606], %swap3A_609 {strides = array<i32>} : memref<2x64xi32, #tpu.memory_space<vmem>>, vector<1x16xi32>,
    %get3A_610 = arith.constant 1 : i32
    %get3A_611 = arith.index_cast %get3A_610 : i32 to index
    %get3A_612 = arith.constant 48 : index
    %get3A_613 = tpu.vector_load %arg14[%get3A_611, %get3A_612] {strides = array<i32>} : memref<2x64xi32, #tpu.memory_space<vmem>>, vector<1x16xi32>,
    %get3A_614 = vector.shape_cast %get3A_613 : vector<1x16xi32> to vector<16xi32>
    %get3A_615 = arith.constant 1 : i32
    %get3A_616 = arith.index_cast %get3A_615 : i32 to index
    %get3A_617 = arith.constant 48 : index
    %get3A_618 = tpu.vector_load %arg12[%get3A_616, %get3A_617] {strides = array<i32>} : memref<2x64xi32, #tpu.memory_space<vmem>>, vector<1x16xi32>,
    %get3A_619 = vector.shape_cast %get3A_618 : vector<1x16xi32> to vector<16xi32>
    %sub3A_620 = arith.subi %get3A_614, %get3A_619 : vector<16xi32>
    %swap3A_621 = arith.constant 1 : i32
    %swap3A_622 = arith.index_cast %swap3A_621 : i32 to index
    %swap3A_623 = arith.constant 48 : index
    %swap3A_624 = tpu.vector_load %arg15[%swap3A_622, %swap3A_623] {strides = array<i32>} : memref<2x64xi32, #tpu.memory_space<vmem>>, vector<1x16xi32>,
    %swap3A_625 = vector.shape_cast %swap3A_624 : vector<1x16xi32> to vector<16xi32>
    %swap3A_626 = vector.shape_cast %sub3A_620 : vector<16xi32> to vector<1x16xi32>
    tpu.vector_store %arg15[%swap3A_622, %swap3A_623], %swap3A_626 {strides = array<i32>} : memref<2x64xi32, #tpu.memory_space<vmem>>, vector<1x16xi32>,
    %get3A_627 = arith.constant 1 : i32
    %get3A_628 = arith.index_cast %get3A_627 : i32 to index
    %get3A_629 = arith.constant 48 : index
    %get3A_630 = tpu.vector_load %arg13[%get3A_628, %get3A_629] {strides = array<i32>} : memref<2x64xi32, #tpu.memory_space<vmem>>, vector<1x16xi32>,
    %get3A_631 = vector.shape_cast %get3A_630 : vector<1x16xi32> to vector<16xi32>
    %get3A_632 = arith.constant 1 : i32
    %get3A_633 = arith.index_cast %get3A_632 : i32 to index
    %get3A_634 = arith.constant 48 : index
    %get3A_635 = tpu.vector_load %arg11[%get3A_633, %get3A_634] {strides = array<i32>} : memref<2x64xi32, #tpu.memory_space<vmem>>, vector<1x16xi32>,
    %get3A_636 = vector.shape_cast %get3A_635 : vector<1x16xi32> to vector<16xi32>
    %sub3A_637 = arith.subi %get3A_631, %get3A_636 : vector<16xi32>
    %swap3A_638 = arith.constant 1 : i32
    %swap3A_639 = arith.index_cast %swap3A_638 : i32 to index
    %swap3A_640 = arith.constant 48 : index
    %swap3A_641 = tpu.vector_load %arg16[%swap3A_639, %swap3A_640] {strides = array<i32>} : memref<2x64xi32, #tpu.memory_space<vmem>>, vector<1x16xi32>,
    %swap3A_642 = vector.shape_cast %swap3A_641 : vector<1x16xi32> to vector<16xi32>
    %swap3A_643 = vector.shape_cast %sub3A_637 : vector<16xi32> to vector<1x16xi32>
    tpu.vector_store %arg16[%swap3A_639, %swap3A_640], %swap3A_643 {strides = array<i32>} : memref<2x64xi32, #tpu.memory_space<vmem>>, vector<1x16xi32>,
    %dma_start3A_644 = arith.constant 1 : i32
    %dma_start3A_645 = arith.constant 1 : i32
    %dma_start3A_646 = arith.constant 0 : i32
    %dma_start3A_647 = arith.constant 0 : i32
    %dma_start3A_648 = tpu.memref_slice %arg17[%dma_start3A_645, %dma_start3A_646, %dma_start3A_647] : memref<2x64x128xf32, #tpu.memory_space<vmem>> -> memref<1x64x128xf32, #tpu.memory_space<vmem>>
    %dma_start3A_649 = tpu.memref_squeeze %dma_start3A_648 : memref<1x64x128xf32, #tpu.memory_space<vmem>> -> memref<64x128xf32, #tpu.memory_space<vmem>>
    %dma_start3A_650 = arith.constant 0 : i32
    %dma_start3A_651 = tpu.memref_slice %arg11[%dma_start3A_644, %dma_start3A_650] : memref<2x64xi32, #tpu.memory_space<vmem>> -> memref<1x64xi32, #tpu.memory_space<vmem>>
    %dma_start3A_652 = tpu.memref_squeeze %dma_start3A_651 : memref<1x64xi32, #tpu.memory_space<vmem>> -> memref<64xi32, #tpu.memory_space<vmem>>
    %dma_start3A_653 = arith.constant 0 : i32
    %dma_start3A_654 = arith.constant 0 : i32
    %dma_start3A_655 = tpu.memref_slice %arg6[%dma_start3A_653, %dma_start3A_654] : memref<1024x128xf32, #tpu.memory_space<hbm>> -> memref<1024x128xf32, #tpu.memory_space<hbm>>
    tpu.enqueue_indirect_dma source(%dma_start3A_655 : memref<1024x128xf32, #tpu.memory_space<hbm>>) target(%dma_start3A_649 : memref<64x128xf32, #tpu.memory_space<vmem>>) offsets(%dma_start3A_652 : memref<64xi32, #tpu.memory_space<vmem>>) semaphore(%arg24 : memref<!tpu.dma_semaphore, #tpu.memory_space<semaphore_mem>>)
    %dma_start3A_656 = arith.constant 1 : i32
    %dma_start3A_657 = arith.constant 1 : i32
    %dma_start3A_658 = arith.constant 0 : i32
    %dma_start3A_659 = arith.constant 0 : i32
    %dma_start3A_660 = tpu.memref_slice %arg18[%dma_start3A_657, %dma_start3A_658, %dma_start3A_659] : memref<2x64x128xf32, #tpu.memory_space<vmem>> -> memref<1x64x128xf32, #tpu.memory_space<vmem>>
    %dma_start3A_661 = tpu.memref_squeeze %dma_start3A_660 : memref<1x64x128xf32, #tpu.memory_space<vmem>> -> memref<64x128xf32, #tpu.memory_space<vmem>>
    %dma_start3A_662 = arith.constant 0 : i32
    %dma_start3A_663 = tpu.memref_slice %arg12[%dma_start3A_656, %dma_start3A_662] : memref<2x64xi32, #tpu.memory_space<vmem>> -> memref<1x64xi32, #tpu.memory_space<vmem>>
    %dma_start3A_664 = tpu.memref_squeeze %dma_start3A_663 : memref<1x64xi32, #tpu.memory_space<vmem>> -> memref<64xi32, #tpu.memory_space<vmem>>
    %dma_start3A_665 = arith.constant 0 : i32
    %dma_start3A_666 = arith.constant 0 : i32
    %dma_start3A_667 = tpu.memref_slice %arg7[%dma_start3A_665, %dma_start3A_666] : memref<1024x128xf32, #tpu.memory_space<hbm>> -> memref<1024x128xf32, #tpu.memory_space<hbm>>
    tpu.enqueue_indirect_dma source(%dma_start3A_667 : memref<1024x128xf32, #tpu.memory_space<hbm>>) target(%dma_start3A_661 : memref<64x128xf32, #tpu.memory_space<vmem>>) offsets(%dma_start3A_664 : memref<64xi32, #tpu.memory_space<vmem>>) semaphore(%arg25 : memref<!tpu.dma_semaphore, #tpu.memory_space<semaphore_mem>>)
    %dma_start3A_668 = arith.constant 1 : i32
    %dma_start3A_669 = arith.constant 1 : i32
    %dma_start3A_670 = arith.constant 0 : i32
    %dma_start3A_671 = arith.constant 0 : i32
    %dma_start3A_672 = tpu.memref_slice %arg19[%dma_start3A_669, %dma_start3A_670, %dma_start3A_671] : memref<2x64x128xf32, #tpu.memory_space<vmem>> -> memref<1x64x128xf32, #tpu.memory_space<vmem>>
    %dma_start3A_673 = tpu.memref_squeeze %dma_start3A_672 : memref<1x64x128xf32, #tpu.memory_space<vmem>> -> memref<64x128xf32, #tpu.memory_space<vmem>>
    %dma_start3A_674 = arith.constant 0 : i32
    %dma_start3A_675 = tpu.memref_slice %arg13[%dma_start3A_668, %dma_start3A_674] : memref<2x64xi32, #tpu.memory_space<vmem>> -> memref<1x64xi32, #tpu.memory_space<vmem>>
    %dma_start3A_676 = tpu.memref_squeeze %dma_start3A_675 : memref<1x64xi32, #tpu.memory_space<vmem>> -> memref<64xi32, #tpu.memory_space<vmem>>
    %dma_start3A_677 = arith.constant 0 : i32
    %dma_start3A_678 = arith.constant 0 : i32
    %dma_start3A_679 = tpu.memref_slice %arg6[%dma_start3A_677, %dma_start3A_678] : memref<1024x128xf32, #tpu.memory_space<hbm>> -> memref<1024x128xf32, #tpu.memory_space<hbm>>
    tpu.enqueue_indirect_dma source(%dma_start3A_679 : memref<1024x128xf32, #tpu.memory_space<hbm>>) target(%dma_start3A_673 : memref<64x128xf32, #tpu.memory_space<vmem>>) offsets(%dma_start3A_676 : memref<64xi32, #tpu.memory_space<vmem>>) semaphore(%arg26 : memref<!tpu.dma_semaphore, #tpu.memory_space<semaphore_mem>>)
    %dma_start3A_680 = arith.constant 1 : i32
    %dma_start3A_681 = arith.constant 1 : i32
    %dma_start3A_682 = arith.constant 0 : i32
    %dma_start3A_683 = arith.constant 0 : i32
    %dma_start3A_684 = tpu.memref_slice %arg20[%dma_start3A_681, %dma_start3A_682, %dma_start3A_683] : memref<2x64x128xf32, #tpu.memory_space<vmem>> -> memref<1x64x128xf32, #tpu.memory_space<vmem>>
    %dma_start3A_685 = tpu.memref_squeeze %dma_start3A_684 : memref<1x64x128xf32, #tpu.memory_space<vmem>> -> memref<64x128xf32, #tpu.memory_space<vmem>>
    %dma_start3A_686 = arith.constant 0 : i32
    %dma_start3A_687 = tpu.memref_slice %arg14[%dma_start3A_680, %dma_start3A_686] : memref<2x64xi32, #tpu.memory_space<vmem>> -> memref<1x64xi32, #tpu.memory_space<vmem>>
    %dma_start3A_688 = tpu.memref_squeeze %dma_start3A_687 : memref<1x64xi32, #tpu.memory_space<vmem>> -> memref<64xi32, #tpu.memory_space<vmem>>
    %dma_start3A_689 = arith.constant 0 : i32
    %dma_start3A_690 = arith.constant 0 : i32
    %dma_start3A_691 = tpu.memref_slice %arg7[%dma_start3A_689, %dma_start3A_690] : memref<1024x128xf32, #tpu.memory_space<hbm>> -> memref<1024x128xf32, #tpu.memory_space<hbm>>
    tpu.enqueue_indirect_dma source(%dma_start3A_691 : memref<1024x128xf32, #tpu.memory_space<hbm>>) target(%dma_start3A_685 : memref<64x128xf32, #tpu.memory_space<vmem>>) offsets(%dma_start3A_688 : memref<64xi32, #tpu.memory_space<vmem>>) semaphore(%arg27 : memref<!tpu.dma_semaphore, #tpu.memory_space<semaphore_mem>>)
    %dma_start3A_692 = arith.constant 1 : i32
    %dma_start3A_693 = arith.constant 1 : i32
    %dma_start3A_694 = arith.constant 0 : i32
    %dma_start3A_695 = arith.constant 0 : i32
    %dma_start3A_696 = tpu.memref_slice %arg21[%dma_start3A_693, %dma_start3A_694, %dma_start3A_695] : memref<2x64x128xf32, #tpu.memory_space<vmem>> -> memref<1x64x128xf32, #tpu.memory_space<vmem>>
    %dma_start3A_697 = tpu.memref_squeeze %dma_start3A_696 : memref<1x64x128xf32, #tpu.memory_space<vmem>> -> memref<64x128xf32, #tpu.memory_space<vmem>>
    %dma_start3A_698 = arith.constant 0 : i32
    %dma_start3A_699 = tpu.memref_slice %arg15[%dma_start3A_692, %dma_start3A_698] : memref<2x64xi32, #tpu.memory_space<vmem>> -> memref<1x64xi32, #tpu.memory_space<vmem>>
    %dma_start3A_700 = tpu.memref_squeeze %dma_start3A_699 : memref<1x64xi32, #tpu.memory_space<vmem>> -> memref<64xi32, #tpu.memory_space<vmem>>
    %dma_start3A_701 = arith.constant 0 : i32
    %dma_start3A_702 = arith.constant 0 : i32
    %dma_start3A_703 = tpu.memref_slice %arg8[%dma_start3A_701, %dma_start3A_702] : memref<1024x128xf32, #tpu.memory_space<hbm>> -> memref<1024x128xf32, #tpu.memory_space<hbm>>
    tpu.enqueue_indirect_dma source(%dma_start3A_703 : memref<1024x128xf32, #tpu.memory_space<hbm>>) target(%dma_start3A_697 : memref<64x128xf32, #tpu.memory_space<vmem>>) offsets(%dma_start3A_700 : memref<64xi32, #tpu.memory_space<vmem>>) semaphore(%arg28 : memref<!tpu.dma_semaphore, #tpu.memory_space<semaphore_mem>>)
    %dma_start3A_704 = arith.constant 1 : i32
    %dma_start3A_705 = arith.constant 1 : i32
    %dma_start3A_706 = arith.constant 0 : i32
    %dma_start3A_707 = arith.constant 0 : i32
    %dma_start3A_708 = tpu.memref_slice %arg22[%dma_start3A_705, %dma_start3A_706, %dma_start3A_707] : memref<2x64x128xf32, #tpu.memory_space<vmem>> -> memref<1x64x128xf32, #tpu.memory_space<vmem>>
    %dma_start3A_709 = tpu.memref_squeeze %dma_start3A_708 : memref<1x64x128xf32, #tpu.memory_space<vmem>> -> memref<64x128xf32, #tpu.memory_space<vmem>>
    %dma_start3A_710 = arith.constant 0 : i32
    %dma_start3A_711 = tpu.memref_slice %arg16[%dma_start3A_704, %dma_start3A_710] : memref<2x64xi32, #tpu.memory_space<vmem>> -> memref<1x64xi32, #tpu.memory_space<vmem>>
    %dma_start3A_712 = tpu.memref_squeeze %dma_start3A_711 : memref<1x64xi32, #tpu.memory_space<vmem>> -> memref<64xi32, #tpu.memory_space<vmem>>
    %dma_start3A_713 = arith.constant 0 : i32
    %dma_start3A_714 = arith.constant 0 : i32
    %dma_start3A_715 = tpu.memref_slice %arg9[%dma_start3A_713, %dma_start3A_714] : memref<1024x128xf32, #tpu.memory_space<hbm>> -> memref<1024x128xf32, #tpu.memory_space<hbm>>
    tpu.enqueue_indirect_dma source(%dma_start3A_715 : memref<1024x128xf32, #tpu.memory_space<hbm>>) target(%dma_start3A_709 : memref<64x128xf32, #tpu.memory_space<vmem>>) offsets(%dma_start3A_712 : memref<64xi32, #tpu.memory_space<vmem>>) semaphore(%arg29 : memref<!tpu.dma_semaphore, #tpu.memory_space<semaphore_mem>>)
    %add3A_716 = arith.constant 128 : i32
    %add3A_717 = arith.addi %mul3A_2, %add3A_716 : i32
    %dma_start3A_718 = arith.constant 0 : i32
    %dma_start3A_719 = arith.constant 0 : i32
    %dma_start3A_720 = tpu.memref_slice %arg11[%dma_start3A_718, %dma_start3A_719] : memref<2x64xi32, #tpu.memory_space<vmem>> -> memref<1x64xi32, #tpu.memory_space<vmem>>
    %dma_start3A_721 = tpu.memref_squeeze %dma_start3A_720 : memref<1x64xi32, #tpu.memory_space<vmem>> -> memref<64xi32, #tpu.memory_space<vmem>>
    %dma_start3A_722 = tpu.memref_slice %arg2[%add3A_717] : memref<8192xi32, #tpu.memory_space<hbm>> -> memref<64xi32, #tpu.memory_space<hbm>>
    %dma_start3A_723 = arith.constant 0 : i32
    %dma_start3A_724 = tpu.memref_slice %arg11[%dma_start3A_718, %dma_start3A_723] : memref<2x64xi32, #tpu.memory_space<vmem>> -> memref<1x64xi32, #tpu.memory_space<vmem>>
    %dma_start3A_725 = tpu.memref_squeeze %dma_start3A_724 : memref<1x64xi32, #tpu.memory_space<vmem>> -> memref<64xi32, #tpu.memory_space<vmem>>
    %dma_start3A_726 = tpu.memref_slice %arg2[%add3A_717] : memref<8192xi32, #tpu.memory_space<hbm>> -> memref<64xi32, #tpu.memory_space<hbm>>
    tpu.enqueue_dma source(%dma_start3A_726 : memref<64xi32, #tpu.memory_space<hbm>>) target(%dma_start3A_725 : memref<64xi32, #tpu.memory_space<vmem>>) target_semaphore(%arg23 : memref<!tpu.dma_semaphore, #tpu.memory_space<semaphore_mem>>)
    %dma_start3A_727 = arith.constant 0 : i32
    %dma_start3A_728 = arith.constant 0 : i32
    %dma_start3A_729 = tpu.memref_slice %arg12[%dma_start3A_727, %dma_start3A_728] : memref<2x64xi32, #tpu.memory_space<vmem>> -> memref<1x64xi32, #tpu.memory_space<vmem>>
    %dma_start3A_730 = tpu.memref_squeeze %dma_start3A_729 : memref<1x64xi32, #tpu.memory_space<vmem>> -> memref<64xi32, #tpu.memory_space<vmem>>
    %dma_start3A_731 = tpu.memref_slice %arg3[%add3A_717] : memref<8192xi32, #tpu.memory_space<hbm>> -> memref<64xi32, #tpu.memory_space<hbm>>
    %dma_start3A_732 = arith.constant 0 : i32
    %dma_start3A_733 = tpu.memref_slice %arg12[%dma_start3A_727, %dma_start3A_732] : memref<2x64xi32, #tpu.memory_space<vmem>> -> memref<1x64xi32, #tpu.memory_space<vmem>>
    %dma_start3A_734 = tpu.memref_squeeze %dma_start3A_733 : memref<1x64xi32, #tpu.memory_space<vmem>> -> memref<64xi32, #tpu.memory_space<vmem>>
    %dma_start3A_735 = tpu.memref_slice %arg3[%add3A_717] : memref<8192xi32, #tpu.memory_space<hbm>> -> memref<64xi32, #tpu.memory_space<hbm>>
    tpu.enqueue_dma source(%dma_start3A_735 : memref<64xi32, #tpu.memory_space<hbm>>) target(%dma_start3A_734 : memref<64xi32, #tpu.memory_space<vmem>>) target_semaphore(%arg23 : memref<!tpu.dma_semaphore, #tpu.memory_space<semaphore_mem>>)
    %dma_start3A_736 = arith.constant 0 : i32
    %dma_start3A_737 = arith.constant 0 : i32
    %dma_start3A_738 = tpu.memref_slice %arg13[%dma_start3A_736, %dma_start3A_737] : memref<2x64xi32, #tpu.memory_space<vmem>> -> memref<1x64xi32, #tpu.memory_space<vmem>>
    %dma_start3A_739 = tpu.memref_squeeze %dma_start3A_738 : memref<1x64xi32, #tpu.memory_space<vmem>> -> memref<64xi32, #tpu.memory_space<vmem>>
    %dma_start3A_740 = tpu.memref_slice %arg4[%add3A_717] : memref<8192xi32, #tpu.memory_space<hbm>> -> memref<64xi32, #tpu.memory_space<hbm>>
    %dma_start3A_741 = arith.constant 0 : i32
    %dma_start3A_742 = tpu.memref_slice %arg13[%dma_start3A_736, %dma_start3A_741] : memref<2x64xi32, #tpu.memory_space<vmem>> -> memref<1x64xi32, #tpu.memory_space<vmem>>
    %dma_start3A_743 = tpu.memref_squeeze %dma_start3A_742 : memref<1x64xi32, #tpu.memory_space<vmem>> -> memref<64xi32, #tpu.memory_space<vmem>>
    %dma_start3A_744 = tpu.memref_slice %arg4[%add3A_717] : memref<8192xi32, #tpu.memory_space<hbm>> -> memref<64xi32, #tpu.memory_space<hbm>>
    tpu.enqueue_dma source(%dma_start3A_744 : memref<64xi32, #tpu.memory_space<hbm>>) target(%dma_start3A_743 : memref<64xi32, #tpu.memory_space<vmem>>) target_semaphore(%arg23 : memref<!tpu.dma_semaphore, #tpu.memory_space<semaphore_mem>>)
    %dma_start3A_745 = arith.constant 0 : i32
    %dma_start3A_746 = arith.constant 0 : i32
    %dma_start3A_747 = tpu.memref_slice %arg14[%dma_start3A_745, %dma_start3A_746] : memref<2x64xi32, #tpu.memory_space<vmem>> -> memref<1x64xi32, #tpu.memory_space<vmem>>
    %dma_start3A_748 = tpu.memref_squeeze %dma_start3A_747 : memref<1x64xi32, #tpu.memory_space<vmem>> -> memref<64xi32, #tpu.memory_space<vmem>>
    %dma_start3A_749 = tpu.memref_slice %arg5[%add3A_717] : memref<8192xi32, #tpu.memory_space<hbm>> -> memref<64xi32, #tpu.memory_space<hbm>>
    %dma_start3A_750 = arith.constant 0 : i32
    %dma_start3A_751 = tpu.memref_slice %arg14[%dma_start3A_745, %dma_start3A_750] : memref<2x64xi32, #tpu.memory_space<vmem>> -> memref<1x64xi32, #tpu.memory_space<vmem>>
    %dma_start3A_752 = tpu.memref_squeeze %dma_start3A_751 : memref<1x64xi32, #tpu.memory_space<vmem>> -> memref<64xi32, #tpu.memory_space<vmem>>
    %dma_start3A_753 = tpu.memref_slice %arg5[%add3A_717] : memref<8192xi32, #tpu.memory_space<hbm>> -> memref<64xi32, #tpu.memory_space<hbm>>
    tpu.enqueue_dma source(%dma_start3A_753 : memref<64xi32, #tpu.memory_space<hbm>>) target(%dma_start3A_752 : memref<64xi32, #tpu.memory_space<vmem>>) target_semaphore(%arg23 : memref<!tpu.dma_semaphore, #tpu.memory_space<semaphore_mem>>)
    %dma_wait3A_754 = arith.constant 1 : i32
    %dma_wait3A_755 = arith.constant 1 : i32
    %dma_wait3A_756 = arith.constant 0 : i32
    %dma_wait3A_757 = arith.constant 0 : i32
    %dma_wait3A_758 = tpu.memref_slice %arg17[%dma_wait3A_755, %dma_wait3A_756, %dma_wait3A_757] : memref<2x64x128xf32, #tpu.memory_space<vmem>> -> memref<1x64x128xf32, #tpu.memory_space<vmem>>
    %dma_wait3A_759 = tpu.memref_squeeze %dma_wait3A_758 : memref<1x64x128xf32, #tpu.memory_space<vmem>> -> memref<64x128xf32, #tpu.memory_space<vmem>>
    %dma_wait3A_760 = arith.constant 0 : i32
    %dma_wait3A_761 = tpu.memref_slice %arg11[%dma_wait3A_754, %dma_wait3A_760] : memref<2x64xi32, #tpu.memory_space<vmem>> -> memref<1x64xi32, #tpu.memory_space<vmem>>
    %dma_wait3A_762 = tpu.memref_squeeze %dma_wait3A_761 : memref<1x64xi32, #tpu.memory_space<vmem>> -> memref<64xi32, #tpu.memory_space<vmem>>
    %dma_wait3A_763 = arith.constant 0 : i32
    %dma_wait3A_764 = arith.constant 0 : i32
    %dma_wait3A_765 = tpu.memref_slice %arg6[%dma_wait3A_763, %dma_wait3A_764] : memref<1024x128xf32, #tpu.memory_space<hbm>> -> memref<1024x128xf32, #tpu.memory_space<hbm>>
    tpu.wait_indirect_dma semaphore(%arg24 : memref<!tpu.dma_semaphore, #tpu.memory_space<semaphore_mem>>) src(%dma_wait3A_765 : memref<1024x128xf32, #tpu.memory_space<hbm>>) dst(%dma_wait3A_759 : memref<64x128xf32, #tpu.memory_space<vmem>>)
    %dma_start3A_766 = arith.constant 1 : i32
    %dma_start3A_767 = arith.constant 0 : i32
    %dma_start3A_768 = arith.constant 0 : i32
    %dma_start3A_769 = tpu.memref_slice %arg17[%dma_start3A_766, %dma_start3A_767, %dma_start3A_768] : memref<2x64x128xf32, #tpu.memory_space<vmem>> -> memref<1x64x128xf32, #tpu.memory_space<vmem>>
    %dma_start3A_770 = tpu.memref_squeeze %dma_start3A_769 : memref<1x64x128xf32, #tpu.memory_space<vmem>> -> memref<64x128xf32, #tpu.memory_space<vmem>>
    %dma_start3A_771 = arith.constant 0 : i32
    %dma_start3A_772 = tpu.memref_slice %arg10[%add3A_471, %dma_start3A_771] : memref<8192x768xf32, #tpu.memory_space<hbm>> -> memref<64x128xf32, #tpu.memory_space<hbm>>
    %dma_start3A_773 = arith.constant 0 : i32
    %dma_start3A_774 = tpu.memref_slice %arg10[%add3A_471, %dma_start3A_773] : memref<8192x768xf32, #tpu.memory_space<hbm>> -> memref<64x128xf32, #tpu.memory_space<hbm>>
    %dma_start3A_775 = arith.constant 0 : i32
    %dma_start3A_776 = arith.constant 0 : i32
    %dma_start3A_777 = tpu.memref_slice %arg17[%dma_start3A_766, %dma_start3A_775, %dma_start3A_776] : memref<2x64x128xf32, #tpu.memory_space<vmem>> -> memref<1x64x128xf32, #tpu.memory_space<vmem>>
    %dma_start3A_778 = tpu.memref_squeeze %dma_start3A_777 : memref<1x64x128xf32, #tpu.memory_space<vmem>> -> memref<64x128xf32, #tpu.memory_space<vmem>>
    tpu.enqueue_dma source(%dma_start3A_778 : memref<64x128xf32, #tpu.memory_space<vmem>>) target(%dma_start3A_774 : memref<64x128xf32, #tpu.memory_space<hbm>>) target_semaphore(%arg30 : memref<!tpu.dma_semaphore, #tpu.memory_space<semaphore_mem>>)
    %dma_wait3A_779 = arith.constant 1 : i32
    %dma_wait3A_780 = arith.constant 1 : i32
    %dma_wait3A_781 = arith.constant 0 : i32
    %dma_wait3A_782 = arith.constant 0 : i32
    %dma_wait3A_783 = tpu.memref_slice %arg18[%dma_wait3A_780, %dma_wait3A_781, %dma_wait3A_782] : memref<2x64x128xf32, #tpu.memory_space<vmem>> -> memref<1x64x128xf32, #tpu.memory_space<vmem>>
    %dma_wait3A_784 = tpu.memref_squeeze %dma_wait3A_783 : memref<1x64x128xf32, #tpu.memory_space<vmem>> -> memref<64x128xf32, #tpu.memory_space<vmem>>
    %dma_wait3A_785 = arith.constant 0 : i32
    %dma_wait3A_786 = tpu.memref_slice %arg12[%dma_wait3A_779, %dma_wait3A_785] : memref<2x64xi32, #tpu.memory_space<vmem>> -> memref<1x64xi32, #tpu.memory_space<vmem>>
    %dma_wait3A_787 = tpu.memref_squeeze %dma_wait3A_786 : memref<1x64xi32, #tpu.memory_space<vmem>> -> memref<64xi32, #tpu.memory_space<vmem>>
    %dma_wait3A_788 = arith.constant 0 : i32
    %dma_wait3A_789 = arith.constant 0 : i32
    %dma_wait3A_790 = tpu.memref_slice %arg7[%dma_wait3A_788, %dma_wait3A_789] : memref<1024x128xf32, #tpu.memory_space<hbm>> -> memref<1024x128xf32, #tpu.memory_space<hbm>>
    tpu.wait_indirect_dma semaphore(%arg25 : memref<!tpu.dma_semaphore, #tpu.memory_space<semaphore_mem>>) src(%dma_wait3A_790 : memref<1024x128xf32, #tpu.memory_space<hbm>>) dst(%dma_wait3A_784 : memref<64x128xf32, #tpu.memory_space<vmem>>)
    %dma_start3A_791 = arith.constant 1 : i32
    %dma_start3A_792 = arith.constant 0 : i32
    %dma_start3A_793 = arith.constant 0 : i32
    %dma_start3A_794 = tpu.memref_slice %arg18[%dma_start3A_791, %dma_start3A_792, %dma_start3A_793] : memref<2x64x128xf32, #tpu.memory_space<vmem>> -> memref<1x64x128xf32, #tpu.memory_space<vmem>>
    %dma_start3A_795 = tpu.memref_squeeze %dma_start3A_794 : memref<1x64x128xf32, #tpu.memory_space<vmem>> -> memref<64x128xf32, #tpu.memory_space<vmem>>
    %dma_start3A_796 = arith.constant 128 : i32
    %dma_start3A_797 = tpu.memref_slice %arg10[%add3A_471, %dma_start3A_796] : memref<8192x768xf32, #tpu.memory_space<hbm>> -> memref<64x128xf32, #tpu.memory_space<hbm>>
    %dma_start3A_798 = arith.constant 128 : i32
    %dma_start3A_799 = tpu.memref_slice %arg10[%add3A_471, %dma_start3A_798] : memref<8192x768xf32, #tpu.memory_space<hbm>> -> memref<64x128xf32, #tpu.memory_space<hbm>>
    %dma_start3A_800 = arith.constant 0 : i32
    %dma_start3A_801 = arith.constant 0 : i32
    %dma_start3A_802 = tpu.memref_slice %arg18[%dma_start3A_791, %dma_start3A_800, %dma_start3A_801] : memref<2x64x128xf32, #tpu.memory_space<vmem>> -> memref<1x64x128xf32, #tpu.memory_space<vmem>>
    %dma_start3A_803 = tpu.memref_squeeze %dma_start3A_802 : memref<1x64x128xf32, #tpu.memory_space<vmem>> -> memref<64x128xf32, #tpu.memory_space<vmem>>
    tpu.enqueue_dma source(%dma_start3A_803 : memref<64x128xf32, #tpu.memory_space<vmem>>) target(%dma_start3A_799 : memref<64x128xf32, #tpu.memory_space<hbm>>) target_semaphore(%arg31 : memref<!tpu.dma_semaphore, #tpu.memory_space<semaphore_mem>>)
    %dma_wait3A_804 = arith.constant 1 : i32
    %dma_wait3A_805 = arith.constant 1 : i32
    %dma_wait3A_806 = arith.constant 0 : i32
    %dma_wait3A_807 = arith.constant 0 : i32
    %dma_wait3A_808 = tpu.memref_slice %arg19[%dma_wait3A_805, %dma_wait3A_806, %dma_wait3A_807] : memref<2x64x128xf32, #tpu.memory_space<vmem>> -> memref<1x64x128xf32, #tpu.memory_space<vmem>>
    %dma_wait3A_809 = tpu.memref_squeeze %dma_wait3A_808 : memref<1x64x128xf32, #tpu.memory_space<vmem>> -> memref<64x128xf32, #tpu.memory_space<vmem>>
    %dma_wait3A_810 = arith.constant 0 : i32
    %dma_wait3A_811 = tpu.memref_slice %arg13[%dma_wait3A_804, %dma_wait3A_810] : memref<2x64xi32, #tpu.memory_space<vmem>> -> memref<1x64xi32, #tpu.memory_space<vmem>>
    %dma_wait3A_812 = tpu.memref_squeeze %dma_wait3A_811 : memref<1x64xi32, #tpu.memory_space<vmem>> -> memref<64xi32, #tpu.memory_space<vmem>>
    %dma_wait3A_813 = arith.constant 0 : i32
    %dma_wait3A_814 = arith.constant 0 : i32
    %dma_wait3A_815 = tpu.memref_slice %arg6[%dma_wait3A_813, %dma_wait3A_814] : memref<1024x128xf32, #tpu.memory_space<hbm>> -> memref<1024x128xf32, #tpu.memory_space<hbm>>
    tpu.wait_indirect_dma semaphore(%arg26 : memref<!tpu.dma_semaphore, #tpu.memory_space<semaphore_mem>>) src(%dma_wait3A_815 : memref<1024x128xf32, #tpu.memory_space<hbm>>) dst(%dma_wait3A_809 : memref<64x128xf32, #tpu.memory_space<vmem>>)
    %dma_start3A_816 = arith.constant 1 : i32
    %dma_start3A_817 = arith.constant 0 : i32
    %dma_start3A_818 = arith.constant 0 : i32
    %dma_start3A_819 = tpu.memref_slice %arg19[%dma_start3A_816, %dma_start3A_817, %dma_start3A_818] : memref<2x64x128xf32, #tpu.memory_space<vmem>> -> memref<1x64x128xf32, #tpu.memory_space<vmem>>
    %dma_start3A_820 = tpu.memref_squeeze %dma_start3A_819 : memref<1x64x128xf32, #tpu.memory_space<vmem>> -> memref<64x128xf32, #tpu.memory_space<vmem>>
    %dma_start3A_821 = arith.constant 256 : i32
    %dma_start3A_822 = tpu.memref_slice %arg10[%add3A_471, %dma_start3A_821] : memref<8192x768xf32, #tpu.memory_space<hbm>> -> memref<64x128xf32, #tpu.memory_space<hbm>>
    %dma_start3A_823 = arith.constant 256 : i32
    %dma_start3A_824 = tpu.memref_slice %arg10[%add3A_471, %dma_start3A_823] : memref<8192x768xf32, #tpu.memory_space<hbm>> -> memref<64x128xf32, #tpu.memory_space<hbm>>
    %dma_start3A_825 = arith.constant 0 : i32
    %dma_start3A_826 = arith.constant 0 : i32
    %dma_start3A_827 = tpu.memref_slice %arg19[%dma_start3A_816, %dma_start3A_825, %dma_start3A_826] : memref<2x64x128xf32, #tpu.memory_space<vmem>> -> memref<1x64x128xf32, #tpu.memory_space<vmem>>
    %dma_start3A_828 = tpu.memref_squeeze %dma_start3A_827 : memref<1x64x128xf32, #tpu.memory_space<vmem>> -> memref<64x128xf32, #tpu.memory_space<vmem>>
    tpu.enqueue_dma source(%dma_start3A_828 : memref<64x128xf32, #tpu.memory_space<vmem>>) target(%dma_start3A_824 : memref<64x128xf32, #tpu.memory_space<hbm>>) target_semaphore(%arg32 : memref<!tpu.dma_semaphore, #tpu.memory_space<semaphore_mem>>)
    %dma_wait3A_829 = arith.constant 1 : i32
    %dma_wait3A_830 = arith.constant 1 : i32
    %dma_wait3A_831 = arith.constant 0 : i32
    %dma_wait3A_832 = arith.constant 0 : i32
    %dma_wait3A_833 = tpu.memref_slice %arg20[%dma_wait3A_830, %dma_wait3A_831, %dma_wait3A_832] : memref<2x64x128xf32, #tpu.memory_space<vmem>> -> memref<1x64x128xf32, #tpu.memory_space<vmem>>
    %dma_wait3A_834 = tpu.memref_squeeze %dma_wait3A_833 : memref<1x64x128xf32, #tpu.memory_space<vmem>> -> memref<64x128xf32, #tpu.memory_space<vmem>>
    %dma_wait3A_835 = arith.constant 0 : i32
    %dma_wait3A_836 = tpu.memref_slice %arg14[%dma_wait3A_829, %dma_wait3A_835] : memref<2x64xi32, #tpu.memory_space<vmem>> -> memref<1x64xi32, #tpu.memory_space<vmem>>
    %dma_wait3A_837 = tpu.memref_squeeze %dma_wait3A_836 : memref<1x64xi32, #tpu.memory_space<vmem>> -> memref<64xi32, #tpu.memory_space<vmem>>
    %dma_wait3A_838 = arith.constant 0 : i32
    %dma_wait3A_839 = arith.constant 0 : i32
    %dma_wait3A_840 = tpu.memref_slice %arg7[%dma_wait3A_838, %dma_wait3A_839] : memref<1024x128xf32, #tpu.memory_space<hbm>> -> memref<1024x128xf32, #tpu.memory_space<hbm>>
    tpu.wait_indirect_dma semaphore(%arg27 : memref<!tpu.dma_semaphore, #tpu.memory_space<semaphore_mem>>) src(%dma_wait3A_840 : memref<1024x128xf32, #tpu.memory_space<hbm>>) dst(%dma_wait3A_834 : memref<64x128xf32, #tpu.memory_space<vmem>>)
    %dma_start3A_841 = arith.constant 1 : i32
    %dma_start3A_842 = arith.constant 0 : i32
    %dma_start3A_843 = arith.constant 0 : i32
    %dma_start3A_844 = tpu.memref_slice %arg20[%dma_start3A_841, %dma_start3A_842, %dma_start3A_843] : memref<2x64x128xf32, #tpu.memory_space<vmem>> -> memref<1x64x128xf32, #tpu.memory_space<vmem>>
    %dma_start3A_845 = tpu.memref_squeeze %dma_start3A_844 : memref<1x64x128xf32, #tpu.memory_space<vmem>> -> memref<64x128xf32, #tpu.memory_space<vmem>>
    %dma_start3A_846 = arith.constant 384 : i32
    %dma_start3A_847 = tpu.memref_slice %arg10[%add3A_471, %dma_start3A_846] : memref<8192x768xf32, #tpu.memory_space<hbm>> -> memref<64x128xf32, #tpu.memory_space<hbm>>
    %dma_start3A_848 = arith.constant 384 : i32
    %dma_start3A_849 = tpu.memref_slice %arg10[%add3A_471, %dma_start3A_848] : memref<8192x768xf32, #tpu.memory_space<hbm>> -> memref<64x128xf32, #tpu.memory_space<hbm>>
    %dma_start3A_850 = arith.constant 0 : i32
    %dma_start3A_851 = arith.constant 0 : i32
    %dma_start3A_852 = tpu.memref_slice %arg20[%dma_start3A_841, %dma_start3A_850, %dma_start3A_851] : memref<2x64x128xf32, #tpu.memory_space<vmem>> -> memref<1x64x128xf32, #tpu.memory_space<vmem>>
    %dma_start3A_853 = tpu.memref_squeeze %dma_start3A_852 : memref<1x64x128xf32, #tpu.memory_space<vmem>> -> memref<64x128xf32, #tpu.memory_space<vmem>>
    tpu.enqueue_dma source(%dma_start3A_853 : memref<64x128xf32, #tpu.memory_space<vmem>>) target(%dma_start3A_849 : memref<64x128xf32, #tpu.memory_space<hbm>>) target_semaphore(%arg33 : memref<!tpu.dma_semaphore, #tpu.memory_space<semaphore_mem>>)
    %dma_wait3A_854 = arith.constant 1 : i32
    %dma_wait3A_855 = arith.constant 1 : i32
    %dma_wait3A_856 = arith.constant 0 : i32
    %dma_wait3A_857 = arith.constant 0 : i32
    %dma_wait3A_858 = tpu.memref_slice %arg21[%dma_wait3A_855, %dma_wait3A_856, %dma_wait3A_857] : memref<2x64x128xf32, #tpu.memory_space<vmem>> -> memref<1x64x128xf32, #tpu.memory_space<vmem>>
    %dma_wait3A_859 = tpu.memref_squeeze %dma_wait3A_858 : memref<1x64x128xf32, #tpu.memory_space<vmem>> -> memref<64x128xf32, #tpu.memory_space<vmem>>
    %dma_wait3A_860 = arith.constant 0 : i32
    %dma_wait3A_861 = tpu.memref_slice %arg15[%dma_wait3A_854, %dma_wait3A_860] : memref<2x64xi32, #tpu.memory_space<vmem>> -> memref<1x64xi32, #tpu.memory_space<vmem>>
    %dma_wait3A_862 = tpu.memref_squeeze %dma_wait3A_861 : memref<1x64xi32, #tpu.memory_space<vmem>> -> memref<64xi32, #tpu.memory_space<vmem>>
    %dma_wait3A_863 = arith.constant 0 : i32
    %dma_wait3A_864 = arith.constant 0 : i32
    %dma_wait3A_865 = tpu.memref_slice %arg8[%dma_wait3A_863, %dma_wait3A_864] : memref<1024x128xf32, #tpu.memory_space<hbm>> -> memref<1024x128xf32, #tpu.memory_space<hbm>>
    tpu.wait_indirect_dma semaphore(%arg28 : memref<!tpu.dma_semaphore, #tpu.memory_space<semaphore_mem>>) src(%dma_wait3A_865 : memref<1024x128xf32, #tpu.memory_space<hbm>>) dst(%dma_wait3A_859 : memref<64x128xf32, #tpu.memory_space<vmem>>)
    %dma_start3A_866 = arith.constant 1 : i32
    %dma_start3A_867 = arith.constant 0 : i32
    %dma_start3A_868 = arith.constant 0 : i32
    %dma_start3A_869 = tpu.memref_slice %arg21[%dma_start3A_866, %dma_start3A_867, %dma_start3A_868] : memref<2x64x128xf32, #tpu.memory_space<vmem>> -> memref<1x64x128xf32, #tpu.memory_space<vmem>>
    %dma_start3A_870 = tpu.memref_squeeze %dma_start3A_869 : memref<1x64x128xf32, #tpu.memory_space<vmem>> -> memref<64x128xf32, #tpu.memory_space<vmem>>
    %dma_start3A_871 = arith.constant 512 : i32
    %dma_start3A_872 = tpu.memref_slice %arg10[%add3A_471, %dma_start3A_871] : memref<8192x768xf32, #tpu.memory_space<hbm>> -> memref<64x128xf32, #tpu.memory_space<hbm>>
    %dma_start3A_873 = arith.constant 512 : i32
    %dma_start3A_874 = tpu.memref_slice %arg10[%add3A_471, %dma_start3A_873] : memref<8192x768xf32, #tpu.memory_space<hbm>> -> memref<64x128xf32, #tpu.memory_space<hbm>>
    %dma_start3A_875 = arith.constant 0 : i32
    %dma_start3A_876 = arith.constant 0 : i32
    %dma_start3A_877 = tpu.memref_slice %arg21[%dma_start3A_866, %dma_start3A_875, %dma_start3A_876] : memref<2x64x128xf32, #tpu.memory_space<vmem>> -> memref<1x64x128xf32, #tpu.memory_space<vmem>>
    %dma_start3A_878 = tpu.memref_squeeze %dma_start3A_877 : memref<1x64x128xf32, #tpu.memory_space<vmem>> -> memref<64x128xf32, #tpu.memory_space<vmem>>
    tpu.enqueue_dma source(%dma_start3A_878 : memref<64x128xf32, #tpu.memory_space<vmem>>) target(%dma_start3A_874 : memref<64x128xf32, #tpu.memory_space<hbm>>) target_semaphore(%arg34 : memref<!tpu.dma_semaphore, #tpu.memory_space<semaphore_mem>>)
    %dma_wait3A_879 = arith.constant 1 : i32
    %dma_wait3A_880 = arith.constant 1 : i32
    %dma_wait3A_881 = arith.constant 0 : i32
    %dma_wait3A_882 = arith.constant 0 : i32
    %dma_wait3A_883 = tpu.memref_slice %arg22[%dma_wait3A_880, %dma_wait3A_881, %dma_wait3A_882] : memref<2x64x128xf32, #tpu.memory_space<vmem>> -> memref<1x64x128xf32, #tpu.memory_space<vmem>>
    %dma_wait3A_884 = tpu.memref_squeeze %dma_wait3A_883 : memref<1x64x128xf32, #tpu.memory_space<vmem>> -> memref<64x128xf32, #tpu.memory_space<vmem>>
    %dma_wait3A_885 = arith.constant 0 : i32
    %dma_wait3A_886 = tpu.memref_slice %arg16[%dma_wait3A_879, %dma_wait3A_885] : memref<2x64xi32, #tpu.memory_space<vmem>> -> memref<1x64xi32, #tpu.memory_space<vmem>>
    %dma_wait3A_887 = tpu.memref_squeeze %dma_wait3A_886 : memref<1x64xi32, #tpu.memory_space<vmem>> -> memref<64xi32, #tpu.memory_space<vmem>>
    %dma_wait3A_888 = arith.constant 0 : i32
    %dma_wait3A_889 = arith.constant 0 : i32
    %dma_wait3A_890 = tpu.memref_slice %arg9[%dma_wait3A_888, %dma_wait3A_889] : memref<1024x128xf32, #tpu.memory_space<hbm>> -> memref<1024x128xf32, #tpu.memory_space<hbm>>
    tpu.wait_indirect_dma semaphore(%arg29 : memref<!tpu.dma_semaphore, #tpu.memory_space<semaphore_mem>>) src(%dma_wait3A_890 : memref<1024x128xf32, #tpu.memory_space<hbm>>) dst(%dma_wait3A_884 : memref<64x128xf32, #tpu.memory_space<vmem>>)
    %dma_start3A_891 = arith.constant 1 : i32
    %dma_start3A_892 = arith.constant 0 : i32
    %dma_start3A_893 = arith.constant 0 : i32
    %dma_start3A_894 = tpu.memref_slice %arg22[%dma_start3A_891, %dma_start3A_892, %dma_start3A_893] : memref<2x64x128xf32, #tpu.memory_space<vmem>> -> memref<1x64x128xf32, #tpu.memory_space<vmem>>
    %dma_start3A_895 = tpu.memref_squeeze %dma_start3A_894 : memref<1x64x128xf32, #tpu.memory_space<vmem>> -> memref<64x128xf32, #tpu.memory_space<vmem>>
    %dma_start3A_896 = arith.constant 640 : i32
    %dma_start3A_897 = tpu.memref_slice %arg10[%add3A_471, %dma_start3A_896] : memref<8192x768xf32, #tpu.memory_space<hbm>> -> memref<64x128xf32, #tpu.memory_space<hbm>>
    %dma_start3A_898 = arith.constant 640 : i32
    %dma_start3A_899 = tpu.memref_slice %arg10[%add3A_471, %dma_start3A_898] : memref<8192x768xf32, #tpu.memory_space<hbm>> -> memref<64x128xf32, #tpu.memory_space<hbm>>
    %dma_start3A_900 = arith.constant 0 : i32
    %dma_start3A_901 = arith.constant 0 : i32
    %dma_start3A_902 = tpu.memref_slice %arg22[%dma_start3A_891, %dma_start3A_900, %dma_start3A_901] : memref<2x64x128xf32, #tpu.memory_space<vmem>> -> memref<1x64x128xf32, #tpu.memory_space<vmem>>
    %dma_start3A_903 = tpu.memref_squeeze %dma_start3A_902 : memref<1x64x128xf32, #tpu.memory_space<vmem>> -> memref<64x128xf32, #tpu.memory_space<vmem>>
    tpu.enqueue_dma source(%dma_start3A_903 : memref<64x128xf32, #tpu.memory_space<vmem>>) target(%dma_start3A_899 : memref<64x128xf32, #tpu.memory_space<hbm>>) target_semaphore(%arg35 : memref<!tpu.dma_semaphore, #tpu.memory_space<semaphore_mem>>)
    %add3A_904 = arith.constant 128 : i32
    %add3A_905 = arith.addi %mul3A_2, %add3A_904 : i32
    %dma_wait3A_906 = arith.constant 0 : i32
    %dma_wait3A_907 = arith.constant 0 : i32
    %dma_wait3A_908 = tpu.memref_slice %arg11[%dma_wait3A_906, %dma_wait3A_907] : memref<2x64xi32, #tpu.memory_space<vmem>> -> memref<1x64xi32, #tpu.memory_space<vmem>>
    %dma_wait3A_909 = tpu.memref_squeeze %dma_wait3A_908 : memref<1x64xi32, #tpu.memory_space<vmem>> -> memref<64xi32, #tpu.memory_space<vmem>>
    %dma_wait3A_910 = tpu.memref_slice %arg2[%add3A_717] : memref<8192xi32, #tpu.memory_space<hbm>> -> memref<64xi32, #tpu.memory_space<hbm>>
    %dma_wait3A_911 = arith.constant 0 : i32
    %dma_wait3A_912 = tpu.memref_slice %arg11[%dma_wait3A_906, %dma_wait3A_911] : memref<2x64xi32, #tpu.memory_space<vmem>> -> memref<1x64xi32, #tpu.memory_space<vmem>>
    %dma_wait3A_913 = tpu.memref_squeeze %dma_wait3A_912 : memref<1x64xi32, #tpu.memory_space<vmem>> -> memref<64xi32, #tpu.memory_space<vmem>>
    %dma_wait3A_914 = tpu.memref_slice %arg2[%add3A_717] : memref<8192xi32, #tpu.memory_space<hbm>> -> memref<64xi32, #tpu.memory_space<hbm>>
    tpu.wait_dma2 semaphore(%arg23 : memref<!tpu.dma_semaphore, #tpu.memory_space<semaphore_mem>>) src(%dma_wait3A_914 : memref<64xi32, #tpu.memory_space<hbm>>) dst(%dma_wait3A_913 : memref<64xi32, #tpu.memory_space<vmem>>)
    %dma_wait3A_915 = arith.constant 0 : i32
    %dma_wait3A_916 = arith.constant 0 : i32
    %dma_wait3A_917 = tpu.memref_slice %arg12[%dma_wait3A_915, %dma_wait3A_916] : memref<2x64xi32, #tpu.memory_space<vmem>> -> memref<1x64xi32, #tpu.memory_space<vmem>>
    %dma_wait3A_918 = tpu.memref_squeeze %dma_wait3A_917 : memref<1x64xi32, #tpu.memory_space<vmem>> -> memref<64xi32, #tpu.memory_space<vmem>>
    %dma_wait3A_919 = tpu.memref_slice %arg3[%add3A_717] : memref<8192xi32, #tpu.memory_space<hbm>> -> memref<64xi32, #tpu.memory_space<hbm>>
    %dma_wait3A_920 = arith.constant 0 : i32
    %dma_wait3A_921 = tpu.memref_slice %arg12[%dma_wait3A_915, %dma_wait3A_920] : memref<2x64xi32, #tpu.memory_space<vmem>> -> memref<1x64xi32, #tpu.memory_space<vmem>>
    %dma_wait3A_922 = tpu.memref_squeeze %dma_wait3A_921 : memref<1x64xi32, #tpu.memory_space<vmem>> -> memref<64xi32, #tpu.memory_space<vmem>>
    %dma_wait3A_923 = tpu.memref_slice %arg3[%add3A_717] : memref<8192xi32, #tpu.memory_space<hbm>> -> memref<64xi32, #tpu.memory_space<hbm>>
    tpu.wait_dma2 semaphore(%arg23 : memref<!tpu.dma_semaphore, #tpu.memory_space<semaphore_mem>>) src(%dma_wait3A_923 : memref<64xi32, #tpu.memory_space<hbm>>) dst(%dma_wait3A_922 : memref<64xi32, #tpu.memory_space<vmem>>)
    %dma_wait3A_924 = arith.constant 0 : i32
    %dma_wait3A_925 = arith.constant 0 : i32
    %dma_wait3A_926 = tpu.memref_slice %arg13[%dma_wait3A_924, %dma_wait3A_925] : memref<2x64xi32, #tpu.memory_space<vmem>> -> memref<1x64xi32, #tpu.memory_space<vmem>>
    %dma_wait3A_927 = tpu.memref_squeeze %dma_wait3A_926 : memref<1x64xi32, #tpu.memory_space<vmem>> -> memref<64xi32, #tpu.memory_space<vmem>>
    %dma_wait3A_928 = tpu.memref_slice %arg4[%add3A_717] : memref<8192xi32, #tpu.memory_space<hbm>> -> memref<64xi32, #tpu.memory_space<hbm>>
    %dma_wait3A_929 = arith.constant 0 : i32
    %dma_wait3A_930 = tpu.memref_slice %arg13[%dma_wait3A_924, %dma_wait3A_929] : memref<2x64xi32, #tpu.memory_space<vmem>> -> memref<1x64xi32, #tpu.memory_space<vmem>>
    %dma_wait3A_931 = tpu.memref_squeeze %dma_wait3A_930 : memref<1x64xi32, #tpu.memory_space<vmem>> -> memref<64xi32, #tpu.memory_space<vmem>>
    %dma_wait3A_932 = tpu.memref_slice %arg4[%add3A_717] : memref<8192xi32, #tpu.memory_space<hbm>> -> memref<64xi32, #tpu.memory_space<hbm>>
    tpu.wait_dma2 semaphore(%arg23 : memref<!tpu.dma_semaphore, #tpu.memory_space<semaphore_mem>>) src(%dma_wait3A_932 : memref<64xi32, #tpu.memory_space<hbm>>) dst(%dma_wait3A_931 : memref<64xi32, #tpu.memory_space<vmem>>)
    %dma_wait3A_933 = arith.constant 0 : i32
    %dma_wait3A_934 = arith.constant 0 : i32
    %dma_wait3A_935 = tpu.memref_slice %arg14[%dma_wait3A_933, %dma_wait3A_934] : memref<2x64xi32, #tpu.memory_space<vmem>> -> memref<1x64xi32, #tpu.memory_space<vmem>>
    %dma_wait3A_936 = tpu.memref_squeeze %dma_wait3A_935 : memref<1x64xi32, #tpu.memory_space<vmem>> -> memref<64xi32, #tpu.memory_space<vmem>>
    %dma_wait3A_937 = tpu.memref_slice %arg5[%add3A_717] : memref<8192xi32, #tpu.memory_space<hbm>> -> memref<64xi32, #tpu.memory_space<hbm>>
    %dma_wait3A_938 = arith.constant 0 : i32
    %dma_wait3A_939 = tpu.memref_slice %arg14[%dma_wait3A_933, %dma_wait3A_938] : memref<2x64xi32, #tpu.memory_space<vmem>> -> memref<1x64xi32, #tpu.memory_space<vmem>>
    %dma_wait3A_940 = tpu.memref_squeeze %dma_wait3A_939 : memref<1x64xi32, #tpu.memory_space<vmem>> -> memref<64xi32, #tpu.memory_space<vmem>>
    %dma_wait3A_941 = tpu.memref_slice %arg5[%add3A_717] : memref<8192xi32, #tpu.memory_space<hbm>> -> memref<64xi32, #tpu.memory_space<hbm>>
    tpu.wait_dma2 semaphore(%arg23 : memref<!tpu.dma_semaphore, #tpu.memory_space<semaphore_mem>>) src(%dma_wait3A_941 : memref<64xi32, #tpu.memory_space<hbm>>) dst(%dma_wait3A_940 : memref<64xi32, #tpu.memory_space<vmem>>)
    %get3A_942 = arith.constant 0 : i32
    %get3A_943 = arith.index_cast %get3A_942 : i32 to index
    %get3A_944 = arith.constant 0 : index
    %get3A_945 = tpu.vector_load %arg14[%get3A_943, %get3A_944] {strides = array<i32>} : memref<2x64xi32, #tpu.memory_space<vmem>>, vector<1x16xi32>,
    %get3A_946 = vector.shape_cast %get3A_945 : vector<1x16xi32> to vector<16xi32>
    %get3A_947 = arith.constant 0 : i32
    %get3A_948 = arith.index_cast %get3A_947 : i32 to index
    %get3A_949 = arith.constant 0 : index
    %get3A_950 = tpu.vector_load %arg12[%get3A_948, %get3A_949] {strides = array<i32>} : memref<2x64xi32, #tpu.memory_space<vmem>>, vector<1x16xi32>,
    %get3A_951 = vector.shape_cast %get3A_950 : vector<1x16xi32> to vector<16xi32>
    %sub3A_952 = arith.subi %get3A_946, %get3A_951 : vector<16xi32>
    %swap3A_953 = arith.constant 0 : i32
    %swap3A_954 = arith.index_cast %swap3A_953 : i32 to index
    %swap3A_955 = arith.constant 0 : index
    %swap3A_956 = tpu.vector_load %arg15[%swap3A_954, %swap3A_955] {strides = array<i32>} : memref<2x64xi32, #tpu.memory_space<vmem>>, vector<1x16xi32>,
    %swap3A_957 = vector.shape_cast %swap3A_956 : vector<1x16xi32> to vector<16xi32>
    %swap3A_958 = vector.shape_cast %sub3A_952 : vector<16xi32> to vector<1x16xi32>
    tpu.vector_store %arg15[%swap3A_954, %swap3A_955], %swap3A_958 {strides = array<i32>} : memref<2x64xi32, #tpu.memory_space<vmem>>, vector<1x16xi32>,
    %get3A_959 = arith.constant 0 : i32
    %get3A_960 = arith.index_cast %get3A_959 : i32 to index
    %get3A_961 = arith.constant 0 : index
    %get3A_962 = tpu.vector_load %arg13[%get3A_960, %get3A_961] {strides = array<i32>} : memref<2x64xi32, #tpu.memory_space<vmem>>, vector<1x16xi32>,
    %get3A_963 = vector.shape_cast %get3A_962 : vector<1x16xi32> to vector<16xi32>
    %get3A_964 = arith.constant 0 : i32
    %get3A_965 = arith.index_cast %get3A_964 : i32 to index
    %get3A_966 = arith.constant 0 : index
    %get3A_967 = tpu.vector_load %arg11[%get3A_965, %get3A_966] {strides = array<i32>} : memref<2x64xi32, #tpu.memory_space<vmem>>, vector<1x16xi32>,
    %get3A_968 = vector.shape_cast %get3A_967 : vector<1x16xi32> to vector<16xi32>
    %sub3A_969 = arith.subi %get3A_963, %get3A_968 : vector<16xi32>
    %swap3A_970 = arith.constant 0 : i32
    %swap3A_971 = arith.index_cast %swap3A_970 : i32 to index
    %swap3A_972 = arith.constant 0 : index
    %swap3A_973 = tpu.vector_load %arg16[%swap3A_971, %swap3A_972] {strides = array<i32>} : memref<2x64xi32, #tpu.memory_space<vmem>>, vector<1x16xi32>,
    %swap3A_974 = vector.shape_cast %swap3A_973 : vector<1x16xi32> to vector<16xi32>
    %swap3A_975 = vector.shape_cast %sub3A_969 : vector<16xi32> to vector<1x16xi32>
    tpu.vector_store %arg16[%swap3A_971, %swap3A_972], %swap3A_975 {strides = array<i32>} : memref<2x64xi32, #tpu.memory_space<vmem>>, vector<1x16xi32>,
    %get3A_976 = arith.constant 0 : i32
    %get3A_977 = arith.index_cast %get3A_976 : i32 to index
    %get3A_978 = arith.constant 16 : index
    %get3A_979 = tpu.vector_load %arg14[%get3A_977, %get3A_978] {strides = array<i32>} : memref<2x64xi32, #tpu.memory_space<vmem>>, vector<1x16xi32>,
    %get3A_980 = vector.shape_cast %get3A_979 : vector<1x16xi32> to vector<16xi32>
    %get3A_981 = arith.constant 0 : i32
    %get3A_982 = arith.index_cast %get3A_981 : i32 to index
    %get3A_983 = arith.constant 16 : index
    %get3A_984 = tpu.vector_load %arg12[%get3A_982, %get3A_983] {strides = array<i32>} : memref<2x64xi32, #tpu.memory_space<vmem>>, vector<1x16xi32>,
    %get3A_985 = vector.shape_cast %get3A_984 : vector<1x16xi32> to vector<16xi32>
    %sub3A_986 = arith.subi %get3A_980, %get3A_985 : vector<16xi32>
    %swap3A_987 = arith.constant 0 : i32
    %swap3A_988 = arith.index_cast %swap3A_987 : i32 to index
    %swap3A_989 = arith.constant 16 : index
    %swap3A_990 = tpu.vector_load %arg15[%swap3A_988, %swap3A_989] {strides = array<i32>} : memref<2x64xi32, #tpu.memory_space<vmem>>, vector<1x16xi32>,
    %swap3A_991 = vector.shape_cast %swap3A_990 : vector<1x16xi32> to vector<16xi32>
    %swap3A_992 = vector.shape_cast %sub3A_986 : vector<16xi32> to vector<1x16xi32>
    tpu.vector_store %arg15[%swap3A_988, %swap3A_989], %swap3A_992 {strides = array<i32>} : memref<2x64xi32, #tpu.memory_space<vmem>>, vector<1x16xi32>,
    %get3A_993 = arith.constant 0 : i32
    %get3A_994 = arith.index_cast %get3A_993 : i32 to index
    %get3A_995 = arith.constant 16 : index
    %get3A_996 = tpu.vector_load %arg13[%get3A_994, %get3A_995] {strides = array<i32>} : memref<2x64xi32, #tpu.memory_space<vmem>>, vector<1x16xi32>,
    %get3A_997 = vector.shape_cast %get3A_996 : vector<1x16xi32> to vector<16xi32>
    %get3A_998 = arith.constant 0 : i32
    %get3A_999 = arith.index_cast %get3A_998 : i32 to index
    %get3A_1000 = arith.constant 16 : index
    %get3A_1001 = tpu.vector_load %arg11[%get3A_999, %get3A_1000] {strides = array<i32>} : memref<2x64xi32, #tpu.memory_space<vmem>>, vector<1x16xi32>,
    %get3A_1002 = vector.shape_cast %get3A_1001 : vector<1x16xi32> to vector<16xi32>
    %sub3A_1003 = arith.subi %get3A_997, %get3A_1002 : vector<16xi32>
    %swap3A_1004 = arith.constant 0 : i32
    %swap3A_1005 = arith.index_cast %swap3A_1004 : i32 to index
    %swap3A_1006 = arith.constant 16 : index
    %swap3A_1007 = tpu.vector_load %arg16[%swap3A_1005, %swap3A_1006] {strides = array<i32>} : memref<2x64xi32, #tpu.memory_space<vmem>>, vector<1x16xi32>,
    %swap3A_1008 = vector.shape_cast %swap3A_1007 : vector<1x16xi32> to vector<16xi32>
    %swap3A_1009 = vector.shape_cast %sub3A_1003 : vector<16xi32> to vector<1x16xi32>
    tpu.vector_store %arg16[%swap3A_1005, %swap3A_1006], %swap3A_1009 {strides = array<i32>} : memref<2x64xi32, #tpu.memory_space<vmem>>, vector<1x16xi32>,
    %get3A_1010 = arith.constant 0 : i32
    %get3A_1011 = arith.index_cast %get3A_1010 : i32 to index
    %get3A_1012 = arith.constant 32 : index
    %get3A_1013 = tpu.vector_load %arg14[%get3A_1011, %get3A_1012] {strides = array<i32>} : memref<2x64xi32, #tpu.memory_space<vmem>>, vector<1x16xi32>,
    %get3A_1014 = vector.shape_cast %get3A_1013 : vector<1x16xi32> to vector<16xi32>
    %get3A_1015 = arith.constant 0 : i32
    %get3A_1016 = arith.index_cast %get3A_1015 : i32 to index
    %get3A_1017 = arith.constant 32 : index
    %get3A_1018 = tpu.vector_load %arg12[%get3A_1016, %get3A_1017] {strides = array<i32>} : memref<2x64xi32, #tpu.memory_space<vmem>>, vector<1x16xi32>,
    %get3A_1019 = vector.shape_cast %get3A_1018 : vector<1x16xi32> to vector<16xi32>
    %sub3A_1020 = arith.subi %get3A_1014, %get3A_1019 : vector<16xi32>
    %swap3A_1021 = arith.constant 0 : i32
    %swap3A_1022 = arith.index_cast %swap3A_1021 : i32 to index
    %swap3A_1023 = arith.constant 32 : index
    %swap3A_1024 = tpu.vector_load %arg15[%swap3A_1022, %swap3A_1023] {strides = array<i32>} : memref<2x64xi32, #tpu.memory_space<vmem>>, vector<1x16xi32>,
    %swap3A_1025 = vector.shape_cast %swap3A_1024 : vector<1x16xi32> to vector<16xi32>
    %swap3A_1026 = vector.shape_cast %sub3A_1020 : vector<16xi32> to vector<1x16xi32>
    tpu.vector_store %arg15[%swap3A_1022, %swap3A_1023], %swap3A_1026 {strides = array<i32>} : memref<2x64xi32, #tpu.memory_space<vmem>>, vector<1x16xi32>,
    %get3A_1027 = arith.constant 0 : i32
    %get3A_1028 = arith.index_cast %get3A_1027 : i32 to index
    %get3A_1029 = arith.constant 32 : index
    %get3A_1030 = tpu.vector_load %arg13[%get3A_1028, %get3A_1029] {strides = array<i32>} : memref<2x64xi32, #tpu.memory_space<vmem>>, vector<1x16xi32>,
    %get3A_1031 = vector.shape_cast %get3A_1030 : vector<1x16xi32> to vector<16xi32>
    %get3A_1032 = arith.constant 0 : i32
    %get3A_1033 = arith.index_cast %get3A_1032 : i32 to index
    %get3A_1034 = arith.constant 32 : index
    %get3A_1035 = tpu.vector_load %arg11[%get3A_1033, %get3A_1034] {strides = array<i32>} : memref<2x64xi32, #tpu.memory_space<vmem>>, vector<1x16xi32>,
    %get3A_1036 = vector.shape_cast %get3A_1035 : vector<1x16xi32> to vector<16xi32>
    %sub3A_1037 = arith.subi %get3A_1031, %get3A_1036 : vector<16xi32>
    %swap3A_1038 = arith.constant 0 : i32
    %swap3A_1039 = arith.index_cast %swap3A_1038 : i32 to index
    %swap3A_1040 = arith.constant 32 : index
    %swap3A_1041 = tpu.vector_load %arg16[%swap3A_1039, %swap3A_1040] {strides = array<i32>} : memref<2x64xi32, #tpu.memory_space<vmem>>, vector<1x16xi32>,
    %swap3A_1042 = vector.shape_cast %swap3A_1041 : vector<1x16xi32> to vector<16xi32>
    %swap3A_1043 = vector.shape_cast %sub3A_1037 : vector<16xi32> to vector<1x16xi32>
    tpu.vector_store %arg16[%swap3A_1039, %swap3A_1040], %swap3A_1043 {strides = array<i32>} : memref<2x64xi32, #tpu.memory_space<vmem>>, vector<1x16xi32>,
    %get3A_1044 = arith.constant 0 : i32
    %get3A_1045 = arith.index_cast %get3A_1044 : i32 to index
    %get3A_1046 = arith.constant 48 : index
    %get3A_1047 = tpu.vector_load %arg14[%get3A_1045, %get3A_1046] {strides = array<i32>} : memref<2x64xi32, #tpu.memory_space<vmem>>, vector<1x16xi32>,
    %get3A_1048 = vector.shape_cast %get3A_1047 : vector<1x16xi32> to vector<16xi32>
    %get3A_1049 = arith.constant 0 : i32
    %get3A_1050 = arith.index_cast %get3A_1049 : i32 to index
    %get3A_1051 = arith.constant 48 : index
    %get3A_1052 = tpu.vector_load %arg12[%get3A_1050, %get3A_1051] {strides = array<i32>} : memref<2x64xi32, #tpu.memory_space<vmem>>, vector<1x16xi32>,
    %get3A_1053 = vector.shape_cast %get3A_1052 : vector<1x16xi32> to vector<16xi32>
    %sub3A_1054 = arith.subi %get3A_1048, %get3A_1053 : vector<16xi32>
    %swap3A_1055 = arith.constant 0 : i32
    %swap3A_1056 = arith.index_cast %swap3A_1055 : i32 to index
    %swap3A_1057 = arith.constant 48 : index
    %swap3A_1058 = tpu.vector_load %arg15[%swap3A_1056, %swap3A_1057] {strides = array<i32>} : memref<2x64xi32, #tpu.memory_space<vmem>>, vector<1x16xi32>,
    %swap3A_1059 = vector.shape_cast %swap3A_1058 : vector<1x16xi32> to vector<16xi32>
    %swap3A_1060 = vector.shape_cast %sub3A_1054 : vector<16xi32> to vector<1x16xi32>
    tpu.vector_store %arg15[%swap3A_1056, %swap3A_1057], %swap3A_1060 {strides = array<i32>} : memref<2x64xi32, #tpu.memory_space<vmem>>, vector<1x16xi32>,
    %get3A_1061 = arith.constant 0 : i32
    %get3A_1062 = arith.index_cast %get3A_1061 : i32 to index
    %get3A_1063 = arith.constant 48 : index
    %get3A_1064 = tpu.vector_load %arg13[%get3A_1062, %get3A_1063] {strides = array<i32>} : memref<2x64xi32, #tpu.memory_space<vmem>>, vector<1x16xi32>,
    %get3A_1065 = vector.shape_cast %get3A_1064 : vector<1x16xi32> to vector<16xi32>
    %get3A_1066 = arith.constant 0 : i32
    %get3A_1067 = arith.index_cast %get3A_1066 : i32 to index
    %get3A_1068 = arith.constant 48 : index
    %get3A_1069 = tpu.vector_load %arg11[%get3A_1067, %get3A_1068] {strides = array<i32>} : memref<2x64xi32, #tpu.memory_space<vmem>>, vector<1x16xi32>,
    %get3A_1070 = vector.shape_cast %get3A_1069 : vector<1x16xi32> to vector<16xi32>
    %sub3A_1071 = arith.subi %get3A_1065, %get3A_1070 : vector<16xi32>
    %swap3A_1072 = arith.constant 0 : i32
    %swap3A_1073 = arith.index_cast %swap3A_1072 : i32 to index
    %swap3A_1074 = arith.constant 48 : index
    %swap3A_1075 = tpu.vector_load %arg16[%swap3A_1073, %swap3A_1074] {strides = array<i32>} : memref<2x64xi32, #tpu.memory_space<vmem>>, vector<1x16xi32>,
    %swap3A_1076 = vector.shape_cast %swap3A_1075 : vector<1x16xi32> to vector<16xi32>
    %swap3A_1077 = vector.shape_cast %sub3A_1071 : vector<16xi32> to vector<1x16xi32>
    tpu.vector_store %arg16[%swap3A_1073, %swap3A_1074], %swap3A_1077 {strides = array<i32>} : memref<2x64xi32, #tpu.memory_space<vmem>>, vector<1x16xi32>,
    %dma_wait3A_1078 = arith.constant 0 : i32
    %dma_wait3A_1079 = arith.constant 0 : i32
    %dma_wait3A_1080 = arith.constant 0 : i32
    %dma_wait3A_1081 = tpu.memref_slice %arg17[%dma_wait3A_1078, %dma_wait3A_1079, %dma_wait3A_1080] : memref<2x64x128xf32, #tpu.memory_space<vmem>> -> memref<1x64x128xf32, #tpu.memory_space<vmem>>
    %dma_wait3A_1082 = tpu.memref_squeeze %dma_wait3A_1081 : memref<1x64x128xf32, #tpu.memory_space<vmem>> -> memref<64x128xf32, #tpu.memory_space<vmem>>
    %dma_wait3A_1083 = arith.constant 0 : i32
    %dma_wait3A_1084 = tpu.memref_slice %arg10[%add3A_41, %dma_wait3A_1083] : memref<8192x768xf32, #tpu.memory_space<hbm>> -> memref<64x128xf32, #tpu.memory_space<hbm>>
    %dma_wait3A_1085 = arith.constant 0 : i32
    %dma_wait3A_1086 = tpu.memref_slice %arg10[%add3A_41, %dma_wait3A_1085] : memref<8192x768xf32, #tpu.memory_space<hbm>> -> memref<64x128xf32, #tpu.memory_space<hbm>>
    %dma_wait3A_1087 = arith.constant 0 : i32
    %dma_wait3A_1088 = arith.constant 0 : i32
    %dma_wait3A_1089 = tpu.memref_slice %arg17[%dma_wait3A_1078, %dma_wait3A_1087, %dma_wait3A_1088] : memref<2x64x128xf32, #tpu.memory_space<vmem>> -> memref<1x64x128xf32, #tpu.memory_space<vmem>>
    %dma_wait3A_1090 = tpu.memref_squeeze %dma_wait3A_1089 : memref<1x64x128xf32, #tpu.memory_space<vmem>> -> memref<64x128xf32, #tpu.memory_space<vmem>>
    tpu.wait_dma2 semaphore(%arg30 : memref<!tpu.dma_semaphore, #tpu.memory_space<semaphore_mem>>) src(%dma_wait3A_1090 : memref<64x128xf32, #tpu.memory_space<vmem>>) dst(%dma_wait3A_1086 : memref<64x128xf32, #tpu.memory_space<hbm>>)
    %dma_wait3A_1091 = arith.constant 0 : i32
    %dma_wait3A_1092 = arith.constant 0 : i32
    %dma_wait3A_1093 = arith.constant 0 : i32
    %dma_wait3A_1094 = tpu.memref_slice %arg18[%dma_wait3A_1091, %dma_wait3A_1092, %dma_wait3A_1093] : memref<2x64x128xf32, #tpu.memory_space<vmem>> -> memref<1x64x128xf32, #tpu.memory_space<vmem>>
    %dma_wait3A_1095 = tpu.memref_squeeze %dma_wait3A_1094 : memref<1x64x128xf32, #tpu.memory_space<vmem>> -> memref<64x128xf32, #tpu.memory_space<vmem>>
    %dma_wait3A_1096 = arith.constant 128 : i32
    %dma_wait3A_1097 = tpu.memref_slice %arg10[%add3A_41, %dma_wait3A_1096] : memref<8192x768xf32, #tpu.memory_space<hbm>> -> memref<64x128xf32, #tpu.memory_space<hbm>>
    %dma_wait3A_1098 = arith.constant 128 : i32
    %dma_wait3A_1099 = tpu.memref_slice %arg10[%add3A_41, %dma_wait3A_1098] : memref<8192x768xf32, #tpu.memory_space<hbm>> -> memref<64x128xf32, #tpu.memory_space<hbm>>
    %dma_wait3A_1100 = arith.constant 0 : i32
    %dma_wait3A_1101 = arith.constant 0 : i32
    %dma_wait3A_1102 = tpu.memref_slice %arg18[%dma_wait3A_1091, %dma_wait3A_1100, %dma_wait3A_1101] : memref<2x64x128xf32, #tpu.memory_space<vmem>> -> memref<1x64x128xf32, #tpu.memory_space<vmem>>
    %dma_wait3A_1103 = tpu.memref_squeeze %dma_wait3A_1102 : memref<1x64x128xf32, #tpu.memory_space<vmem>> -> memref<64x128xf32, #tpu.memory_space<vmem>>
    tpu.wait_dma2 semaphore(%arg31 : memref<!tpu.dma_semaphore, #tpu.memory_space<semaphore_mem>>) src(%dma_wait3A_1103 : memref<64x128xf32, #tpu.memory_space<vmem>>) dst(%dma_wait3A_1099 : memref<64x128xf32, #tpu.memory_space<hbm>>)
    %dma_wait3A_1104 = arith.constant 0 : i32
    %dma_wait3A_1105 = arith.constant 0 : i32
    %dma_wait3A_1106 = arith.constant 0 : i32
    %dma_wait3A_1107 = tpu.memref_slice %arg19[%dma_wait3A_1104, %dma_wait3A_1105, %dma_wait3A_1106] : memref<2x64x128xf32, #tpu.memory_space<vmem>> -> memref<1x64x128xf32, #tpu.memory_space<vmem>>
    %dma_wait3A_1108 = tpu.memref_squeeze %dma_wait3A_1107 : memref<1x64x128xf32, #tpu.memory_space<vmem>> -> memref<64x128xf32, #tpu.memory_space<vmem>>
    %dma_wait3A_1109 = arith.constant 256 : i32
    %dma_wait3A_1110 = tpu.memref_slice %arg10[%add3A_41, %dma_wait3A_1109] : memref<8192x768xf32, #tpu.memory_space<hbm>> -> memref<64x128xf32, #tpu.memory_space<hbm>>
    %dma_wait3A_1111 = arith.constant 256 : i32
    %dma_wait3A_1112 = tpu.memref_slice %arg10[%add3A_41, %dma_wait3A_1111] : memref<8192x768xf32, #tpu.memory_space<hbm>> -> memref<64x128xf32, #tpu.memory_space<hbm>>
    %dma_wait3A_1113 = arith.constant 0 : i32
    %dma_wait3A_1114 = arith.constant 0 : i32
    %dma_wait3A_1115 = tpu.memref_slice %arg19[%dma_wait3A_1104, %dma_wait3A_1113, %dma_wait3A_1114] : memref<2x64x128xf32, #tpu.memory_space<vmem>> -> memref<1x64x128xf32, #tpu.memory_space<vmem>>
    %dma_wait3A_1116 = tpu.memref_squeeze %dma_wait3A_1115 : memref<1x64x128xf32, #tpu.memory_space<vmem>> -> memref<64x128xf32, #tpu.memory_space<vmem>>
    tpu.wait_dma2 semaphore(%arg32 : memref<!tpu.dma_semaphore, #tpu.memory_space<semaphore_mem>>) src(%dma_wait3A_1116 : memref<64x128xf32, #tpu.memory_space<vmem>>) dst(%dma_wait3A_1112 : memref<64x128xf32, #tpu.memory_space<hbm>>)
    %dma_wait3A_1117 = arith.constant 0 : i32
    %dma_wait3A_1118 = arith.constant 0 : i32
    %dma_wait3A_1119 = arith.constant 0 : i32
    %dma_wait3A_1120 = tpu.memref_slice %arg20[%dma_wait3A_1117, %dma_wait3A_1118, %dma_wait3A_1119] : memref<2x64x128xf32, #tpu.memory_space<vmem>> -> memref<1x64x128xf32, #tpu.memory_space<vmem>>
    %dma_wait3A_1121 = tpu.memref_squeeze %dma_wait3A_1120 : memref<1x64x128xf32, #tpu.memory_space<vmem>> -> memref<64x128xf32, #tpu.memory_space<vmem>>
    %dma_wait3A_1122 = arith.constant 384 : i32
    %dma_wait3A_1123 = tpu.memref_slice %arg10[%add3A_41, %dma_wait3A_1122] : memref<8192x768xf32, #tpu.memory_space<hbm>> -> memref<64x128xf32, #tpu.memory_space<hbm>>
    %dma_wait3A_1124 = arith.constant 384 : i32
    %dma_wait3A_1125 = tpu.memref_slice %arg10[%add3A_41, %dma_wait3A_1124] : memref<8192x768xf32, #tpu.memory_space<hbm>> -> memref<64x128xf32, #tpu.memory_space<hbm>>
    %dma_wait3A_1126 = arith.constant 0 : i32
    %dma_wait3A_1127 = arith.constant 0 : i32
    %dma_wait3A_1128 = tpu.memref_slice %arg20[%dma_wait3A_1117, %dma_wait3A_1126, %dma_wait3A_1127] : memref<2x64x128xf32, #tpu.memory_space<vmem>> -> memref<1x64x128xf32, #tpu.memory_space<vmem>>
    %dma_wait3A_1129 = tpu.memref_squeeze %dma_wait3A_1128 : memref<1x64x128xf32, #tpu.memory_space<vmem>> -> memref<64x128xf32, #tpu.memory_space<vmem>>
    tpu.wait_dma2 semaphore(%arg33 : memref<!tpu.dma_semaphore, #tpu.memory_space<semaphore_mem>>) src(%dma_wait3A_1129 : memref<64x128xf32, #tpu.memory_space<vmem>>) dst(%dma_wait3A_1125 : memref<64x128xf32, #tpu.memory_space<hbm>>)
    %dma_wait3A_1130 = arith.constant 0 : i32
    %dma_wait3A_1131 = arith.constant 0 : i32
    %dma_wait3A_1132 = arith.constant 0 : i32
    %dma_wait3A_1133 = tpu.memref_slice %arg21[%dma_wait3A_1130, %dma_wait3A_1131, %dma_wait3A_1132] : memref<2x64x128xf32, #tpu.memory_space<vmem>> -> memref<1x64x128xf32, #tpu.memory_space<vmem>>
    %dma_wait3A_1134 = tpu.memref_squeeze %dma_wait3A_1133 : memref<1x64x128xf32, #tpu.memory_space<vmem>> -> memref<64x128xf32, #tpu.memory_space<vmem>>
    %dma_wait3A_1135 = arith.constant 512 : i32
    %dma_wait3A_1136 = tpu.memref_slice %arg10[%add3A_41, %dma_wait3A_1135] : memref<8192x768xf32, #tpu.memory_space<hbm>> -> memref<64x128xf32, #tpu.memory_space<hbm>>
    %dma_wait3A_1137 = arith.constant 512 : i32
    %dma_wait3A_1138 = tpu.memref_slice %arg10[%add3A_41, %dma_wait3A_1137] : memref<8192x768xf32, #tpu.memory_space<hbm>> -> memref<64x128xf32, #tpu.memory_space<hbm>>
    %dma_wait3A_1139 = arith.constant 0 : i32
    %dma_wait3A_1140 = arith.constant 0 : i32
    %dma_wait3A_1141 = tpu.memref_slice %arg21[%dma_wait3A_1130, %dma_wait3A_1139, %dma_wait3A_1140] : memref<2x64x128xf32, #tpu.memory_space<vmem>> -> memref<1x64x128xf32, #tpu.memory_space<vmem>>
    %dma_wait3A_1142 = tpu.memref_squeeze %dma_wait3A_1141 : memref<1x64x128xf32, #tpu.memory_space<vmem>> -> memref<64x128xf32, #tpu.memory_space<vmem>>
    tpu.wait_dma2 semaphore(%arg34 : memref<!tpu.dma_semaphore, #tpu.memory_space<semaphore_mem>>) src(%dma_wait3A_1142 : memref<64x128xf32, #tpu.memory_space<vmem>>) dst(%dma_wait3A_1138 : memref<64x128xf32, #tpu.memory_space<hbm>>)
    %dma_wait3A_1143 = arith.constant 0 : i32
    %dma_wait3A_1144 = arith.constant 0 : i32
    %dma_wait3A_1145 = arith.constant 0 : i32
    %dma_wait3A_1146 = tpu.memref_slice %arg22[%dma_wait3A_1143, %dma_wait3A_1144, %dma_wait3A_1145] : memref<2x64x128xf32, #tpu.memory_space<vmem>> -> memref<1x64x128xf32, #tpu.memory_space<vmem>>
    %dma_wait3A_1147 = tpu.memref_squeeze %dma_wait3A_1146 : memref<1x64x128xf32, #tpu.memory_space<vmem>> -> memref<64x128xf32, #tpu.memory_space<vmem>>
    %dma_wait3A_1148 = arith.constant 640 : i32
    %dma_wait3A_1149 = tpu.memref_slice %arg10[%add3A_41, %dma_wait3A_1148] : memref<8192x768xf32, #tpu.memory_space<hbm>> -> memref<64x128xf32, #tpu.memory_space<hbm>>
    %dma_wait3A_1150 = arith.constant 640 : i32
    %dma_wait3A_1151 = tpu.memref_slice %arg10[%add3A_41, %dma_wait3A_1150] : memref<8192x768xf32, #tpu.memory_space<hbm>> -> memref<64x128xf32, #tpu.memory_space<hbm>>
    %dma_wait3A_1152 = arith.constant 0 : i32
    %dma_wait3A_1153 = arith.constant 0 : i32
    %dma_wait3A_1154 = tpu.memref_slice %arg22[%dma_wait3A_1143, %dma_wait3A_1152, %dma_wait3A_1153] : memref<2x64x128xf32, #tpu.memory_space<vmem>> -> memref<1x64x128xf32, #tpu.memory_space<vmem>>
    %dma_wait3A_1155 = tpu.memref_squeeze %dma_wait3A_1154 : memref<1x64x128xf32, #tpu.memory_space<vmem>> -> memref<64x128xf32, #tpu.memory_space<vmem>>
    tpu.wait_dma2 semaphore(%arg35 : memref<!tpu.dma_semaphore, #tpu.memory_space<semaphore_mem>>) src(%dma_wait3A_1155 : memref<64x128xf32, #tpu.memory_space<vmem>>) dst(%dma_wait3A_1151 : memref<64x128xf32, #tpu.memory_space<hbm>>)
    %dma_start3A_1156 = arith.constant 0 : i32
    %dma_start3A_1157 = arith.constant 0 : i32
    %dma_start3A_1158 = arith.constant 0 : i32
    %dma_start3A_1159 = arith.constant 0 : i32
    %dma_start3A_1160 = tpu.memref_slice %arg17[%dma_start3A_1157, %dma_start3A_1158, %dma_start3A_1159] : memref<2x64x128xf32, #tpu.memory_space<vmem>> -> memref<1x64x128xf32, #tpu.memory_space<vmem>>
    %dma_start3A_1161 = tpu.memref_squeeze %dma_start3A_1160 : memref<1x64x128xf32, #tpu.memory_space<vmem>> -> memref<64x128xf32, #tpu.memory_space<vmem>>
    %dma_start3A_1162 = arith.constant 0 : i32
    %dma_start3A_1163 = tpu.memref_slice %arg11[%dma_start3A_1156, %dma_start3A_1162] : memref<2x64xi32, #tpu.memory_space<vmem>> -> memref<1x64xi32, #tpu.memory_space<vmem>>
    %dma_start3A_1164 = tpu.memref_squeeze %dma_start3A_1163 : memref<1x64xi32, #tpu.memory_space<vmem>> -> memref<64xi32, #tpu.memory_space<vmem>>
    %dma_start3A_1165 = arith.constant 0 : i32
    %dma_start3A_1166 = arith.constant 0 : i32
    %dma_start3A_1167 = tpu.memref_slice %arg6[%dma_start3A_1165, %dma_start3A_1166] : memref<1024x128xf32, #tpu.memory_space<hbm>> -> memref<1024x128xf32, #tpu.memory_space<hbm>>
    tpu.enqueue_indirect_dma source(%dma_start3A_1167 : memref<1024x128xf32, #tpu.memory_space<hbm>>) target(%dma_start3A_1161 : memref<64x128xf32, #tpu.memory_space<vmem>>) offsets(%dma_start3A_1164 : memref<64xi32, #tpu.memory_space<vmem>>) semaphore(%arg24 : memref<!tpu.dma_semaphore, #tpu.memory_space<semaphore_mem>>)
    %dma_start3A_1168 = arith.constant 0 : i32
    %dma_start3A_1169 = arith.constant 0 : i32
    %dma_start3A_1170 = arith.constant 0 : i32
    %dma_start3A_1171 = arith.constant 0 : i32
    %dma_start3A_1172 = tpu.memref_slice %arg18[%dma_start3A_1169, %dma_start3A_1170, %dma_start3A_1171] : memref<2x64x128xf32, #tpu.memory_space<vmem>> -> memref<1x64x128xf32, #tpu.memory_space<vmem>>
    %dma_start3A_1173 = tpu.memref_squeeze %dma_start3A_1172 : memref<1x64x128xf32, #tpu.memory_space<vmem>> -> memref<64x128xf32, #tpu.memory_space<vmem>>
    %dma_start3A_1174 = arith.constant 0 : i32
    %dma_start3A_1175 = tpu.memref_slice %arg12[%dma_start3A_1168, %dma_start3A_1174] : memref<2x64xi32, #tpu.memory_space<vmem>> -> memref<1x64xi32, #tpu.memory_space<vmem>>
    %dma_start3A_1176 = tpu.memref_squeeze %dma_start3A_1175 : memref<1x64xi32, #tpu.memory_space<vmem>> -> memref<64xi32, #tpu.memory_space<vmem>>
    %dma_start3A_1177 = arith.constant 0 : i32
    %dma_start3A_1178 = arith.constant 0 : i32
    %dma_start3A_1179 = tpu.memref_slice %arg7[%dma_start3A_1177, %dma_start3A_1178] : memref<1024x128xf32, #tpu.memory_space<hbm>> -> memref<1024x128xf32, #tpu.memory_space<hbm>>
    tpu.enqueue_indirect_dma source(%dma_start3A_1179 : memref<1024x128xf32, #tpu.memory_space<hbm>>) target(%dma_start3A_1173 : memref<64x128xf32, #tpu.memory_space<vmem>>) offsets(%dma_start3A_1176 : memref<64xi32, #tpu.memory_space<vmem>>) semaphore(%arg25 : memref<!tpu.dma_semaphore, #tpu.memory_space<semaphore_mem>>)
    %dma_start3A_1180 = arith.constant 0 : i32
    %dma_start3A_1181 = arith.constant 0 : i32
    %dma_start3A_1182 = arith.constant 0 : i32
    %dma_start3A_1183 = arith.constant 0 : i32
    %dma_start3A_1184 = tpu.memref_slice %arg19[%dma_start3A_1181, %dma_start3A_1182, %dma_start3A_1183] : memref<2x64x128xf32, #tpu.memory_space<vmem>> -> memref<1x64x128xf32, #tpu.memory_space<vmem>>
    %dma_start3A_1185 = tpu.memref_squeeze %dma_start3A_1184 : memref<1x64x128xf32, #tpu.memory_space<vmem>> -> memref<64x128xf32, #tpu.memory_space<vmem>>
    %dma_start3A_1186 = arith.constant 0 : i32
    %dma_start3A_1187 = tpu.memref_slice %arg13[%dma_start3A_1180, %dma_start3A_1186] : memref<2x64xi32, #tpu.memory_space<vmem>> -> memref<1x64xi32, #tpu.memory_space<vmem>>
    %dma_start3A_1188 = tpu.memref_squeeze %dma_start3A_1187 : memref<1x64xi32, #tpu.memory_space<vmem>> -> memref<64xi32, #tpu.memory_space<vmem>>
    %dma_start3A_1189 = arith.constant 0 : i32
    %dma_start3A_1190 = arith.constant 0 : i32
    %dma_start3A_1191 = tpu.memref_slice %arg6[%dma_start3A_1189, %dma_start3A_1190] : memref<1024x128xf32, #tpu.memory_space<hbm>> -> memref<1024x128xf32, #tpu.memory_space<hbm>>
    tpu.enqueue_indirect_dma source(%dma_start3A_1191 : memref<1024x128xf32, #tpu.memory_space<hbm>>) target(%dma_start3A_1185 : memref<64x128xf32, #tpu.memory_space<vmem>>) offsets(%dma_start3A_1188 : memref<64xi32, #tpu.memory_space<vmem>>) semaphore(%arg26 : memref<!tpu.dma_semaphore, #tpu.memory_space<semaphore_mem>>)
    %dma_start3A_1192 = arith.constant 0 : i32
    %dma_start3A_1193 = arith.constant 0 : i32
    %dma_start3A_1194 = arith.constant 0 : i32
    %dma_start3A_1195 = arith.constant 0 : i32
    %dma_start3A_1196 = tpu.memref_slice %arg20[%dma_start3A_1193, %dma_start3A_1194, %dma_start3A_1195] : memref<2x64x128xf32, #tpu.memory_space<vmem>> -> memref<1x64x128xf32, #tpu.memory_space<vmem>>
    %dma_start3A_1197 = tpu.memref_squeeze %dma_start3A_1196 : memref<1x64x128xf32, #tpu.memory_space<vmem>> -> memref<64x128xf32, #tpu.memory_space<vmem>>
    %dma_start3A_1198 = arith.constant 0 : i32
    %dma_start3A_1199 = tpu.memref_slice %arg14[%dma_start3A_1192, %dma_start3A_1198] : memref<2x64xi32, #tpu.memory_space<vmem>> -> memref<1x64xi32, #tpu.memory_space<vmem>>
    %dma_start3A_1200 = tpu.memref_squeeze %dma_start3A_1199 : memref<1x64xi32, #tpu.memory_space<vmem>> -> memref<64xi32, #tpu.memory_space<vmem>>
    %dma_start3A_1201 = arith.constant 0 : i32
    %dma_start3A_1202 = arith.constant 0 : i32
    %dma_start3A_1203 = tpu.memref_slice %arg7[%dma_start3A_1201, %dma_start3A_1202] : memref<1024x128xf32, #tpu.memory_space<hbm>> -> memref<1024x128xf32, #tpu.memory_space<hbm>>
    tpu.enqueue_indirect_dma source(%dma_start3A_1203 : memref<1024x128xf32, #tpu.memory_space<hbm>>) target(%dma_start3A_1197 : memref<64x128xf32, #tpu.memory_space<vmem>>) offsets(%dma_start3A_1200 : memref<64xi32, #tpu.memory_space<vmem>>) semaphore(%arg27 : memref<!tpu.dma_semaphore, #tpu.memory_space<semaphore_mem>>)
    %dma_start3A_1204 = arith.constant 0 : i32
    %dma_start3A_1205 = arith.constant 0 : i32
    %dma_start3A_1206 = arith.constant 0 : i32
    %dma_start3A_1207 = arith.constant 0 : i32
    %dma_start3A_1208 = tpu.memref_slice %arg21[%dma_start3A_1205, %dma_start3A_1206, %dma_start3A_1207] : memref<2x64x128xf32, #tpu.memory_space<vmem>> -> memref<1x64x128xf32, #tpu.memory_space<vmem>>
    %dma_start3A_1209 = tpu.memref_squeeze %dma_start3A_1208 : memref<1x64x128xf32, #tpu.memory_space<vmem>> -> memref<64x128xf32, #tpu.memory_space<vmem>>
    %dma_start3A_1210 = arith.constant 0 : i32
    %dma_start3A_1211 = tpu.memref_slice %arg15[%dma_start3A_1204, %dma_start3A_1210] : memref<2x64xi32, #tpu.memory_space<vmem>> -> memref<1x64xi32, #tpu.memory_space<vmem>>
    %dma_start3A_1212 = tpu.memref_squeeze %dma_start3A_1211 : memref<1x64xi32, #tpu.memory_space<vmem>> -> memref<64xi32, #tpu.memory_space<vmem>>
    %dma_start3A_1213 = arith.constant 0 : i32
    %dma_start3A_1214 = arith.constant 0 : i32
    %dma_start3A_1215 = tpu.memref_slice %arg8[%dma_start3A_1213, %dma_start3A_1214] : memref<1024x128xf32, #tpu.memory_space<hbm>> -> memref<1024x128xf32, #tpu.memory_space<hbm>>
    tpu.enqueue_indirect_dma source(%dma_start3A_1215 : memref<1024x128xf32, #tpu.memory_space<hbm>>) target(%dma_start3A_1209 : memref<64x128xf32, #tpu.memory_space<vmem>>) offsets(%dma_start3A_1212 : memref<64xi32, #tpu.memory_space<vmem>>) semaphore(%arg28 : memref<!tpu.dma_semaphore, #tpu.memory_space<semaphore_mem>>)
    %dma_start3A_1216 = arith.constant 0 : i32
    %dma_start3A_1217 = arith.constant 0 : i32
    %dma_start3A_1218 = arith.constant 0 : i32
    %dma_start3A_1219 = arith.constant 0 : i32
    %dma_start3A_1220 = tpu.memref_slice %arg22[%dma_start3A_1217, %dma_start3A_1218, %dma_start3A_1219] : memref<2x64x128xf32, #tpu.memory_space<vmem>> -> memref<1x64x128xf32, #tpu.memory_space<vmem>>
    %dma_start3A_1221 = tpu.memref_squeeze %dma_start3A_1220 : memref<1x64x128xf32, #tpu.memory_space<vmem>> -> memref<64x128xf32, #tpu.memory_space<vmem>>
    %dma_start3A_1222 = arith.constant 0 : i32
    %dma_start3A_1223 = tpu.memref_slice %arg16[%dma_start3A_1216, %dma_start3A_1222] : memref<2x64xi32, #tpu.memory_space<vmem>> -> memref<1x64xi32, #tpu.memory_space<vmem>>
    %dma_start3A_1224 = tpu.memref_squeeze %dma_start3A_1223 : memref<1x64xi32, #tpu.memory_space<vmem>> -> memref<64xi32, #tpu.memory_space<vmem>>
    %dma_start3A_1225 = arith.constant 0 : i32
    %dma_start3A_1226 = arith.constant 0 : i32
    %dma_start3A_1227 = tpu.memref_slice %arg9[%dma_start3A_1225, %dma_start3A_1226] : memref<1024x128xf32, #tpu.memory_space<hbm>> -> memref<1024x128xf32, #tpu.memory_space<hbm>>
    tpu.enqueue_indirect_dma source(%dma_start3A_1227 : memref<1024x128xf32, #tpu.memory_space<hbm>>) target(%dma_start3A_1221 : memref<64x128xf32, #tpu.memory_space<vmem>>) offsets(%dma_start3A_1224 : memref<64xi32, #tpu.memory_space<vmem>>) semaphore(%arg29 : memref<!tpu.dma_semaphore, #tpu.memory_space<semaphore_mem>>)
    %add3A_1228 = arith.constant 192 : i32
    %add3A_1229 = arith.addi %mul3A_2, %add3A_1228 : i32
    %dma_start3A_1230 = arith.constant 1 : i32
    %dma_start3A_1231 = arith.constant 0 : i32
    %dma_start3A_1232 = tpu.memref_slice %arg11[%dma_start3A_1230, %dma_start3A_1231] : memref<2x64xi32, #tpu.memory_space<vmem>> -> memref<1x64xi32, #tpu.memory_space<vmem>>
    %dma_start3A_1233 = tpu.memref_squeeze %dma_start3A_1232 : memref<1x64xi32, #tpu.memory_space<vmem>> -> memref<64xi32, #tpu.memory_space<vmem>>
    %dma_start3A_1234 = tpu.memref_slice %arg2[%add3A_1229] : memref<8192xi32, #tpu.memory_space<hbm>> -> memref<64xi32, #tpu.memory_space<hbm>>
    %dma_start3A_1235 = arith.constant 0 : i32
    %dma_start3A_1236 = tpu.memref_slice %arg11[%dma_start3A_1230, %dma_start3A_1235] : memref<2x64xi32, #tpu.memory_space<vmem>> -> memref<1x64xi32, #tpu.memory_space<vmem>>
    %dma_start3A_1237 = tpu.memref_squeeze %dma_start3A_1236 : memref<1x64xi32, #tpu.memory_space<vmem>> -> memref<64xi32, #tpu.memory_space<vmem>>
    %dma_start3A_1238 = tpu.memref_slice %arg2[%add3A_1229] : memref<8192xi32, #tpu.memory_space<hbm>> -> memref<64xi32, #tpu.memory_space<hbm>>
    tpu.enqueue_dma source(%dma_start3A_1238 : memref<64xi32, #tpu.memory_space<hbm>>) target(%dma_start3A_1237 : memref<64xi32, #tpu.memory_space<vmem>>) target_semaphore(%arg23 : memref<!tpu.dma_semaphore, #tpu.memory_space<semaphore_mem>>)
    %dma_start3A_1239 = arith.constant 1 : i32
    %dma_start3A_1240 = arith.constant 0 : i32
    %dma_start3A_1241 = tpu.memref_slice %arg12[%dma_start3A_1239, %dma_start3A_1240] : memref<2x64xi32, #tpu.memory_space<vmem>> -> memref<1x64xi32, #tpu.memory_space<vmem>>
    %dma_start3A_1242 = tpu.memref_squeeze %dma_start3A_1241 : memref<1x64xi32, #tpu.memory_space<vmem>> -> memref<64xi32, #tpu.memory_space<vmem>>
    %dma_start3A_1243 = tpu.memref_slice %arg3[%add3A_1229] : memref<8192xi32, #tpu.memory_space<hbm>> -> memref<64xi32, #tpu.memory_space<hbm>>
    %dma_start3A_1244 = arith.constant 0 : i32
    %dma_start3A_1245 = tpu.memref_slice %arg12[%dma_start3A_1239, %dma_start3A_1244] : memref<2x64xi32, #tpu.memory_space<vmem>> -> memref<1x64xi32, #tpu.memory_space<vmem>>
    %dma_start3A_1246 = tpu.memref_squeeze %dma_start3A_1245 : memref<1x64xi32, #tpu.memory_space<vmem>> -> memref<64xi32, #tpu.memory_space<vmem>>
    %dma_start3A_1247 = tpu.memref_slice %arg3[%add3A_1229] : memref<8192xi32, #tpu.memory_space<hbm>> -> memref<64xi32, #tpu.memory_space<hbm>>
    tpu.enqueue_dma source(%dma_start3A_1247 : memref<64xi32, #tpu.memory_space<hbm>>) target(%dma_start3A_1246 : memref<64xi32, #tpu.memory_space<vmem>>) target_semaphore(%arg23 : memref<!tpu.dma_semaphore, #tpu.memory_space<semaphore_mem>>)
    %dma_start3A_1248 = arith.constant 1 : i32
    %dma_start3A_1249 = arith.constant 0 : i32
    %dma_start3A_1250 = tpu.memref_slice %arg13[%dma_start3A_1248, %dma_start3A_1249] : memref<2x64xi32, #tpu.memory_space<vmem>> -> memref<1x64xi32, #tpu.memory_space<vmem>>
    %dma_start3A_1251 = tpu.memref_squeeze %dma_start3A_1250 : memref<1x64xi32, #tpu.memory_space<vmem>> -> memref<64xi32, #tpu.memory_space<vmem>>
    %dma_start3A_1252 = tpu.memref_slice %arg4[%add3A_1229] : memref<8192xi32, #tpu.memory_space<hbm>> -> memref<64xi32, #tpu.memory_space<hbm>>
    %dma_start3A_1253 = arith.constant 0 : i32
    %dma_start3A_1254 = tpu.memref_slice %arg13[%dma_start3A_1248, %dma_start3A_1253] : memref<2x64xi32, #tpu.memory_space<vmem>> -> memref<1x64xi32, #tpu.memory_space<vmem>>
    %dma_start3A_1255 = tpu.memref_squeeze %dma_start3A_1254 : memref<1x64xi32, #tpu.memory_space<vmem>> -> memref<64xi32, #tpu.memory_space<vmem>>
    %dma_start3A_1256 = tpu.memref_slice %arg4[%add3A_1229] : memref<8192xi32, #tpu.memory_space<hbm>> -> memref<64xi32, #tpu.memory_space<hbm>>
    tpu.enqueue_dma source(%dma_start3A_1256 : memref<64xi32, #tpu.memory_space<hbm>>) target(%dma_start3A_1255 : memref<64xi32, #tpu.memory_space<vmem>>) target_semaphore(%arg23 : memref<!tpu.dma_semaphore, #tpu.memory_space<semaphore_mem>>)
    %dma_start3A_1257 = arith.constant 1 : i32
    %dma_start3A_1258 = arith.constant 0 : i32
    %dma_start3A_1259 = tpu.memref_slice %arg14[%dma_start3A_1257, %dma_start3A_1258] : memref<2x64xi32, #tpu.memory_space<vmem>> -> memref<1x64xi32, #tpu.memory_space<vmem>>
    %dma_start3A_1260 = tpu.memref_squeeze %dma_start3A_1259 : memref<1x64xi32, #tpu.memory_space<vmem>> -> memref<64xi32, #tpu.memory_space<vmem>>
    %dma_start3A_1261 = tpu.memref_slice %arg5[%add3A_1229] : memref<8192xi32, #tpu.memory_space<hbm>> -> memref<64xi32, #tpu.memory_space<hbm>>
    %dma_start3A_1262 = arith.constant 0 : i32
    %dma_start3A_1263 = tpu.memref_slice %arg14[%dma_start3A_1257, %dma_start3A_1262] : memref<2x64xi32, #tpu.memory_space<vmem>> -> memref<1x64xi32, #tpu.memory_space<vmem>>
    %dma_start3A_1264 = tpu.memref_squeeze %dma_start3A_1263 : memref<1x64xi32, #tpu.memory_space<vmem>> -> memref<64xi32, #tpu.memory_space<vmem>>
    %dma_start3A_1265 = tpu.memref_slice %arg5[%add3A_1229] : memref<8192xi32, #tpu.memory_space<hbm>> -> memref<64xi32, #tpu.memory_space<hbm>>
    tpu.enqueue_dma source(%dma_start3A_1265 : memref<64xi32, #tpu.memory_space<hbm>>) target(%dma_start3A_1264 : memref<64xi32, #tpu.memory_space<vmem>>) target_semaphore(%arg23 : memref<!tpu.dma_semaphore, #tpu.memory_space<semaphore_mem>>)
    %dma_wait3A_1266 = arith.constant 0 : i32
    %dma_wait3A_1267 = arith.constant 0 : i32
    %dma_wait3A_1268 = arith.constant 0 : i32
    %dma_wait3A_1269 = arith.constant 0 : i32
    %dma_wait3A_1270 = tpu.memref_slice %arg17[%dma_wait3A_1267, %dma_wait3A_1268, %dma_wait3A_1269] : memref<2x64x128xf32, #tpu.memory_space<vmem>> -> memref<1x64x128xf32, #tpu.memory_space<vmem>>
    %dma_wait3A_1271 = tpu.memref_squeeze %dma_wait3A_1270 : memref<1x64x128xf32, #tpu.memory_space<vmem>> -> memref<64x128xf32, #tpu.memory_space<vmem>>
    %dma_wait3A_1272 = arith.constant 0 : i32
    %dma_wait3A_1273 = tpu.memref_slice %arg11[%dma_wait3A_1266, %dma_wait3A_1272] : memref<2x64xi32, #tpu.memory_space<vmem>> -> memref<1x64xi32, #tpu.memory_space<vmem>>
    %dma_wait3A_1274 = tpu.memref_squeeze %dma_wait3A_1273 : memref<1x64xi32, #tpu.memory_space<vmem>> -> memref<64xi32, #tpu.memory_space<vmem>>
    %dma_wait3A_1275 = arith.constant 0 : i32
    %dma_wait3A_1276 = arith.constant 0 : i32
    %dma_wait3A_1277 = tpu.memref_slice %arg6[%dma_wait3A_1275, %dma_wait3A_1276] : memref<1024x128xf32, #tpu.memory_space<hbm>> -> memref<1024x128xf32, #tpu.memory_space<hbm>>
    tpu.wait_indirect_dma semaphore(%arg24 : memref<!tpu.dma_semaphore, #tpu.memory_space<semaphore_mem>>) src(%dma_wait3A_1277 : memref<1024x128xf32, #tpu.memory_space<hbm>>) dst(%dma_wait3A_1271 : memref<64x128xf32, #tpu.memory_space<vmem>>)
    %dma_start3A_1278 = arith.constant 0 : i32
    %dma_start3A_1279 = arith.constant 0 : i32
    %dma_start3A_1280 = arith.constant 0 : i32
    %dma_start3A_1281 = tpu.memref_slice %arg17[%dma_start3A_1278, %dma_start3A_1279, %dma_start3A_1280] : memref<2x64x128xf32, #tpu.memory_space<vmem>> -> memref<1x64x128xf32, #tpu.memory_space<vmem>>
    %dma_start3A_1282 = tpu.memref_squeeze %dma_start3A_1281 : memref<1x64x128xf32, #tpu.memory_space<vmem>> -> memref<64x128xf32, #tpu.memory_space<vmem>>
    %dma_start3A_1283 = arith.constant 0 : i32
    %dma_start3A_1284 = tpu.memref_slice %arg10[%add3A_905, %dma_start3A_1283] : memref<8192x768xf32, #tpu.memory_space<hbm>> -> memref<64x128xf32, #tpu.memory_space<hbm>>
    %dma_start3A_1285 = arith.constant 0 : i32
    %dma_start3A_1286 = tpu.memref_slice %arg10[%add3A_905, %dma_start3A_1285] : memref<8192x768xf32, #tpu.memory_space<hbm>> -> memref<64x128xf32, #tpu.memory_space<hbm>>
    %dma_start3A_1287 = arith.constant 0 : i32
    %dma_start3A_1288 = arith.constant 0 : i32
    %dma_start3A_1289 = tpu.memref_slice %arg17[%dma_start3A_1278, %dma_start3A_1287, %dma_start3A_1288] : memref<2x64x128xf32, #tpu.memory_space<vmem>> -> memref<1x64x128xf32, #tpu.memory_space<vmem>>
    %dma_start3A_1290 = tpu.memref_squeeze %dma_start3A_1289 : memref<1x64x128xf32, #tpu.memory_space<vmem>> -> memref<64x128xf32, #tpu.memory_space<vmem>>
    tpu.enqueue_dma source(%dma_start3A_1290 : memref<64x128xf32, #tpu.memory_space<vmem>>) target(%dma_start3A_1286 : memref<64x128xf32, #tpu.memory_space<hbm>>) target_semaphore(%arg30 : memref<!tpu.dma_semaphore, #tpu.memory_space<semaphore_mem>>)
    %dma_wait3A_1291 = arith.constant 0 : i32
    %dma_wait3A_1292 = arith.constant 0 : i32
    %dma_wait3A_1293 = arith.constant 0 : i32
    %dma_wait3A_1294 = arith.constant 0 : i32
    %dma_wait3A_1295 = tpu.memref_slice %arg18[%dma_wait3A_1292, %dma_wait3A_1293, %dma_wait3A_1294] : memref<2x64x128xf32, #tpu.memory_space<vmem>> -> memref<1x64x128xf32, #tpu.memory_space<vmem>>
    %dma_wait3A_1296 = tpu.memref_squeeze %dma_wait3A_1295 : memref<1x64x128xf32, #tpu.memory_space<vmem>> -> memref<64x128xf32, #tpu.memory_space<vmem>>
    %dma_wait3A_1297 = arith.constant 0 : i32
    %dma_wait3A_1298 = tpu.memref_slice %arg12[%dma_wait3A_1291, %dma_wait3A_1297] : memref<2x64xi32, #tpu.memory_space<vmem>> -> memref<1x64xi32, #tpu.memory_space<vmem>>
    %dma_wait3A_1299 = tpu.memref_squeeze %dma_wait3A_1298 : memref<1x64xi32, #tpu.memory_space<vmem>> -> memref<64xi32, #tpu.memory_space<vmem>>
    %dma_wait3A_1300 = arith.constant 0 : i32
    %dma_wait3A_1301 = arith.constant 0 : i32
    %dma_wait3A_1302 = tpu.memref_slice %arg7[%dma_wait3A_1300, %dma_wait3A_1301] : memref<1024x128xf32, #tpu.memory_space<hbm>> -> memref<1024x128xf32, #tpu.memory_space<hbm>>
    tpu.wait_indirect_dma semaphore(%arg25 : memref<!tpu.dma_semaphore, #tpu.memory_space<semaphore_mem>>) src(%dma_wait3A_1302 : memref<1024x128xf32, #tpu.memory_space<hbm>>) dst(%dma_wait3A_1296 : memref<64x128xf32, #tpu.memory_space<vmem>>)
    %dma_start3A_1303 = arith.constant 0 : i32
    %dma_start3A_1304 = arith.constant 0 : i32
    %dma_start3A_1305 = arith.constant 0 : i32
    %dma_start3A_1306 = tpu.memref_slice %arg18[%dma_start3A_1303, %dma_start3A_1304, %dma_start3A_1305] : memref<2x64x128xf32, #tpu.memory_space<vmem>> -> memref<1x64x128xf32, #tpu.memory_space<vmem>>
    %dma_start3A_1307 = tpu.memref_squeeze %dma_start3A_1306 : memref<1x64x128xf32, #tpu.memory_space<vmem>> -> memref<64x128xf32, #tpu.memory_space<vmem>>
    %dma_start3A_1308 = arith.constant 128 : i32
    %dma_start3A_1309 = tpu.memref_slice %arg10[%add3A_905, %dma_start3A_1308] : memref<8192x768xf32, #tpu.memory_space<hbm>> -> memref<64x128xf32, #tpu.memory_space<hbm>>
    %dma_start3A_1310 = arith.constant 128 : i32
    %dma_start3A_1311 = tpu.memref_slice %arg10[%add3A_905, %dma_start3A_1310] : memref<8192x768xf32, #tpu.memory_space<hbm>> -> memref<64x128xf32, #tpu.memory_space<hbm>>
    %dma_start3A_1312 = arith.constant 0 : i32
    %dma_start3A_1313 = arith.constant 0 : i32
    %dma_start3A_1314 = tpu.memref_slice %arg18[%dma_start3A_1303, %dma_start3A_1312, %dma_start3A_1313] : memref<2x64x128xf32, #tpu.memory_space<vmem>> -> memref<1x64x128xf32, #tpu.memory_space<vmem>>
    %dma_start3A_1315 = tpu.memref_squeeze %dma_start3A_1314 : memref<1x64x128xf32, #tpu.memory_space<vmem>> -> memref<64x128xf32, #tpu.memory_space<vmem>>
    tpu.enqueue_dma source(%dma_start3A_1315 : memref<64x128xf32, #tpu.memory_space<vmem>>) target(%dma_start3A_1311 : memref<64x128xf32, #tpu.memory_space<hbm>>) target_semaphore(%arg31 : memref<!tpu.dma_semaphore, #tpu.memory_space<semaphore_mem>>)
    %dma_wait3A_1316 = arith.constant 0 : i32
    %dma_wait3A_1317 = arith.constant 0 : i32
    %dma_wait3A_1318 = arith.constant 0 : i32
    %dma_wait3A_1319 = arith.constant 0 : i32
    %dma_wait3A_1320 = tpu.memref_slice %arg19[%dma_wait3A_1317, %dma_wait3A_1318, %dma_wait3A_1319] : memref<2x64x128xf32, #tpu.memory_space<vmem>> -> memref<1x64x128xf32, #tpu.memory_space<vmem>>
    %dma_wait3A_1321 = tpu.memref_squeeze %dma_wait3A_1320 : memref<1x64x128xf32, #tpu.memory_space<vmem>> -> memref<64x128xf32, #tpu.memory_space<vmem>>
    %dma_wait3A_1322 = arith.constant 0 : i32
    %dma_wait3A_1323 = tpu.memref_slice %arg13[%dma_wait3A_1316, %dma_wait3A_1322] : memref<2x64xi32, #tpu.memory_space<vmem>> -> memref<1x64xi32, #tpu.memory_space<vmem>>
    %dma_wait3A_1324 = tpu.memref_squeeze %dma_wait3A_1323 : memref<1x64xi32, #tpu.memory_space<vmem>> -> memref<64xi32, #tpu.memory_space<vmem>>
    %dma_wait3A_1325 = arith.constant 0 : i32
    %dma_wait3A_1326 = arith.constant 0 : i32
    %dma_wait3A_1327 = tpu.memref_slice %arg6[%dma_wait3A_1325, %dma_wait3A_1326] : memref<1024x128xf32, #tpu.memory_space<hbm>> -> memref<1024x128xf32, #tpu.memory_space<hbm>>
    tpu.wait_indirect_dma semaphore(%arg26 : memref<!tpu.dma_semaphore, #tpu.memory_space<semaphore_mem>>) src(%dma_wait3A_1327 : memref<1024x128xf32, #tpu.memory_space<hbm>>) dst(%dma_wait3A_1321 : memref<64x128xf32, #tpu.memory_space<vmem>>)
    %dma_start3A_1328 = arith.constant 0 : i32
    %dma_start3A_1329 = arith.constant 0 : i32
    %dma_start3A_1330 = arith.constant 0 : i32
    %dma_start3A_1331 = tpu.memref_slice %arg19[%dma_start3A_1328, %dma_start3A_1329, %dma_start3A_1330] : memref<2x64x128xf32, #tpu.memory_space<vmem>> -> memref<1x64x128xf32, #tpu.memory_space<vmem>>
    %dma_start3A_1332 = tpu.memref_squeeze %dma_start3A_1331 : memref<1x64x128xf32, #tpu.memory_space<vmem>> -> memref<64x128xf32, #tpu.memory_space<vmem>>
    %dma_start3A_1333 = arith.constant 256 : i32
    %dma_start3A_1334 = tpu.memref_slice %arg10[%add3A_905, %dma_start3A_1333] : memref<8192x768xf32, #tpu.memory_space<hbm>> -> memref<64x128xf32, #tpu.memory_space<hbm>>
    %dma_start3A_1335 = arith.constant 256 : i32
    %dma_start3A_1336 = tpu.memref_slice %arg10[%add3A_905, %dma_start3A_1335] : memref<8192x768xf32, #tpu.memory_space<hbm>> -> memref<64x128xf32, #tpu.memory_space<hbm>>
    %dma_start3A_1337 = arith.constant 0 : i32
    %dma_start3A_1338 = arith.constant 0 : i32
    %dma_start3A_1339 = tpu.memref_slice %arg19[%dma_start3A_1328, %dma_start3A_1337, %dma_start3A_1338] : memref<2x64x128xf32, #tpu.memory_space<vmem>> -> memref<1x64x128xf32, #tpu.memory_space<vmem>>
    %dma_start3A_1340 = tpu.memref_squeeze %dma_start3A_1339 : memref<1x64x128xf32, #tpu.memory_space<vmem>> -> memref<64x128xf32, #tpu.memory_space<vmem>>
    tpu.enqueue_dma source(%dma_start3A_1340 : memref<64x128xf32, #tpu.memory_space<vmem>>) target(%dma_start3A_1336 : memref<64x128xf32, #tpu.memory_space<hbm>>) target_semaphore(%arg32 : memref<!tpu.dma_semaphore, #tpu.memory_space<semaphore_mem>>)
    %dma_wait3A_1341 = arith.constant 0 : i32
    %dma_wait3A_1342 = arith.constant 0 : i32
    %dma_wait3A_1343 = arith.constant 0 : i32
    %dma_wait3A_1344 = arith.constant 0 : i32
    %dma_wait3A_1345 = tpu.memref_slice %arg20[%dma_wait3A_1342, %dma_wait3A_1343, %dma_wait3A_1344] : memref<2x64x128xf32, #tpu.memory_space<vmem>> -> memref<1x64x128xf32, #tpu.memory_space<vmem>>
    %dma_wait3A_1346 = tpu.memref_squeeze %dma_wait3A_1345 : memref<1x64x128xf32, #tpu.memory_space<vmem>> -> memref<64x128xf32, #tpu.memory_space<vmem>>
    %dma_wait3A_1347 = arith.constant 0 : i32
    %dma_wait3A_1348 = tpu.memref_slice %arg14[%dma_wait3A_1341, %dma_wait3A_1347] : memref<2x64xi32, #tpu.memory_space<vmem>> -> memref<1x64xi32, #tpu.memory_space<vmem>>
    %dma_wait3A_1349 = tpu.memref_squeeze %dma_wait3A_1348 : memref<1x64xi32, #tpu.memory_space<vmem>> -> memref<64xi32, #tpu.memory_space<vmem>>
    %dma_wait3A_1350 = arith.constant 0 : i32
    %dma_wait3A_1351 = arith.constant 0 : i32
    %dma_wait3A_1352 = tpu.memref_slice %arg7[%dma_wait3A_1350, %dma_wait3A_1351] : memref<1024x128xf32, #tpu.memory_space<hbm>> -> memref<1024x128xf32, #tpu.memory_space<hbm>>
    tpu.wait_indirect_dma semaphore(%arg27 : memref<!tpu.dma_semaphore, #tpu.memory_space<semaphore_mem>>) src(%dma_wait3A_1352 : memref<1024x128xf32, #tpu.memory_space<hbm>>) dst(%dma_wait3A_1346 : memref<64x128xf32, #tpu.memory_space<vmem>>)
    %dma_start3A_1353 = arith.constant 0 : i32
    %dma_start3A_1354 = arith.constant 0 : i32
    %dma_start3A_1355 = arith.constant 0 : i32
    %dma_start3A_1356 = tpu.memref_slice %arg20[%dma_start3A_1353, %dma_start3A_1354, %dma_start3A_1355] : memref<2x64x128xf32, #tpu.memory_space<vmem>> -> memref<1x64x128xf32, #tpu.memory_space<vmem>>
    %dma_start3A_1357 = tpu.memref_squeeze %dma_start3A_1356 : memref<1x64x128xf32, #tpu.memory_space<vmem>> -> memref<64x128xf32, #tpu.memory_space<vmem>>
    %dma_start3A_1358 = arith.constant 384 : i32
    %dma_start3A_1359 = tpu.memref_slice %arg10[%add3A_905, %dma_start3A_1358] : memref<8192x768xf32, #tpu.memory_space<hbm>> -> memref<64x128xf32, #tpu.memory_space<hbm>>
    %dma_start3A_1360 = arith.constant 384 : i32
    %dma_start3A_1361 = tpu.memref_slice %arg10[%add3A_905, %dma_start3A_1360] : memref<8192x768xf32, #tpu.memory_space<hbm>> -> memref<64x128xf32, #tpu.memory_space<hbm>>
    %dma_start3A_1362 = arith.constant 0 : i32
    %dma_start3A_1363 = arith.constant 0 : i32
    %dma_start3A_1364 = tpu.memref_slice %arg20[%dma_start3A_1353, %dma_start3A_1362, %dma_start3A_1363] : memref<2x64x128xf32, #tpu.memory_space<vmem>> -> memref<1x64x128xf32, #tpu.memory_space<vmem>>
    %dma_start3A_1365 = tpu.memref_squeeze %dma_start3A_1364 : memref<1x64x128xf32, #tpu.memory_space<vmem>> -> memref<64x128xf32, #tpu.memory_space<vmem>>
    tpu.enqueue_dma source(%dma_start3A_1365 : memref<64x128xf32, #tpu.memory_space<vmem>>) target(%dma_start3A_1361 : memref<64x128xf32, #tpu.memory_space<hbm>>) target_semaphore(%arg33 : memref<!tpu.dma_semaphore, #tpu.memory_space<semaphore_mem>>)
    %dma_wait3A_1366 = arith.constant 0 : i32
    %dma_wait3A_1367 = arith.constant 0 : i32
    %dma_wait3A_1368 = arith.constant 0 : i32
    %dma_wait3A_1369 = arith.constant 0 : i32
    %dma_wait3A_1370 = tpu.memref_slice %arg21[%dma_wait3A_1367, %dma_wait3A_1368, %dma_wait3A_1369] : memref<2x64x128xf32, #tpu.memory_space<vmem>> -> memref<1x64x128xf32, #tpu.memory_space<vmem>>
    %dma_wait3A_1371 = tpu.memref_squeeze %dma_wait3A_1370 : memref<1x64x128xf32, #tpu.memory_space<vmem>> -> memref<64x128xf32, #tpu.memory_space<vmem>>
    %dma_wait3A_1372 = arith.constant 0 : i32
    %dma_wait3A_1373 = tpu.memref_slice %arg15[%dma_wait3A_1366, %dma_wait3A_1372] : memref<2x64xi32, #tpu.memory_space<vmem>> -> memref<1x64xi32, #tpu.memory_space<vmem>>
    %dma_wait3A_1374 = tpu.memref_squeeze %dma_wait3A_1373 : memref<1x64xi32, #tpu.memory_space<vmem>> -> memref<64xi32, #tpu.memory_space<vmem>>
    %dma_wait3A_1375 = arith.constant 0 : i32
    %dma_wait3A_1376 = arith.constant 0 : i32
    %dma_wait3A_1377 = tpu.memref_slice %arg8[%dma_wait3A_1375, %dma_wait3A_1376] : memref<1024x128xf32, #tpu.memory_space<hbm>> -> memref<1024x128xf32, #tpu.memory_space<hbm>>
    tpu.wait_indirect_dma semaphore(%arg28 : memref<!tpu.dma_semaphore, #tpu.memory_space<semaphore_mem>>) src(%dma_wait3A_1377 : memref<1024x128xf32, #tpu.memory_space<hbm>>) dst(%dma_wait3A_1371 : memref<64x128xf32, #tpu.memory_space<vmem>>)
    %dma_start3A_1378 = arith.constant 0 : i32
    %dma_start3A_1379 = arith.constant 0 : i32
    %dma_start3A_1380 = arith.constant 0 : i32
    %dma_start3A_1381 = tpu.memref_slice %arg21[%dma_start3A_1378, %dma_start3A_1379, %dma_start3A_1380] : memref<2x64x128xf32, #tpu.memory_space<vmem>> -> memref<1x64x128xf32, #tpu.memory_space<vmem>>
    %dma_start3A_1382 = tpu.memref_squeeze %dma_start3A_1381 : memref<1x64x128xf32, #tpu.memory_space<vmem>> -> memref<64x128xf32, #tpu.memory_space<vmem>>
    %dma_start3A_1383 = arith.constant 512 : i32
    %dma_start3A_1384 = tpu.memref_slice %arg10[%add3A_905, %dma_start3A_1383] : memref<8192x768xf32, #tpu.memory_space<hbm>> -> memref<64x128xf32, #tpu.memory_space<hbm>>
    %dma_start3A_1385 = arith.constant 512 : i32
    %dma_start3A_1386 = tpu.memref_slice %arg10[%add3A_905, %dma_start3A_1385] : memref<8192x768xf32, #tpu.memory_space<hbm>> -> memref<64x128xf32, #tpu.memory_space<hbm>>
    %dma_start3A_1387 = arith.constant 0 : i32
    %dma_start3A_1388 = arith.constant 0 : i32
    %dma_start3A_1389 = tpu.memref_slice %arg21[%dma_start3A_1378, %dma_start3A_1387, %dma_start3A_1388] : memref<2x64x128xf32, #tpu.memory_space<vmem>> -> memref<1x64x128xf32, #tpu.memory_space<vmem>>
    %dma_start3A_1390 = tpu.memref_squeeze %dma_start3A_1389 : memref<1x64x128xf32, #tpu.memory_space<vmem>> -> memref<64x128xf32, #tpu.memory_space<vmem>>
    tpu.enqueue_dma source(%dma_start3A_1390 : memref<64x128xf32, #tpu.memory_space<vmem>>) target(%dma_start3A_1386 : memref<64x128xf32, #tpu.memory_space<hbm>>) target_semaphore(%arg34 : memref<!tpu.dma_semaphore, #tpu.memory_space<semaphore_mem>>)
    %dma_wait3A_1391 = arith.constant 0 : i32
    %dma_wait3A_1392 = arith.constant 0 : i32
    %dma_wait3A_1393 = arith.constant 0 : i32
    %dma_wait3A_1394 = arith.constant 0 : i32
    %dma_wait3A_1395 = tpu.memref_slice %arg22[%dma_wait3A_1392, %dma_wait3A_1393, %dma_wait3A_1394] : memref<2x64x128xf32, #tpu.memory_space<vmem>> -> memref<1x64x128xf32, #tpu.memory_space<vmem>>
    %dma_wait3A_1396 = tpu.memref_squeeze %dma_wait3A_1395 : memref<1x64x128xf32, #tpu.memory_space<vmem>> -> memref<64x128xf32, #tpu.memory_space<vmem>>
    %dma_wait3A_1397 = arith.constant 0 : i32
    %dma_wait3A_1398 = tpu.memref_slice %arg16[%dma_wait3A_1391, %dma_wait3A_1397] : memref<2x64xi32, #tpu.memory_space<vmem>> -> memref<1x64xi32, #tpu.memory_space<vmem>>
    %dma_wait3A_1399 = tpu.memref_squeeze %dma_wait3A_1398 : memref<1x64xi32, #tpu.memory_space<vmem>> -> memref<64xi32, #tpu.memory_space<vmem>>
    %dma_wait3A_1400 = arith.constant 0 : i32
    %dma_wait3A_1401 = arith.constant 0 : i32
    %dma_wait3A_1402 = tpu.memref_slice %arg9[%dma_wait3A_1400, %dma_wait3A_1401] : memref<1024x128xf32, #tpu.memory_space<hbm>> -> memref<1024x128xf32, #tpu.memory_space<hbm>>
    tpu.wait_indirect_dma semaphore(%arg29 : memref<!tpu.dma_semaphore, #tpu.memory_space<semaphore_mem>>) src(%dma_wait3A_1402 : memref<1024x128xf32, #tpu.memory_space<hbm>>) dst(%dma_wait3A_1396 : memref<64x128xf32, #tpu.memory_space<vmem>>)
    %dma_start3A_1403 = arith.constant 0 : i32
    %dma_start3A_1404 = arith.constant 0 : i32
    %dma_start3A_1405 = arith.constant 0 : i32
    %dma_start3A_1406 = tpu.memref_slice %arg22[%dma_start3A_1403, %dma_start3A_1404, %dma_start3A_1405] : memref<2x64x128xf32, #tpu.memory_space<vmem>> -> memref<1x64x128xf32, #tpu.memory_space<vmem>>
    %dma_start3A_1407 = tpu.memref_squeeze %dma_start3A_1406 : memref<1x64x128xf32, #tpu.memory_space<vmem>> -> memref<64x128xf32, #tpu.memory_space<vmem>>
    %dma_start3A_1408 = arith.constant 640 : i32
    %dma_start3A_1409 = tpu.memref_slice %arg10[%add3A_905, %dma_start3A_1408] : memref<8192x768xf32, #tpu.memory_space<hbm>> -> memref<64x128xf32, #tpu.memory_space<hbm>>
    %dma_start3A_1410 = arith.constant 640 : i32
    %dma_start3A_1411 = tpu.memref_slice %arg10[%add3A_905, %dma_start3A_1410] : memref<8192x768xf32, #tpu.memory_space<hbm>> -> memref<64x128xf32, #tpu.memory_space<hbm>>
    %dma_start3A_1412 = arith.constant 0 : i32
    %dma_start3A_1413 = arith.constant 0 : i32
    %dma_start3A_1414 = tpu.memref_slice %arg22[%dma_start3A_1403, %dma_start3A_1412, %dma_start3A_1413] : memref<2x64x128xf32, #tpu.memory_space<vmem>> -> memref<1x64x128xf32, #tpu.memory_space<vmem>>
    %dma_start3A_1415 = tpu.memref_squeeze %dma_start3A_1414 : memref<1x64x128xf32, #tpu.memory_space<vmem>> -> memref<64x128xf32, #tpu.memory_space<vmem>>
    tpu.enqueue_dma source(%dma_start3A_1415 : memref<64x128xf32, #tpu.memory_space<vmem>>) target(%dma_start3A_1411 : memref<64x128xf32, #tpu.memory_space<hbm>>) target_semaphore(%arg35 : memref<!tpu.dma_semaphore, #tpu.memory_space<semaphore_mem>>)
    %add3A_1416 = arith.constant 192 : i32
    %add3A_1417 = arith.addi %mul3A_2, %add3A_1416 : i32
    %dma_wait3A_1418 = arith.constant 1 : i32
    %dma_wait3A_1419 = arith.constant 0 : i32
    %dma_wait3A_1420 = tpu.memref_slice %arg11[%dma_wait3A_1418, %dma_wait3A_1419] : memref<2x64xi32, #tpu.memory_space<vmem>> -> memref<1x64xi32, #tpu.memory_space<vmem>>
    %dma_wait3A_1421 = tpu.memref_squeeze %dma_wait3A_1420 : memref<1x64xi32, #tpu.memory_space<vmem>> -> memref<64xi32, #tpu.memory_space<vmem>>
    %dma_wait3A_1422 = tpu.memref_slice %arg2[%add3A_1229] : memref<8192xi32, #tpu.memory_space<hbm>> -> memref<64xi32, #tpu.memory_space<hbm>>
    %dma_wait3A_1423 = arith.constant 0 : i32
    %dma_wait3A_1424 = tpu.memref_slice %arg11[%dma_wait3A_1418, %dma_wait3A_1423] : memref<2x64xi32, #tpu.memory_space<vmem>> -> memref<1x64xi32, #tpu.memory_space<vmem>>
    %dma_wait3A_1425 = tpu.memref_squeeze %dma_wait3A_1424 : memref<1x64xi32, #tpu.memory_space<vmem>> -> memref<64xi32, #tpu.memory_space<vmem>>
    %dma_wait3A_1426 = tpu.memref_slice %arg2[%add3A_1229] : memref<8192xi32, #tpu.memory_space<hbm>> -> memref<64xi32, #tpu.memory_space<hbm>>
    tpu.wait_dma2 semaphore(%arg23 : memref<!tpu.dma_semaphore, #tpu.memory_space<semaphore_mem>>) src(%dma_wait3A_1426 : memref<64xi32, #tpu.memory_space<hbm>>) dst(%dma_wait3A_1425 : memref<64xi32, #tpu.memory_space<vmem>>)
    %dma_wait3A_1427 = arith.constant 1 : i32
    %dma_wait3A_1428 = arith.constant 0 : i32
    %dma_wait3A_1429 = tpu.memref_slice %arg12[%dma_wait3A_1427, %dma_wait3A_1428] : memref<2x64xi32, #tpu.memory_space<vmem>> -> memref<1x64xi32, #tpu.memory_space<vmem>>
    %dma_wait3A_1430 = tpu.memref_squeeze %dma_wait3A_1429 : memref<1x64xi32, #tpu.memory_space<vmem>> -> memref<64xi32, #tpu.memory_space<vmem>>
    %dma_wait3A_1431 = tpu.memref_slice %arg3[%add3A_1229] : memref<8192xi32, #tpu.memory_space<hbm>> -> memref<64xi32, #tpu.memory_space<hbm>>
    %dma_wait3A_1432 = arith.constant 0 : i32
    %dma_wait3A_1433 = tpu.memref_slice %arg12[%dma_wait3A_1427, %dma_wait3A_1432] : memref<2x64xi32, #tpu.memory_space<vmem>> -> memref<1x64xi32, #tpu.memory_space<vmem>>
    %dma_wait3A_1434 = tpu.memref_squeeze %dma_wait3A_1433 : memref<1x64xi32, #tpu.memory_space<vmem>> -> memref<64xi32, #tpu.memory_space<vmem>>
    %dma_wait3A_1435 = tpu.memref_slice %arg3[%add3A_1229] : memref<8192xi32, #tpu.memory_space<hbm>> -> memref<64xi32, #tpu.memory_space<hbm>>
    tpu.wait_dma2 semaphore(%arg23 : memref<!tpu.dma_semaphore, #tpu.memory_space<semaphore_mem>>) src(%dma_wait3A_1435 : memref<64xi32, #tpu.memory_space<hbm>>) dst(%dma_wait3A_1434 : memref<64xi32, #tpu.memory_space<vmem>>)
    %dma_wait3A_1436 = arith.constant 1 : i32
    %dma_wait3A_1437 = arith.constant 0 : i32
    %dma_wait3A_1438 = tpu.memref_slice %arg13[%dma_wait3A_1436, %dma_wait3A_1437] : memref<2x64xi32, #tpu.memory_space<vmem>> -> memref<1x64xi32, #tpu.memory_space<vmem>>
    %dma_wait3A_1439 = tpu.memref_squeeze %dma_wait3A_1438 : memref<1x64xi32, #tpu.memory_space<vmem>> -> memref<64xi32, #tpu.memory_space<vmem>>
    %dma_wait3A_1440 = tpu.memref_slice %arg4[%add3A_1229] : memref<8192xi32, #tpu.memory_space<hbm>> -> memref<64xi32, #tpu.memory_space<hbm>>
    %dma_wait3A_1441 = arith.constant 0 : i32
    %dma_wait3A_1442 = tpu.memref_slice %arg13[%dma_wait3A_1436, %dma_wait3A_1441] : memref<2x64xi32, #tpu.memory_space<vmem>> -> memref<1x64xi32, #tpu.memory_space<vmem>>
    %dma_wait3A_1443 = tpu.memref_squeeze %dma_wait3A_1442 : memref<1x64xi32, #tpu.memory_space<vmem>> -> memref<64xi32, #tpu.memory_space<vmem>>
    %dma_wait3A_1444 = tpu.memref_slice %arg4[%add3A_1229] : memref<8192xi32, #tpu.memory_space<hbm>> -> memref<64xi32, #tpu.memory_space<hbm>>
    tpu.wait_dma2 semaphore(%arg23 : memref<!tpu.dma_semaphore, #tpu.memory_space<semaphore_mem>>) src(%dma_wait3A_1444 : memref<64xi32, #tpu.memory_space<hbm>>) dst(%dma_wait3A_1443 : memref<64xi32, #tpu.memory_space<vmem>>)
    %dma_wait3A_1445 = arith.constant 1 : i32
    %dma_wait3A_1446 = arith.constant 0 : i32
    %dma_wait3A_1447 = tpu.memref_slice %arg14[%dma_wait3A_1445, %dma_wait3A_1446] : memref<2x64xi32, #tpu.memory_space<vmem>> -> memref<1x64xi32, #tpu.memory_space<vmem>>
    %dma_wait3A_1448 = tpu.memref_squeeze %dma_wait3A_1447 : memref<1x64xi32, #tpu.memory_space<vmem>> -> memref<64xi32, #tpu.memory_space<vmem>>
    %dma_wait3A_1449 = tpu.memref_slice %arg5[%add3A_1229] : memref<8192xi32, #tpu.memory_space<hbm>> -> memref<64xi32, #tpu.memory_space<hbm>>
    %dma_wait3A_1450 = arith.constant 0 : i32
    %dma_wait3A_1451 = tpu.memref_slice %arg14[%dma_wait3A_1445, %dma_wait3A_1450] : memref<2x64xi32, #tpu.memory_space<vmem>> -> memref<1x64xi32, #tpu.memory_space<vmem>>
    %dma_wait3A_1452 = tpu.memref_squeeze %dma_wait3A_1451 : memref<1x64xi32, #tpu.memory_space<vmem>> -> memref<64xi32, #tpu.memory_space<vmem>>
    %dma_wait3A_1453 = tpu.memref_slice %arg5[%add3A_1229] : memref<8192xi32, #tpu.memory_space<hbm>> -> memref<64xi32, #tpu.memory_space<hbm>>
    tpu.wait_dma2 semaphore(%arg23 : memref<!tpu.dma_semaphore, #tpu.memory_space<semaphore_mem>>) src(%dma_wait3A_1453 : memref<64xi32, #tpu.memory_space<hbm>>) dst(%dma_wait3A_1452 : memref<64xi32, #tpu.memory_space<vmem>>)
    %get3A_1454 = arith.constant 1 : i32
    %get3A_1455 = arith.index_cast %get3A_1454 : i32 to index
    %get3A_1456 = arith.constant 0 : index
    %get3A_1457 = tpu.vector_load %arg14[%get3A_1455, %get3A_1456] {strides = array<i32>} : memref<2x64xi32, #tpu.memory_space<vmem>>, vector<1x16xi32>,
    %get3A_1458 = vector.shape_cast %get3A_1457 : vector<1x16xi32> to vector<16xi32>
    %get3A_1459 = arith.constant 1 : i32
    %get3A_1460 = arith.index_cast %get3A_1459 : i32 to index
    %get3A_1461 = arith.constant 0 : index
    %get3A_1462 = tpu.vector_load %arg12[%get3A_1460, %get3A_1461] {strides = array<i32>} : memref<2x64xi32, #tpu.memory_space<vmem>>, vector<1x16xi32>,
    %get3A_1463 = vector.shape_cast %get3A_1462 : vector<1x16xi32> to vector<16xi32>
    %sub3A_1464 = arith.subi %get3A_1458, %get3A_1463 : vector<16xi32>
    %swap3A_1465 = arith.constant 1 : i32
    %swap3A_1466 = arith.index_cast %swap3A_1465 : i32 to index
    %swap3A_1467 = arith.constant 0 : index
    %swap3A_1468 = tpu.vector_load %arg15[%swap3A_1466, %swap3A_1467] {strides = array<i32>} : memref<2x64xi32, #tpu.memory_space<vmem>>, vector<1x16xi32>,
    %swap3A_1469 = vector.shape_cast %swap3A_1468 : vector<1x16xi32> to vector<16xi32>
    %swap3A_1470 = vector.shape_cast %sub3A_1464 : vector<16xi32> to vector<1x16xi32>
    tpu.vector_store %arg15[%swap3A_1466, %swap3A_1467], %swap3A_1470 {strides = array<i32>} : memref<2x64xi32, #tpu.memory_space<vmem>>, vector<1x16xi32>,
    %get3A_1471 = arith.constant 1 : i32
    %get3A_1472 = arith.index_cast %get3A_1471 : i32 to index
    %get3A_1473 = arith.constant 0 : index
    %get3A_1474 = tpu.vector_load %arg13[%get3A_1472, %get3A_1473] {strides = array<i32>} : memref<2x64xi32, #tpu.memory_space<vmem>>, vector<1x16xi32>,
    %get3A_1475 = vector.shape_cast %get3A_1474 : vector<1x16xi32> to vector<16xi32>
    %get3A_1476 = arith.constant 1 : i32
    %get3A_1477 = arith.index_cast %get3A_1476 : i32 to index
    %get3A_1478 = arith.constant 0 : index
    %get3A_1479 = tpu.vector_load %arg11[%get3A_1477, %get3A_1478] {strides = array<i32>} : memref<2x64xi32, #tpu.memory_space<vmem>>, vector<1x16xi32>,
    %get3A_1480 = vector.shape_cast %get3A_1479 : vector<1x16xi32> to vector<16xi32>
    %sub3A_1481 = arith.subi %get3A_1475, %get3A_1480 : vector<16xi32>
    %swap3A_1482 = arith.constant 1 : i32
    %swap3A_1483 = arith.index_cast %swap3A_1482 : i32 to index
    %swap3A_1484 = arith.constant 0 : index
    %swap3A_1485 = tpu.vector_load %arg16[%swap3A_1483, %swap3A_1484] {strides = array<i32>} : memref<2x64xi32, #tpu.memory_space<vmem>>, vector<1x16xi32>,
    %swap3A_1486 = vector.shape_cast %swap3A_1485 : vector<1x16xi32> to vector<16xi32>
    %swap3A_1487 = vector.shape_cast %sub3A_1481 : vector<16xi32> to vector<1x16xi32>
    tpu.vector_store %arg16[%swap3A_1483, %swap3A_1484], %swap3A_1487 {strides = array<i32>} : memref<2x64xi32, #tpu.memory_space<vmem>>, vector<1x16xi32>,
    %get3A_1488 = arith.constant 1 : i32
    %get3A_1489 = arith.index_cast %get3A_1488 : i32 to index
    %get3A_1490 = arith.constant 16 : index
    %get3A_1491 = tpu.vector_load %arg14[%get3A_1489, %get3A_1490] {strides = array<i32>} : memref<2x64xi32, #tpu.memory_space<vmem>>, vector<1x16xi32>,
    %get3A_1492 = vector.shape_cast %get3A_1491 : vector<1x16xi32> to vector<16xi32>
    %get3A_1493 = arith.constant 1 : i32
    %get3A_1494 = arith.index_cast %get3A_1493 : i32 to index
    %get3A_1495 = arith.constant 16 : index
    %get3A_1496 = tpu.vector_load %arg12[%get3A_1494, %get3A_1495] {strides = array<i32>} : memref<2x64xi32, #tpu.memory_space<vmem>>, vector<1x16xi32>,
    %get3A_1497 = vector.shape_cast %get3A_1496 : vector<1x16xi32> to vector<16xi32>
    %sub3A_1498 = arith.subi %get3A_1492, %get3A_1497 : vector<16xi32>
    %swap3A_1499 = arith.constant 1 : i32
    %swap3A_1500 = arith.index_cast %swap3A_1499 : i32 to index
    %swap3A_1501 = arith.constant 16 : index
    %swap3A_1502 = tpu.vector_load %arg15[%swap3A_1500, %swap3A_1501] {strides = array<i32>} : memref<2x64xi32, #tpu.memory_space<vmem>>, vector<1x16xi32>,
    %swap3A_1503 = vector.shape_cast %swap3A_1502 : vector<1x16xi32> to vector<16xi32>
    %swap3A_1504 = vector.shape_cast %sub3A_1498 : vector<16xi32> to vector<1x16xi32>
    tpu.vector_store %arg15[%swap3A_1500, %swap3A_1501], %swap3A_1504 {strides = array<i32>} : memref<2x64xi32, #tpu.memory_space<vmem>>, vector<1x16xi32>,
    %get3A_1505 = arith.constant 1 : i32
    %get3A_1506 = arith.index_cast %get3A_1505 : i32 to index
    %get3A_1507 = arith.constant 16 : index
    %get3A_1508 = tpu.vector_load %arg13[%get3A_1506, %get3A_1507] {strides = array<i32>} : memref<2x64xi32, #tpu.memory_space<vmem>>, vector<1x16xi32>,
    %get3A_1509 = vector.shape_cast %get3A_1508 : vector<1x16xi32> to vector<16xi32>
    %get3A_1510 = arith.constant 1 : i32
    %get3A_1511 = arith.index_cast %get3A_1510 : i32 to index
    %get3A_1512 = arith.constant 16 : index
    %get3A_1513 = tpu.vector_load %arg11[%get3A_1511, %get3A_1512] {strides = array<i32>} : memref<2x64xi32, #tpu.memory_space<vmem>>, vector<1x16xi32>,
    %get3A_1514 = vector.shape_cast %get3A_1513 : vector<1x16xi32> to vector<16xi32>
    %sub3A_1515 = arith.subi %get3A_1509, %get3A_1514 : vector<16xi32>
    %swap3A_1516 = arith.constant 1 : i32
    %swap3A_1517 = arith.index_cast %swap3A_1516 : i32 to index
    %swap3A_1518 = arith.constant 16 : index
    %swap3A_1519 = tpu.vector_load %arg16[%swap3A_1517, %swap3A_1518] {strides = array<i32>} : memref<2x64xi32, #tpu.memory_space<vmem>>, vector<1x16xi32>,
    %swap3A_1520 = vector.shape_cast %swap3A_1519 : vector<1x16xi32> to vector<16xi32>
    %swap3A_1521 = vector.shape_cast %sub3A_1515 : vector<16xi32> to vector<1x16xi32>
    tpu.vector_store %arg16[%swap3A_1517, %swap3A_1518], %swap3A_1521 {strides = array<i32>} : memref<2x64xi32, #tpu.memory_space<vmem>>, vector<1x16xi32>,
    %get3A_1522 = arith.constant 1 : i32
    %get3A_1523 = arith.index_cast %get3A_1522 : i32 to index
    %get3A_1524 = arith.constant 32 : index
    %get3A_1525 = tpu.vector_load %arg14[%get3A_1523, %get3A_1524] {strides = array<i32>} : memref<2x64xi32, #tpu.memory_space<vmem>>, vector<1x16xi32>,
    %get3A_1526 = vector.shape_cast %get3A_1525 : vector<1x16xi32> to vector<16xi32>
    %get3A_1527 = arith.constant 1 : i32
    %get3A_1528 = arith.index_cast %get3A_1527 : i32 to index
    %get3A_1529 = arith.constant 32 : index
    %get3A_1530 = tpu.vector_load %arg12[%get3A_1528, %get3A_1529] {strides = array<i32>} : memref<2x64xi32, #tpu.memory_space<vmem>>, vector<1x16xi32>,
    %get3A_1531 = vector.shape_cast %get3A_1530 : vector<1x16xi32> to vector<16xi32>
    %sub3A_1532 = arith.subi %get3A_1526, %get3A_1531 : vector<16xi32>
    %swap3A_1533 = arith.constant 1 : i32
    %swap3A_1534 = arith.index_cast %swap3A_1533 : i32 to index
    %swap3A_1535 = arith.constant 32 : index
    %swap3A_1536 = tpu.vector_load %arg15[%swap3A_1534, %swap3A_1535] {strides = array<i32>} : memref<2x64xi32, #tpu.memory_space<vmem>>, vector<1x16xi32>,
    %swap3A_1537 = vector.shape_cast %swap3A_1536 : vector<1x16xi32> to vector<16xi32>
    %swap3A_1538 = vector.shape_cast %sub3A_1532 : vector<16xi32> to vector<1x16xi32>
    tpu.vector_store %arg15[%swap3A_1534, %swap3A_1535], %swap3A_1538 {strides = array<i32>} : memref<2x64xi32, #tpu.memory_space<vmem>>, vector<1x16xi32>,
    %get3A_1539 = arith.constant 1 : i32
    %get3A_1540 = arith.index_cast %get3A_1539 : i32 to index
    %get3A_1541 = arith.constant 32 : index
    %get3A_1542 = tpu.vector_load %arg13[%get3A_1540, %get3A_1541] {strides = array<i32>} : memref<2x64xi32, #tpu.memory_space<vmem>>, vector<1x16xi32>,
    %get3A_1543 = vector.shape_cast %get3A_1542 : vector<1x16xi32> to vector<16xi32>
    %get3A_1544 = arith.constant 1 : i32
    %get3A_1545 = arith.index_cast %get3A_1544 : i32 to index
    %get3A_1546 = arith.constant 32 : index
    %get3A_1547 = tpu.vector_load %arg11[%get3A_1545, %get3A_1546] {strides = array<i32>} : memref<2x64xi32, #tpu.memory_space<vmem>>, vector<1x16xi32>,
    %get3A_1548 = vector.shape_cast %get3A_1547 : vector<1x16xi32> to vector<16xi32>
    %sub3A_1549 = arith.subi %get3A_1543, %get3A_1548 : vector<16xi32>
    %swap3A_1550 = arith.constant 1 : i32
    %swap3A_1551 = arith.index_cast %swap3A_1550 : i32 to index
    %swap3A_1552 = arith.constant 32 : index
    %swap3A_1553 = tpu.vector_load %arg16[%swap3A_1551, %swap3A_1552] {strides = array<i32>} : memref<2x64xi32, #tpu.memory_space<vmem>>, vector<1x16xi32>,
    %swap3A_1554 = vector.shape_cast %swap3A_1553 : vector<1x16xi32> to vector<16xi32>
    %swap3A_1555 = vector.shape_cast %sub3A_1549 : vector<16xi32> to vector<1x16xi32>
    tpu.vector_store %arg16[%swap3A_1551, %swap3A_1552], %swap3A_1555 {strides = array<i32>} : memref<2x64xi32, #tpu.memory_space<vmem>>, vector<1x16xi32>,
    %get3A_1556 = arith.constant 1 : i32
    %get3A_1557 = arith.index_cast %get3A_1556 : i32 to index
    %get3A_1558 = arith.constant 48 : index
    %get3A_1559 = tpu.vector_load %arg14[%get3A_1557, %get3A_1558] {strides = array<i32>} : memref<2x64xi32, #tpu.memory_space<vmem>>, vector<1x16xi32>,
    %get3A_1560 = vector.shape_cast %get3A_1559 : vector<1x16xi32> to vector<16xi32>
    %get3A_1561 = arith.constant 1 : i32
    %get3A_1562 = arith.index_cast %get3A_1561 : i32 to index
    %get3A_1563 = arith.constant 48 : index
    %get3A_1564 = tpu.vector_load %arg12[%get3A_1562, %get3A_1563] {strides = array<i32>} : memref<2x64xi32, #tpu.memory_space<vmem>>, vector<1x16xi32>,
    %get3A_1565 = vector.shape_cast %get3A_1564 : vector<1x16xi32> to vector<16xi32>
    %sub3A_1566 = arith.subi %get3A_1560, %get3A_1565 : vector<16xi32>
    %swap3A_1567 = arith.constant 1 : i32
    %swap3A_1568 = arith.index_cast %swap3A_1567 : i32 to index
    %swap3A_1569 = arith.constant 48 : index
    %swap3A_1570 = tpu.vector_load %arg15[%swap3A_1568, %swap3A_1569] {strides = array<i32>} : memref<2x64xi32, #tpu.memory_space<vmem>>, vector<1x16xi32>,
    %swap3A_1571 = vector.shape_cast %swap3A_1570 : vector<1x16xi32> to vector<16xi32>
    %swap3A_1572 = vector.shape_cast %sub3A_1566 : vector<16xi32> to vector<1x16xi32>
    tpu.vector_store %arg15[%swap3A_1568, %swap3A_1569], %swap3A_1572 {strides = array<i32>} : memref<2x64xi32, #tpu.memory_space<vmem>>, vector<1x16xi32>,
    %get3A_1573 = arith.constant 1 : i32
    %get3A_1574 = arith.index_cast %get3A_1573 : i32 to index
    %get3A_1575 = arith.constant 48 : index
    %get3A_1576 = tpu.vector_load %arg13[%get3A_1574, %get3A_1575] {strides = array<i32>} : memref<2x64xi32, #tpu.memory_space<vmem>>, vector<1x16xi32>,
    %get3A_1577 = vector.shape_cast %get3A_1576 : vector<1x16xi32> to vector<16xi32>
    %get3A_1578 = arith.constant 1 : i32
    %get3A_1579 = arith.index_cast %get3A_1578 : i32 to index
    %get3A_1580 = arith.constant 48 : index
    %get3A_1581 = tpu.vector_load %arg11[%get3A_1579, %get3A_1580] {strides = array<i32>} : memref<2x64xi32, #tpu.memory_space<vmem>>, vector<1x16xi32>,
    %get3A_1582 = vector.shape_cast %get3A_1581 : vector<1x16xi32> to vector<16xi32>
    %sub3A_1583 = arith.subi %get3A_1577, %get3A_1582 : vector<16xi32>
    %swap3A_1584 = arith.constant 1 : i32
    %swap3A_1585 = arith.index_cast %swap3A_1584 : i32 to index
    %swap3A_1586 = arith.constant 48 : index
    %swap3A_1587 = tpu.vector_load %arg16[%swap3A_1585, %swap3A_1586] {strides = array<i32>} : memref<2x64xi32, #tpu.memory_space<vmem>>, vector<1x16xi32>,
    %swap3A_1588 = vector.shape_cast %swap3A_1587 : vector<1x16xi32> to vector<16xi32>
    %swap3A_1589 = vector.shape_cast %sub3A_1583 : vector<16xi32> to vector<1x16xi32>
    tpu.vector_store %arg16[%swap3A_1585, %swap3A_1586], %swap3A_1589 {strides = array<i32>} : memref<2x64xi32, #tpu.memory_space<vmem>>, vector<1x16xi32>,
    %dma_wait3A_1590 = arith.constant 1 : i32
    %dma_wait3A_1591 = arith.constant 0 : i32
    %dma_wait3A_1592 = arith.constant 0 : i32
    %dma_wait3A_1593 = tpu.memref_slice %arg17[%dma_wait3A_1590, %dma_wait3A_1591, %dma_wait3A_1592] : memref<2x64x128xf32, #tpu.memory_space<vmem>> -> memref<1x64x128xf32, #tpu.memory_space<vmem>>
    %dma_wait3A_1594 = tpu.memref_squeeze %dma_wait3A_1593 : memref<1x64x128xf32, #tpu.memory_space<vmem>> -> memref<64x128xf32, #tpu.memory_space<vmem>>
    %dma_wait3A_1595 = arith.constant 0 : i32
    %dma_wait3A_1596 = tpu.memref_slice %arg10[%add3A_471, %dma_wait3A_1595] : memref<8192x768xf32, #tpu.memory_space<hbm>> -> memref<64x128xf32, #tpu.memory_space<hbm>>
    %dma_wait3A_1597 = arith.constant 0 : i32
    %dma_wait3A_1598 = tpu.memref_slice %arg10[%add3A_471, %dma_wait3A_1597] : memref<8192x768xf32, #tpu.memory_space<hbm>> -> memref<64x128xf32, #tpu.memory_space<hbm>>
    %dma_wait3A_1599 = arith.constant 0 : i32
    %dma_wait3A_1600 = arith.constant 0 : i32
    %dma_wait3A_1601 = tpu.memref_slice %arg17[%dma_wait3A_1590, %dma_wait3A_1599, %dma_wait3A_1600] : memref<2x64x128xf32, #tpu.memory_space<vmem>> -> memref<1x64x128xf32, #tpu.memory_space<vmem>>
    %dma_wait3A_1602 = tpu.memref_squeeze %dma_wait3A_1601 : memref<1x64x128xf32, #tpu.memory_space<vmem>> -> memref<64x128xf32, #tpu.memory_space<vmem>>
    tpu.wait_dma2 semaphore(%arg30 : memref<!tpu.dma_semaphore, #tpu.memory_space<semaphore_mem>>) src(%dma_wait3A_1602 : memref<64x128xf32, #tpu.memory_space<vmem>>) dst(%dma_wait3A_1598 : memref<64x128xf32, #tpu.memory_space<hbm>>)
    %dma_wait3A_1603 = arith.constant 1 : i32
    %dma_wait3A_1604 = arith.constant 0 : i32
    %dma_wait3A_1605 = arith.constant 0 : i32
    %dma_wait3A_1606 = tpu.memref_slice %arg18[%dma_wait3A_1603, %dma_wait3A_1604, %dma_wait3A_1605] : memref<2x64x128xf32, #tpu.memory_space<vmem>> -> memref<1x64x128xf32, #tpu.memory_space<vmem>>
    %dma_wait3A_1607 = tpu.memref_squeeze %dma_wait3A_1606 : memref<1x64x128xf32, #tpu.memory_space<vmem>> -> memref<64x128xf32, #tpu.memory_space<vmem>>
    %dma_wait3A_1608 = arith.constant 128 : i32
    %dma_wait3A_1609 = tpu.memref_slice %arg10[%add3A_471, %dma_wait3A_1608] : memref<8192x768xf32, #tpu.memory_space<hbm>> -> memref<64x128xf32, #tpu.memory_space<hbm>>
    %dma_wait3A_1610 = arith.constant 128 : i32
    %dma_wait3A_1611 = tpu.memref_slice %arg10[%add3A_471, %dma_wait3A_1610] : memref<8192x768xf32, #tpu.memory_space<hbm>> -> memref<64x128xf32, #tpu.memory_space<hbm>>
    %dma_wait3A_1612 = arith.constant 0 : i32
    %dma_wait3A_1613 = arith.constant 0 : i32
    %dma_wait3A_1614 = tpu.memref_slice %arg18[%dma_wait3A_1603, %dma_wait3A_1612, %dma_wait3A_1613] : memref<2x64x128xf32, #tpu.memory_space<vmem>> -> memref<1x64x128xf32, #tpu.memory_space<vmem>>
    %dma_wait3A_1615 = tpu.memref_squeeze %dma_wait3A_1614 : memref<1x64x128xf32, #tpu.memory_space<vmem>> -> memref<64x128xf32, #tpu.memory_space<vmem>>
    tpu.wait_dma2 semaphore(%arg31 : memref<!tpu.dma_semaphore, #tpu.memory_space<semaphore_mem>>) src(%dma_wait3A_1615 : memref<64x128xf32, #tpu.memory_space<vmem>>) dst(%dma_wait3A_1611 : memref<64x128xf32, #tpu.memory_space<hbm>>)
    %dma_wait3A_1616 = arith.constant 1 : i32
    %dma_wait3A_1617 = arith.constant 0 : i32
    %dma_wait3A_1618 = arith.constant 0 : i32
    %dma_wait3A_1619 = tpu.memref_slice %arg19[%dma_wait3A_1616, %dma_wait3A_1617, %dma_wait3A_1618] : memref<2x64x128xf32, #tpu.memory_space<vmem>> -> memref<1x64x128xf32, #tpu.memory_space<vmem>>
    %dma_wait3A_1620 = tpu.memref_squeeze %dma_wait3A_1619 : memref<1x64x128xf32, #tpu.memory_space<vmem>> -> memref<64x128xf32, #tpu.memory_space<vmem>>
    %dma_wait3A_1621 = arith.constant 256 : i32
    %dma_wait3A_1622 = tpu.memref_slice %arg10[%add3A_471, %dma_wait3A_1621] : memref<8192x768xf32, #tpu.memory_space<hbm>> -> memref<64x128xf32, #tpu.memory_space<hbm>>
    %dma_wait3A_1623 = arith.constant 256 : i32
    %dma_wait3A_1624 = tpu.memref_slice %arg10[%add3A_471, %dma_wait3A_1623] : memref<8192x768xf32, #tpu.memory_space<hbm>> -> memref<64x128xf32, #tpu.memory_space<hbm>>
    %dma_wait3A_1625 = arith.constant 0 : i32
    %dma_wait3A_1626 = arith.constant 0 : i32
    %dma_wait3A_1627 = tpu.memref_slice %arg19[%dma_wait3A_1616, %dma_wait3A_1625, %dma_wait3A_1626] : memref<2x64x128xf32, #tpu.memory_space<vmem>> -> memref<1x64x128xf32, #tpu.memory_space<vmem>>
    %dma_wait3A_1628 = tpu.memref_squeeze %dma_wait3A_1627 : memref<1x64x128xf32, #tpu.memory_space<vmem>> -> memref<64x128xf32, #tpu.memory_space<vmem>>
    tpu.wait_dma2 semaphore(%arg32 : memref<!tpu.dma_semaphore, #tpu.memory_space<semaphore_mem>>) src(%dma_wait3A_1628 : memref<64x128xf32, #tpu.memory_space<vmem>>) dst(%dma_wait3A_1624 : memref<64x128xf32, #tpu.memory_space<hbm>>)
    %dma_wait3A_1629 = arith.constant 1 : i32
    %dma_wait3A_1630 = arith.constant 0 : i32
    %dma_wait3A_1631 = arith.constant 0 : i32
    %dma_wait3A_1632 = tpu.memref_slice %arg20[%dma_wait3A_1629, %dma_wait3A_1630, %dma_wait3A_1631] : memref<2x64x128xf32, #tpu.memory_space<vmem>> -> memref<1x64x128xf32, #tpu.memory_space<vmem>>
    %dma_wait3A_1633 = tpu.memref_squeeze %dma_wait3A_1632 : memref<1x64x128xf32, #tpu.memory_space<vmem>> -> memref<64x128xf32, #tpu.memory_space<vmem>>
    %dma_wait3A_1634 = arith.constant 384 : i32
    %dma_wait3A_1635 = tpu.memref_slice %arg10[%add3A_471, %dma_wait3A_1634] : memref<8192x768xf32, #tpu.memory_space<hbm>> -> memref<64x128xf32, #tpu.memory_space<hbm>>
    %dma_wait3A_1636 = arith.constant 384 : i32
    %dma_wait3A_1637 = tpu.memref_slice %arg10[%add3A_471, %dma_wait3A_1636] : memref<8192x768xf32, #tpu.memory_space<hbm>> -> memref<64x128xf32, #tpu.memory_space<hbm>>
    %dma_wait3A_1638 = arith.constant 0 : i32
    %dma_wait3A_1639 = arith.constant 0 : i32
    %dma_wait3A_1640 = tpu.memref_slice %arg20[%dma_wait3A_1629, %dma_wait3A_1638, %dma_wait3A_1639] : memref<2x64x128xf32, #tpu.memory_space<vmem>> -> memref<1x64x128xf32, #tpu.memory_space<vmem>>
    %dma_wait3A_1641 = tpu.memref_squeeze %dma_wait3A_1640 : memref<1x64x128xf32, #tpu.memory_space<vmem>> -> memref<64x128xf32, #tpu.memory_space<vmem>>
    tpu.wait_dma2 semaphore(%arg33 : memref<!tpu.dma_semaphore, #tpu.memory_space<semaphore_mem>>) src(%dma_wait3A_1641 : memref<64x128xf32, #tpu.memory_space<vmem>>) dst(%dma_wait3A_1637 : memref<64x128xf32, #tpu.memory_space<hbm>>)
    %dma_wait3A_1642 = arith.constant 1 : i32
    %dma_wait3A_1643 = arith.constant 0 : i32
    %dma_wait3A_1644 = arith.constant 0 : i32
    %dma_wait3A_1645 = tpu.memref_slice %arg21[%dma_wait3A_1642, %dma_wait3A_1643, %dma_wait3A_1644] : memref<2x64x128xf32, #tpu.memory_space<vmem>> -> memref<1x64x128xf32, #tpu.memory_space<vmem>>
    %dma_wait3A_1646 = tpu.memref_squeeze %dma_wait3A_1645 : memref<1x64x128xf32, #tpu.memory_space<vmem>> -> memref<64x128xf32, #tpu.memory_space<vmem>>
    %dma_wait3A_1647 = arith.constant 512 : i32
    %dma_wait3A_1648 = tpu.memref_slice %arg10[%add3A_471, %dma_wait3A_1647] : memref<8192x768xf32, #tpu.memory_space<hbm>> -> memref<64x128xf32, #tpu.memory_space<hbm>>
    %dma_wait3A_1649 = arith.constant 512 : i32
    %dma_wait3A_1650 = tpu.memref_slice %arg10[%add3A_471, %dma_wait3A_1649] : memref<8192x768xf32, #tpu.memory_space<hbm>> -> memref<64x128xf32, #tpu.memory_space<hbm>>
    %dma_wait3A_1651 = arith.constant 0 : i32
    %dma_wait3A_1652 = arith.constant 0 : i32
    %dma_wait3A_1653 = tpu.memref_slice %arg21[%dma_wait3A_1642, %dma_wait3A_1651, %dma_wait3A_1652] : memref<2x64x128xf32, #tpu.memory_space<vmem>> -> memref<1x64x128xf32, #tpu.memory_space<vmem>>
    %dma_wait3A_1654 = tpu.memref_squeeze %dma_wait3A_1653 : memref<1x64x128xf32, #tpu.memory_space<vmem>> -> memref<64x128xf32, #tpu.memory_space<vmem>>
    tpu.wait_dma2 semaphore(%arg34 : memref<!tpu.dma_semaphore, #tpu.memory_space<semaphore_mem>>) src(%dma_wait3A_1654 : memref<64x128xf32, #tpu.memory_space<vmem>>) dst(%dma_wait3A_1650 : memref<64x128xf32, #tpu.memory_space<hbm>>)
    %dma_wait3A_1655 = arith.constant 1 : i32
    %dma_wait3A_1656 = arith.constant 0 : i32
    %dma_wait3A_1657 = arith.constant 0 : i32
    %dma_wait3A_1658 = tpu.memref_slice %arg22[%dma_wait3A_1655, %dma_wait3A_1656, %dma_wait3A_1657] : memref<2x64x128xf32, #tpu.memory_space<vmem>> -> memref<1x64x128xf32, #tpu.memory_space<vmem>>
    %dma_wait3A_1659 = tpu.memref_squeeze %dma_wait3A_1658 : memref<1x64x128xf32, #tpu.memory_space<vmem>> -> memref<64x128xf32, #tpu.memory_space<vmem>>
    %dma_wait3A_1660 = arith.constant 640 : i32
    %dma_wait3A_1661 = tpu.memref_slice %arg10[%add3A_471, %dma_wait3A_1660] : memref<8192x768xf32, #tpu.memory_space<hbm>> -> memref<64x128xf32, #tpu.memory_space<hbm>>
    %dma_wait3A_1662 = arith.constant 640 : i32
    %dma_wait3A_1663 = tpu.memref_slice %arg10[%add3A_471, %dma_wait3A_1662] : memref<8192x768xf32, #tpu.memory_space<hbm>> -> memref<64x128xf32, #tpu.memory_space<hbm>>
    %dma_wait3A_1664 = arith.constant 0 : i32
    %dma_wait3A_1665 = arith.constant 0 : i32
    %dma_wait3A_1666 = tpu.memref_slice %arg22[%dma_wait3A_1655, %dma_wait3A_1664, %dma_wait3A_1665] : memref<2x64x128xf32, #tpu.memory_space<vmem>> -> memref<1x64x128xf32, #tpu.memory_space<vmem>>
    %dma_wait3A_1667 = tpu.memref_squeeze %dma_wait3A_1666 : memref<1x64x128xf32, #tpu.memory_space<vmem>> -> memref<64x128xf32, #tpu.memory_space<vmem>>
    tpu.wait_dma2 semaphore(%arg35 : memref<!tpu.dma_semaphore, #tpu.memory_space<semaphore_mem>>) src(%dma_wait3A_1667 : memref<64x128xf32, #tpu.memory_space<vmem>>) dst(%dma_wait3A_1663 : memref<64x128xf32, #tpu.memory_space<hbm>>)
    %dma_start3A_1668 = arith.constant 1 : i32
    %dma_start3A_1669 = arith.constant 1 : i32
    %dma_start3A_1670 = arith.constant 0 : i32
    %dma_start3A_1671 = arith.constant 0 : i32
    %dma_start3A_1672 = tpu.memref_slice %arg17[%dma_start3A_1669, %dma_start3A_1670, %dma_start3A_1671] : memref<2x64x128xf32, #tpu.memory_space<vmem>> -> memref<1x64x128xf32, #tpu.memory_space<vmem>>
    %dma_start3A_1673 = tpu.memref_squeeze %dma_start3A_1672 : memref<1x64x128xf32, #tpu.memory_space<vmem>> -> memref<64x128xf32, #tpu.memory_space<vmem>>
    %dma_start3A_1674 = arith.constant 0 : i32
    %dma_start3A_1675 = tpu.memref_slice %arg11[%dma_start3A_1668, %dma_start3A_1674] : memref<2x64xi32, #tpu.memory_space<vmem>> -> memref<1x64xi32, #tpu.memory_space<vmem>>
    %dma_start3A_1676 = tpu.memref_squeeze %dma_start3A_1675 : memref<1x64xi32, #tpu.memory_space<vmem>> -> memref<64xi32, #tpu.memory_space<vmem>>
    %dma_start3A_1677 = arith.constant 0 : i32
    %dma_start3A_1678 = arith.constant 0 : i32
    %dma_start3A_1679 = tpu.memref_slice %arg6[%dma_start3A_1677, %dma_start3A_1678] : memref<1024x128xf32, #tpu.memory_space<hbm>> -> memref<1024x128xf32, #tpu.memory_space<hbm>>
    tpu.enqueue_indirect_dma source(%dma_start3A_1679 : memref<1024x128xf32, #tpu.memory_space<hbm>>) target(%dma_start3A_1673 : memref<64x128xf32, #tpu.memory_space<vmem>>) offsets(%dma_start3A_1676 : memref<64xi32, #tpu.memory_space<vmem>>) semaphore(%arg24 : memref<!tpu.dma_semaphore, #tpu.memory_space<semaphore_mem>>)
    %dma_start3A_1680 = arith.constant 1 : i32
    %dma_start3A_1681 = arith.constant 1 : i32
    %dma_start3A_1682 = arith.constant 0 : i32
    %dma_start3A_1683 = arith.constant 0 : i32
    %dma_start3A_1684 = tpu.memref_slice %arg18[%dma_start3A_1681, %dma_start3A_1682, %dma_start3A_1683] : memref<2x64x128xf32, #tpu.memory_space<vmem>> -> memref<1x64x128xf32, #tpu.memory_space<vmem>>
    %dma_start3A_1685 = tpu.memref_squeeze %dma_start3A_1684 : memref<1x64x128xf32, #tpu.memory_space<vmem>> -> memref<64x128xf32, #tpu.memory_space<vmem>>
    %dma_start3A_1686 = arith.constant 0 : i32
    %dma_start3A_1687 = tpu.memref_slice %arg12[%dma_start3A_1680, %dma_start3A_1686] : memref<2x64xi32, #tpu.memory_space<vmem>> -> memref<1x64xi32, #tpu.memory_space<vmem>>
    %dma_start3A_1688 = tpu.memref_squeeze %dma_start3A_1687 : memref<1x64xi32, #tpu.memory_space<vmem>> -> memref<64xi32, #tpu.memory_space<vmem>>
    %dma_start3A_1689 = arith.constant 0 : i32
    %dma_start3A_1690 = arith.constant 0 : i32
    %dma_start3A_1691 = tpu.memref_slice %arg7[%dma_start3A_1689, %dma_start3A_1690] : memref<1024x128xf32, #tpu.memory_space<hbm>> -> memref<1024x128xf32, #tpu.memory_space<hbm>>
    tpu.enqueue_indirect_dma source(%dma_start3A_1691 : memref<1024x128xf32, #tpu.memory_space<hbm>>) target(%dma_start3A_1685 : memref<64x128xf32, #tpu.memory_space<vmem>>) offsets(%dma_start3A_1688 : memref<64xi32, #tpu.memory_space<vmem>>) semaphore(%arg25 : memref<!tpu.dma_semaphore, #tpu.memory_space<semaphore_mem>>)
    %dma_start3A_1692 = arith.constant 1 : i32
    %dma_start3A_1693 = arith.constant 1 : i32
    %dma_start3A_1694 = arith.constant 0 : i32
    %dma_start3A_1695 = arith.constant 0 : i32
    %dma_start3A_1696 = tpu.memref_slice %arg19[%dma_start3A_1693, %dma_start3A_1694, %dma_start3A_1695] : memref<2x64x128xf32, #tpu.memory_space<vmem>> -> memref<1x64x128xf32, #tpu.memory_space<vmem>>
    %dma_start3A_1697 = tpu.memref_squeeze %dma_start3A_1696 : memref<1x64x128xf32, #tpu.memory_space<vmem>> -> memref<64x128xf32, #tpu.memory_space<vmem>>
    %dma_start3A_1698 = arith.constant 0 : i32
    %dma_start3A_1699 = tpu.memref_slice %arg13[%dma_start3A_1692, %dma_start3A_1698] : memref<2x64xi32, #tpu.memory_space<vmem>> -> memref<1x64xi32, #tpu.memory_space<vmem>>
    %dma_start3A_1700 = tpu.memref_squeeze %dma_start3A_1699 : memref<1x64xi32, #tpu.memory_space<vmem>> -> memref<64xi32, #tpu.memory_space<vmem>>
    %dma_start3A_1701 = arith.constant 0 : i32
    %dma_start3A_1702 = arith.constant 0 : i32
    %dma_start3A_1703 = tpu.memref_slice %arg6[%dma_start3A_1701, %dma_start3A_1702] : memref<1024x128xf32, #tpu.memory_space<hbm>> -> memref<1024x128xf32, #tpu.memory_space<hbm>>
    tpu.enqueue_indirect_dma source(%dma_start3A_1703 : memref<1024x128xf32, #tpu.memory_space<hbm>>) target(%dma_start3A_1697 : memref<64x128xf32, #tpu.memory_space<vmem>>) offsets(%dma_start3A_1700 : memref<64xi32, #tpu.memory_space<vmem>>) semaphore(%arg26 : memref<!tpu.dma_semaphore, #tpu.memory_space<semaphore_mem>>)
    %dma_start3A_1704 = arith.constant 1 : i32
    %dma_start3A_1705 = arith.constant 1 : i32
    %dma_start3A_1706 = arith.constant 0 : i32
    %dma_start3A_1707 = arith.constant 0 : i32
    %dma_start3A_1708 = tpu.memref_slice %arg20[%dma_start3A_1705, %dma_start3A_1706, %dma_start3A_1707] : memref<2x64x128xf32, #tpu.memory_space<vmem>> -> memref<1x64x128xf32, #tpu.memory_space<vmem>>
    %dma_start3A_1709 = tpu.memref_squeeze %dma_start3A_1708 : memref<1x64x128xf32, #tpu.memory_space<vmem>> -> memref<64x128xf32, #tpu.memory_space<vmem>>
    %dma_start3A_1710 = arith.constant 0 : i32
    %dma_start3A_1711 = tpu.memref_slice %arg14[%dma_start3A_1704, %dma_start3A_1710] : memref<2x64xi32, #tpu.memory_space<vmem>> -> memref<1x64xi32, #tpu.memory_space<vmem>>
    %dma_start3A_1712 = tpu.memref_squeeze %dma_start3A_1711 : memref<1x64xi32, #tpu.memory_space<vmem>> -> memref<64xi32, #tpu.memory_space<vmem>>
    %dma_start3A_1713 = arith.constant 0 : i32
    %dma_start3A_1714 = arith.constant 0 : i32
    %dma_start3A_1715 = tpu.memref_slice %arg7[%dma_start3A_1713, %dma_start3A_1714] : memref<1024x128xf32, #tpu.memory_space<hbm>> -> memref<1024x128xf32, #tpu.memory_space<hbm>>
    tpu.enqueue_indirect_dma source(%dma_start3A_1715 : memref<1024x128xf32, #tpu.memory_space<hbm>>) target(%dma_start3A_1709 : memref<64x128xf32, #tpu.memory_space<vmem>>) offsets(%dma_start3A_1712 : memref<64xi32, #tpu.memory_space<vmem>>) semaphore(%arg27 : memref<!tpu.dma_semaphore, #tpu.memory_space<semaphore_mem>>)
    %dma_start3A_1716 = arith.constant 1 : i32
    %dma_start3A_1717 = arith.constant 1 : i32
    %dma_start3A_1718 = arith.constant 0 : i32
    %dma_start3A_1719 = arith.constant 0 : i32
    %dma_start3A_1720 = tpu.memref_slice %arg21[%dma_start3A_1717, %dma_start3A_1718, %dma_start3A_1719] : memref<2x64x128xf32, #tpu.memory_space<vmem>> -> memref<1x64x128xf32, #tpu.memory_space<vmem>>
    %dma_start3A_1721 = tpu.memref_squeeze %dma_start3A_1720 : memref<1x64x128xf32, #tpu.memory_space<vmem>> -> memref<64x128xf32, #tpu.memory_space<vmem>>
    %dma_start3A_1722 = arith.constant 0 : i32
    %dma_start3A_1723 = tpu.memref_slice %arg15[%dma_start3A_1716, %dma_start3A_1722] : memref<2x64xi32, #tpu.memory_space<vmem>> -> memref<1x64xi32, #tpu.memory_space<vmem>>
    %dma_start3A_1724 = tpu.memref_squeeze %dma_start3A_1723 : memref<1x64xi32, #tpu.memory_space<vmem>> -> memref<64xi32, #tpu.memory_space<vmem>>
    %dma_start3A_1725 = arith.constant 0 : i32
    %dma_start3A_1726 = arith.constant 0 : i32
    %dma_start3A_1727 = tpu.memref_slice %arg8[%dma_start3A_1725, %dma_start3A_1726] : memref<1024x128xf32, #tpu.memory_space<hbm>> -> memref<1024x128xf32, #tpu.memory_space<hbm>>
    tpu.enqueue_indirect_dma source(%dma_start3A_1727 : memref<1024x128xf32, #tpu.memory_space<hbm>>) target(%dma_start3A_1721 : memref<64x128xf32, #tpu.memory_space<vmem>>) offsets(%dma_start3A_1724 : memref<64xi32, #tpu.memory_space<vmem>>) semaphore(%arg28 : memref<!tpu.dma_semaphore, #tpu.memory_space<semaphore_mem>>)
    %dma_start3A_1728 = arith.constant 1 : i32
    %dma_start3A_1729 = arith.constant 1 : i32
    %dma_start3A_1730 = arith.constant 0 : i32
    %dma_start3A_1731 = arith.constant 0 : i32
    %dma_start3A_1732 = tpu.memref_slice %arg22[%dma_start3A_1729, %dma_start3A_1730, %dma_start3A_1731] : memref<2x64x128xf32, #tpu.memory_space<vmem>> -> memref<1x64x128xf32, #tpu.memory_space<vmem>>
    %dma_start3A_1733 = tpu.memref_squeeze %dma_start3A_1732 : memref<1x64x128xf32, #tpu.memory_space<vmem>> -> memref<64x128xf32, #tpu.memory_space<vmem>>
    %dma_start3A_1734 = arith.constant 0 : i32
    %dma_start3A_1735 = tpu.memref_slice %arg16[%dma_start3A_1728, %dma_start3A_1734] : memref<2x64xi32, #tpu.memory_space<vmem>> -> memref<1x64xi32, #tpu.memory_space<vmem>>
    %dma_start3A_1736 = tpu.memref_squeeze %dma_start3A_1735 : memref<1x64xi32, #tpu.memory_space<vmem>> -> memref<64xi32, #tpu.memory_space<vmem>>
    %dma_start3A_1737 = arith.constant 0 : i32
    %dma_start3A_1738 = arith.constant 0 : i32
    %dma_start3A_1739 = tpu.memref_slice %arg9[%dma_start3A_1737, %dma_start3A_1738] : memref<1024x128xf32, #tpu.memory_space<hbm>> -> memref<1024x128xf32, #tpu.memory_space<hbm>>
    tpu.enqueue_indirect_dma source(%dma_start3A_1739 : memref<1024x128xf32, #tpu.memory_space<hbm>>) target(%dma_start3A_1733 : memref<64x128xf32, #tpu.memory_space<vmem>>) offsets(%dma_start3A_1736 : memref<64xi32, #tpu.memory_space<vmem>>) semaphore(%arg29 : memref<!tpu.dma_semaphore, #tpu.memory_space<semaphore_mem>>)
    %dma_wait3A_1740 = arith.constant 1 : i32
    %dma_wait3A_1741 = arith.constant 1 : i32
    %dma_wait3A_1742 = arith.constant 0 : i32
    %dma_wait3A_1743 = arith.constant 0 : i32
    %dma_wait3A_1744 = tpu.memref_slice %arg17[%dma_wait3A_1741, %dma_wait3A_1742, %dma_wait3A_1743] : memref<2x64x128xf32, #tpu.memory_space<vmem>> -> memref<1x64x128xf32, #tpu.memory_space<vmem>>
    %dma_wait3A_1745 = tpu.memref_squeeze %dma_wait3A_1744 : memref<1x64x128xf32, #tpu.memory_space<vmem>> -> memref<64x128xf32, #tpu.memory_space<vmem>>
    %dma_wait3A_1746 = arith.constant 0 : i32
    %dma_wait3A_1747 = tpu.memref_slice %arg11[%dma_wait3A_1740, %dma_wait3A_1746] : memref<2x64xi32, #tpu.memory_space<vmem>> -> memref<1x64xi32, #tpu.memory_space<vmem>>
    %dma_wait3A_1748 = tpu.memref_squeeze %dma_wait3A_1747 : memref<1x64xi32, #tpu.memory_space<vmem>> -> memref<64xi32, #tpu.memory_space<vmem>>
    %dma_wait3A_1749 = arith.constant 0 : i32
    %dma_wait3A_1750 = arith.constant 0 : i32
    %dma_wait3A_1751 = tpu.memref_slice %arg6[%dma_wait3A_1749, %dma_wait3A_1750] : memref<1024x128xf32, #tpu.memory_space<hbm>> -> memref<1024x128xf32, #tpu.memory_space<hbm>>
    tpu.wait_indirect_dma semaphore(%arg24 : memref<!tpu.dma_semaphore, #tpu.memory_space<semaphore_mem>>) src(%dma_wait3A_1751 : memref<1024x128xf32, #tpu.memory_space<hbm>>) dst(%dma_wait3A_1745 : memref<64x128xf32, #tpu.memory_space<vmem>>)
    %dma_start3A_1752 = arith.constant 1 : i32
    %dma_start3A_1753 = arith.constant 0 : i32
    %dma_start3A_1754 = arith.constant 0 : i32
    %dma_start3A_1755 = tpu.memref_slice %arg17[%dma_start3A_1752, %dma_start3A_1753, %dma_start3A_1754] : memref<2x64x128xf32, #tpu.memory_space<vmem>> -> memref<1x64x128xf32, #tpu.memory_space<vmem>>
    %dma_start3A_1756 = tpu.memref_squeeze %dma_start3A_1755 : memref<1x64x128xf32, #tpu.memory_space<vmem>> -> memref<64x128xf32, #tpu.memory_space<vmem>>
    %dma_start3A_1757 = arith.constant 0 : i32
    %dma_start3A_1758 = tpu.memref_slice %arg10[%add3A_1417, %dma_start3A_1757] : memref<8192x768xf32, #tpu.memory_space<hbm>> -> memref<64x128xf32, #tpu.memory_space<hbm>>
    %dma_start3A_1759 = arith.constant 0 : i32
    %dma_start3A_1760 = tpu.memref_slice %arg10[%add3A_1417, %dma_start3A_1759] : memref<8192x768xf32, #tpu.memory_space<hbm>> -> memref<64x128xf32, #tpu.memory_space<hbm>>
    %dma_start3A_1761 = arith.constant 0 : i32
    %dma_start3A_1762 = arith.constant 0 : i32
    %dma_start3A_1763 = tpu.memref_slice %arg17[%dma_start3A_1752, %dma_start3A_1761, %dma_start3A_1762] : memref<2x64x128xf32, #tpu.memory_space<vmem>> -> memref<1x64x128xf32, #tpu.memory_space<vmem>>
    %dma_start3A_1764 = tpu.memref_squeeze %dma_start3A_1763 : memref<1x64x128xf32, #tpu.memory_space<vmem>> -> memref<64x128xf32, #tpu.memory_space<vmem>>
    tpu.enqueue_dma source(%dma_start3A_1764 : memref<64x128xf32, #tpu.memory_space<vmem>>) target(%dma_start3A_1760 : memref<64x128xf32, #tpu.memory_space<hbm>>) target_semaphore(%arg30 : memref<!tpu.dma_semaphore, #tpu.memory_space<semaphore_mem>>)
    %dma_wait3A_1765 = arith.constant 1 : i32
    %dma_wait3A_1766 = arith.constant 1 : i32
    %dma_wait3A_1767 = arith.constant 0 : i32
    %dma_wait3A_1768 = arith.constant 0 : i32
    %dma_wait3A_1769 = tpu.memref_slice %arg18[%dma_wait3A_1766, %dma_wait3A_1767, %dma_wait3A_1768] : memref<2x64x128xf32, #tpu.memory_space<vmem>> -> memref<1x64x128xf32, #tpu.memory_space<vmem>>
    %dma_wait3A_1770 = tpu.memref_squeeze %dma_wait3A_1769 : memref<1x64x128xf32, #tpu.memory_space<vmem>> -> memref<64x128xf32, #tpu.memory_space<vmem>>
    %dma_wait3A_1771 = arith.constant 0 : i32
    %dma_wait3A_1772 = tpu.memref_slice %arg12[%dma_wait3A_1765, %dma_wait3A_1771] : memref<2x64xi32, #tpu.memory_space<vmem>> -> memref<1x64xi32, #tpu.memory_space<vmem>>
    %dma_wait3A_1773 = tpu.memref_squeeze %dma_wait3A_1772 : memref<1x64xi32, #tpu.memory_space<vmem>> -> memref<64xi32, #tpu.memory_space<vmem>>
    %dma_wait3A_1774 = arith.constant 0 : i32
    %dma_wait3A_1775 = arith.constant 0 : i32
    %dma_wait3A_1776 = tpu.memref_slice %arg7[%dma_wait3A_1774, %dma_wait3A_1775] : memref<1024x128xf32, #tpu.memory_space<hbm>> -> memref<1024x128xf32, #tpu.memory_space<hbm>>
    tpu.wait_indirect_dma semaphore(%arg25 : memref<!tpu.dma_semaphore, #tpu.memory_space<semaphore_mem>>) src(%dma_wait3A_1776 : memref<1024x128xf32, #tpu.memory_space<hbm>>) dst(%dma_wait3A_1770 : memref<64x128xf32, #tpu.memory_space<vmem>>)
    %dma_start3A_1777 = arith.constant 1 : i32
    %dma_start3A_1778 = arith.constant 0 : i32
    %dma_start3A_1779 = arith.constant 0 : i32
    %dma_start3A_1780 = tpu.memref_slice %arg18[%dma_start3A_1777, %dma_start3A_1778, %dma_start3A_1779] : memref<2x64x128xf32, #tpu.memory_space<vmem>> -> memref<1x64x128xf32, #tpu.memory_space<vmem>>
    %dma_start3A_1781 = tpu.memref_squeeze %dma_start3A_1780 : memref<1x64x128xf32, #tpu.memory_space<vmem>> -> memref<64x128xf32, #tpu.memory_space<vmem>>
    %dma_start3A_1782 = arith.constant 128 : i32
    %dma_start3A_1783 = tpu.memref_slice %arg10[%add3A_1417, %dma_start3A_1782] : memref<8192x768xf32, #tpu.memory_space<hbm>> -> memref<64x128xf32, #tpu.memory_space<hbm>>
    %dma_start3A_1784 = arith.constant 128 : i32
    %dma_start3A_1785 = tpu.memref_slice %arg10[%add3A_1417, %dma_start3A_1784] : memref<8192x768xf32, #tpu.memory_space<hbm>> -> memref<64x128xf32, #tpu.memory_space<hbm>>
    %dma_start3A_1786 = arith.constant 0 : i32
    %dma_start3A_1787 = arith.constant 0 : i32
    %dma_start3A_1788 = tpu.memref_slice %arg18[%dma_start3A_1777, %dma_start3A_1786, %dma_start3A_1787] : memref<2x64x128xf32, #tpu.memory_space<vmem>> -> memref<1x64x128xf32, #tpu.memory_space<vmem>>
    %dma_start3A_1789 = tpu.memref_squeeze %dma_start3A_1788 : memref<1x64x128xf32, #tpu.memory_space<vmem>> -> memref<64x128xf32, #tpu.memory_space<vmem>>
    tpu.enqueue_dma source(%dma_start3A_1789 : memref<64x128xf32, #tpu.memory_space<vmem>>) target(%dma_start3A_1785 : memref<64x128xf32, #tpu.memory_space<hbm>>) target_semaphore(%arg31 : memref<!tpu.dma_semaphore, #tpu.memory_space<semaphore_mem>>)
    %dma_wait3A_1790 = arith.constant 1 : i32
    %dma_wait3A_1791 = arith.constant 1 : i32
    %dma_wait3A_1792 = arith.constant 0 : i32
    %dma_wait3A_1793 = arith.constant 0 : i32
    %dma_wait3A_1794 = tpu.memref_slice %arg19[%dma_wait3A_1791, %dma_wait3A_1792, %dma_wait3A_1793] : memref<2x64x128xf32, #tpu.memory_space<vmem>> -> memref<1x64x128xf32, #tpu.memory_space<vmem>>
    %dma_wait3A_1795 = tpu.memref_squeeze %dma_wait3A_1794 : memref<1x64x128xf32, #tpu.memory_space<vmem>> -> memref<64x128xf32, #tpu.memory_space<vmem>>
    %dma_wait3A_1796 = arith.constant 0 : i32
    %dma_wait3A_1797 = tpu.memref_slice %arg13[%dma_wait3A_1790, %dma_wait3A_1796] : memref<2x64xi32, #tpu.memory_space<vmem>> -> memref<1x64xi32, #tpu.memory_space<vmem>>
    %dma_wait3A_1798 = tpu.memref_squeeze %dma_wait3A_1797 : memref<1x64xi32, #tpu.memory_space<vmem>> -> memref<64xi32, #tpu.memory_space<vmem>>
    %dma_wait3A_1799 = arith.constant 0 : i32
    %dma_wait3A_1800 = arith.constant 0 : i32
    %dma_wait3A_1801 = tpu.memref_slice %arg6[%dma_wait3A_1799, %dma_wait3A_1800] : memref<1024x128xf32, #tpu.memory_space<hbm>> -> memref<1024x128xf32, #tpu.memory_space<hbm>>
    tpu.wait_indirect_dma semaphore(%arg26 : memref<!tpu.dma_semaphore, #tpu.memory_space<semaphore_mem>>) src(%dma_wait3A_1801 : memref<1024x128xf32, #tpu.memory_space<hbm>>) dst(%dma_wait3A_1795 : memref<64x128xf32, #tpu.memory_space<vmem>>)
    %dma_start3A_1802 = arith.constant 1 : i32
    %dma_start3A_1803 = arith.constant 0 : i32
    %dma_start3A_1804 = arith.constant 0 : i32
    %dma_start3A_1805 = tpu.memref_slice %arg19[%dma_start3A_1802, %dma_start3A_1803, %dma_start3A_1804] : memref<2x64x128xf32, #tpu.memory_space<vmem>> -> memref<1x64x128xf32, #tpu.memory_space<vmem>>
    %dma_start3A_1806 = tpu.memref_squeeze %dma_start3A_1805 : memref<1x64x128xf32, #tpu.memory_space<vmem>> -> memref<64x128xf32, #tpu.memory_space<vmem>>
    %dma_start3A_1807 = arith.constant 256 : i32
    %dma_start3A_1808 = tpu.memref_slice %arg10[%add3A_1417, %dma_start3A_1807] : memref<8192x768xf32, #tpu.memory_space<hbm>> -> memref<64x128xf32, #tpu.memory_space<hbm>>
    %dma_start3A_1809 = arith.constant 256 : i32
    %dma_start3A_1810 = tpu.memref_slice %arg10[%add3A_1417, %dma_start3A_1809] : memref<8192x768xf32, #tpu.memory_space<hbm>> -> memref<64x128xf32, #tpu.memory_space<hbm>>
    %dma_start3A_1811 = arith.constant 0 : i32
    %dma_start3A_1812 = arith.constant 0 : i32
    %dma_start3A_1813 = tpu.memref_slice %arg19[%dma_start3A_1802, %dma_start3A_1811, %dma_start3A_1812] : memref<2x64x128xf32, #tpu.memory_space<vmem>> -> memref<1x64x128xf32, #tpu.memory_space<vmem>>
    %dma_start3A_1814 = tpu.memref_squeeze %dma_start3A_1813 : memref<1x64x128xf32, #tpu.memory_space<vmem>> -> memref<64x128xf32, #tpu.memory_space<vmem>>
    tpu.enqueue_dma source(%dma_start3A_1814 : memref<64x128xf32, #tpu.memory_space<vmem>>) target(%dma_start3A_1810 : memref<64x128xf32, #tpu.memory_space<hbm>>) target_semaphore(%arg32 : memref<!tpu.dma_semaphore, #tpu.memory_space<semaphore_mem>>)
    %dma_wait3A_1815 = arith.constant 1 : i32
    %dma_wait3A_1816 = arith.constant 1 : i32
    %dma_wait3A_1817 = arith.constant 0 : i32
    %dma_wait3A_1818 = arith.constant 0 : i32
    %dma_wait3A_1819 = tpu.memref_slice %arg20[%dma_wait3A_1816, %dma_wait3A_1817, %dma_wait3A_1818] : memref<2x64x128xf32, #tpu.memory_space<vmem>> -> memref<1x64x128xf32, #tpu.memory_space<vmem>>
    %dma_wait3A_1820 = tpu.memref_squeeze %dma_wait3A_1819 : memref<1x64x128xf32, #tpu.memory_space<vmem>> -> memref<64x128xf32, #tpu.memory_space<vmem>>
    %dma_wait3A_1821 = arith.constant 0 : i32
    %dma_wait3A_1822 = tpu.memref_slice %arg14[%dma_wait3A_1815, %dma_wait3A_1821] : memref<2x64xi32, #tpu.memory_space<vmem>> -> memref<1x64xi32, #tpu.memory_space<vmem>>
    %dma_wait3A_1823 = tpu.memref_squeeze %dma_wait3A_1822 : memref<1x64xi32, #tpu.memory_space<vmem>> -> memref<64xi32, #tpu.memory_space<vmem>>
    %dma_wait3A_1824 = arith.constant 0 : i32
    %dma_wait3A_1825 = arith.constant 0 : i32
    %dma_wait3A_1826 = tpu.memref_slice %arg7[%dma_wait3A_1824, %dma_wait3A_1825] : memref<1024x128xf32, #tpu.memory_space<hbm>> -> memref<1024x128xf32, #tpu.memory_space<hbm>>
    tpu.wait_indirect_dma semaphore(%arg27 : memref<!tpu.dma_semaphore, #tpu.memory_space<semaphore_mem>>) src(%dma_wait3A_1826 : memref<1024x128xf32, #tpu.memory_space<hbm>>) dst(%dma_wait3A_1820 : memref<64x128xf32, #tpu.memory_space<vmem>>)
    %dma_start3A_1827 = arith.constant 1 : i32
    %dma_start3A_1828 = arith.constant 0 : i32
    %dma_start3A_1829 = arith.constant 0 : i32
    %dma_start3A_1830 = tpu.memref_slice %arg20[%dma_start3A_1827, %dma_start3A_1828, %dma_start3A_1829] : memref<2x64x128xf32, #tpu.memory_space<vmem>> -> memref<1x64x128xf32, #tpu.memory_space<vmem>>
    %dma_start3A_1831 = tpu.memref_squeeze %dma_start3A_1830 : memref<1x64x128xf32, #tpu.memory_space<vmem>> -> memref<64x128xf32, #tpu.memory_space<vmem>>
    %dma_start3A_1832 = arith.constant 384 : i32
    %dma_start3A_1833 = tpu.memref_slice %arg10[%add3A_1417, %dma_start3A_1832] : memref<8192x768xf32, #tpu.memory_space<hbm>> -> memref<64x128xf32, #tpu.memory_space<hbm>>
    %dma_start3A_1834 = arith.constant 384 : i32
    %dma_start3A_1835 = tpu.memref_slice %arg10[%add3A_1417, %dma_start3A_1834] : memref<8192x768xf32, #tpu.memory_space<hbm>> -> memref<64x128xf32, #tpu.memory_space<hbm>>
    %dma_start3A_1836 = arith.constant 0 : i32
    %dma_start3A_1837 = arith.constant 0 : i32
    %dma_start3A_1838 = tpu.memref_slice %arg20[%dma_start3A_1827, %dma_start3A_1836, %dma_start3A_1837] : memref<2x64x128xf32, #tpu.memory_space<vmem>> -> memref<1x64x128xf32, #tpu.memory_space<vmem>>
    %dma_start3A_1839 = tpu.memref_squeeze %dma_start3A_1838 : memref<1x64x128xf32, #tpu.memory_space<vmem>> -> memref<64x128xf32, #tpu.memory_space<vmem>>
    tpu.enqueue_dma source(%dma_start3A_1839 : memref<64x128xf32, #tpu.memory_space<vmem>>) target(%dma_start3A_1835 : memref<64x128xf32, #tpu.memory_space<hbm>>) target_semaphore(%arg33 : memref<!tpu.dma_semaphore, #tpu.memory_space<semaphore_mem>>)
    %dma_wait3A_1840 = arith.constant 1 : i32
    %dma_wait3A_1841 = arith.constant 1 : i32
    %dma_wait3A_1842 = arith.constant 0 : i32
    %dma_wait3A_1843 = arith.constant 0 : i32
    %dma_wait3A_1844 = tpu.memref_slice %arg21[%dma_wait3A_1841, %dma_wait3A_1842, %dma_wait3A_1843] : memref<2x64x128xf32, #tpu.memory_space<vmem>> -> memref<1x64x128xf32, #tpu.memory_space<vmem>>
    %dma_wait3A_1845 = tpu.memref_squeeze %dma_wait3A_1844 : memref<1x64x128xf32, #tpu.memory_space<vmem>> -> memref<64x128xf32, #tpu.memory_space<vmem>>
    %dma_wait3A_1846 = arith.constant 0 : i32
    %dma_wait3A_1847 = tpu.memref_slice %arg15[%dma_wait3A_1840, %dma_wait3A_1846] : memref<2x64xi32, #tpu.memory_space<vmem>> -> memref<1x64xi32, #tpu.memory_space<vmem>>
    %dma_wait3A_1848 = tpu.memref_squeeze %dma_wait3A_1847 : memref<1x64xi32, #tpu.memory_space<vmem>> -> memref<64xi32, #tpu.memory_space<vmem>>
    %dma_wait3A_1849 = arith.constant 0 : i32
    %dma_wait3A_1850 = arith.constant 0 : i32
    %dma_wait3A_1851 = tpu.memref_slice %arg8[%dma_wait3A_1849, %dma_wait3A_1850] : memref<1024x128xf32, #tpu.memory_space<hbm>> -> memref<1024x128xf32, #tpu.memory_space<hbm>>
    tpu.wait_indirect_dma semaphore(%arg28 : memref<!tpu.dma_semaphore, #tpu.memory_space<semaphore_mem>>) src(%dma_wait3A_1851 : memref<1024x128xf32, #tpu.memory_space<hbm>>) dst(%dma_wait3A_1845 : memref<64x128xf32, #tpu.memory_space<vmem>>)
    %dma_start3A_1852 = arith.constant 1 : i32
    %dma_start3A_1853 = arith.constant 0 : i32
    %dma_start3A_1854 = arith.constant 0 : i32
    %dma_start3A_1855 = tpu.memref_slice %arg21[%dma_start3A_1852, %dma_start3A_1853, %dma_start3A_1854] : memref<2x64x128xf32, #tpu.memory_space<vmem>> -> memref<1x64x128xf32, #tpu.memory_space<vmem>>
    %dma_start3A_1856 = tpu.memref_squeeze %dma_start3A_1855 : memref<1x64x128xf32, #tpu.memory_space<vmem>> -> memref<64x128xf32, #tpu.memory_space<vmem>>
    %dma_start3A_1857 = arith.constant 512 : i32
    %dma_start3A_1858 = tpu.memref_slice %arg10[%add3A_1417, %dma_start3A_1857] : memref<8192x768xf32, #tpu.memory_space<hbm>> -> memref<64x128xf32, #tpu.memory_space<hbm>>
    %dma_start3A_1859 = arith.constant 512 : i32
    %dma_start3A_1860 = tpu.memref_slice %arg10[%add3A_1417, %dma_start3A_1859] : memref<8192x768xf32, #tpu.memory_space<hbm>> -> memref<64x128xf32, #tpu.memory_space<hbm>>
    %dma_start3A_1861 = arith.constant 0 : i32
    %dma_start3A_1862 = arith.constant 0 : i32
    %dma_start3A_1863 = tpu.memref_slice %arg21[%dma_start3A_1852, %dma_start3A_1861, %dma_start3A_1862] : memref<2x64x128xf32, #tpu.memory_space<vmem>> -> memref<1x64x128xf32, #tpu.memory_space<vmem>>
    %dma_start3A_1864 = tpu.memref_squeeze %dma_start3A_1863 : memref<1x64x128xf32, #tpu.memory_space<vmem>> -> memref<64x128xf32, #tpu.memory_space<vmem>>
    tpu.enqueue_dma source(%dma_start3A_1864 : memref<64x128xf32, #tpu.memory_space<vmem>>) target(%dma_start3A_1860 : memref<64x128xf32, #tpu.memory_space<hbm>>) target_semaphore(%arg34 : memref<!tpu.dma_semaphore, #tpu.memory_space<semaphore_mem>>)
    %dma_wait3A_1865 = arith.constant 1 : i32
    %dma_wait3A_1866 = arith.constant 1 : i32
    %dma_wait3A_1867 = arith.constant 0 : i32
    %dma_wait3A_1868 = arith.constant 0 : i32
    %dma_wait3A_1869 = tpu.memref_slice %arg22[%dma_wait3A_1866, %dma_wait3A_1867, %dma_wait3A_1868] : memref<2x64x128xf32, #tpu.memory_space<vmem>> -> memref<1x64x128xf32, #tpu.memory_space<vmem>>
    %dma_wait3A_1870 = tpu.memref_squeeze %dma_wait3A_1869 : memref<1x64x128xf32, #tpu.memory_space<vmem>> -> memref<64x128xf32, #tpu.memory_space<vmem>>
    %dma_wait3A_1871 = arith.constant 0 : i32
    %dma_wait3A_1872 = tpu.memref_slice %arg16[%dma_wait3A_1865, %dma_wait3A_1871] : memref<2x64xi32, #tpu.memory_space<vmem>> -> memref<1x64xi32, #tpu.memory_space<vmem>>
    %dma_wait3A_1873 = tpu.memref_squeeze %dma_wait3A_1872 : memref<1x64xi32, #tpu.memory_space<vmem>> -> memref<64xi32, #tpu.memory_space<vmem>>
    %dma_wait3A_1874 = arith.constant 0 : i32
    %dma_wait3A_1875 = arith.constant 0 : i32
    %dma_wait3A_1876 = tpu.memref_slice %arg9[%dma_wait3A_1874, %dma_wait3A_1875] : memref<1024x128xf32, #tpu.memory_space<hbm>> -> memref<1024x128xf32, #tpu.memory_space<hbm>>
    tpu.wait_indirect_dma semaphore(%arg29 : memref<!tpu.dma_semaphore, #tpu.memory_space<semaphore_mem>>) src(%dma_wait3A_1876 : memref<1024x128xf32, #tpu.memory_space<hbm>>) dst(%dma_wait3A_1870 : memref<64x128xf32, #tpu.memory_space<vmem>>)
    %dma_start3A_1877 = arith.constant 1 : i32
    %dma_start3A_1878 = arith.constant 0 : i32
    %dma_start3A_1879 = arith.constant 0 : i32
    %dma_start3A_1880 = tpu.memref_slice %arg22[%dma_start3A_1877, %dma_start3A_1878, %dma_start3A_1879] : memref<2x64x128xf32, #tpu.memory_space<vmem>> -> memref<1x64x128xf32, #tpu.memory_space<vmem>>
    %dma_start3A_1881 = tpu.memref_squeeze %dma_start3A_1880 : memref<1x64x128xf32, #tpu.memory_space<vmem>> -> memref<64x128xf32, #tpu.memory_space<vmem>>
    %dma_start3A_1882 = arith.constant 640 : i32
    %dma_start3A_1883 = tpu.memref_slice %arg10[%add3A_1417, %dma_start3A_1882] : memref<8192x768xf32, #tpu.memory_space<hbm>> -> memref<64x128xf32, #tpu.memory_space<hbm>>
    %dma_start3A_1884 = arith.constant 640 : i32
    %dma_start3A_1885 = tpu.memref_slice %arg10[%add3A_1417, %dma_start3A_1884] : memref<8192x768xf32, #tpu.memory_space<hbm>> -> memref<64x128xf32, #tpu.memory_space<hbm>>
    %dma_start3A_1886 = arith.constant 0 : i32
    %dma_start3A_1887 = arith.constant 0 : i32
    %dma_start3A_1888 = tpu.memref_slice %arg22[%dma_start3A_1877, %dma_start3A_1886, %dma_start3A_1887] : memref<2x64x128xf32, #tpu.memory_space<vmem>> -> memref<1x64x128xf32, #tpu.memory_space<vmem>>
    %dma_start3A_1889 = tpu.memref_squeeze %dma_start3A_1888 : memref<1x64x128xf32, #tpu.memory_space<vmem>> -> memref<64x128xf32, #tpu.memory_space<vmem>>
    tpu.enqueue_dma source(%dma_start3A_1889 : memref<64x128xf32, #tpu.memory_space<vmem>>) target(%dma_start3A_1885 : memref<64x128xf32, #tpu.memory_space<hbm>>) target_semaphore(%arg35 : memref<!tpu.dma_semaphore, #tpu.memory_space<semaphore_mem>>)
    %dma_wait3A_1890 = arith.constant 0 : i32
    %dma_wait3A_1891 = arith.constant 0 : i32
    %dma_wait3A_1892 = arith.constant 0 : i32
    %dma_wait3A_1893 = tpu.memref_slice %arg17[%dma_wait3A_1890, %dma_wait3A_1891, %dma_wait3A_1892] : memref<2x64x128xf32, #tpu.memory_space<vmem>> -> memref<1x64x128xf32, #tpu.memory_space<vmem>>
    %dma_wait3A_1894 = tpu.memref_squeeze %dma_wait3A_1893 : memref<1x64x128xf32, #tpu.memory_space<vmem>> -> memref<64x128xf32, #tpu.memory_space<vmem>>
    %dma_wait3A_1895 = arith.constant 0 : i32
    %dma_wait3A_1896 = tpu.memref_slice %arg10[%add3A_905, %dma_wait3A_1895] : memref<8192x768xf32, #tpu.memory_space<hbm>> -> memref<64x128xf32, #tpu.memory_space<hbm>>
    %dma_wait3A_1897 = arith.constant 0 : i32
    %dma_wait3A_1898 = tpu.memref_slice %arg10[%add3A_905, %dma_wait3A_1897] : memref<8192x768xf32, #tpu.memory_space<hbm>> -> memref<64x128xf32, #tpu.memory_space<hbm>>
    %dma_wait3A_1899 = arith.constant 0 : i32
    %dma_wait3A_1900 = arith.constant 0 : i32
    %dma_wait3A_1901 = tpu.memref_slice %arg17[%dma_wait3A_1890, %dma_wait3A_1899, %dma_wait3A_1900] : memref<2x64x128xf32, #tpu.memory_space<vmem>> -> memref<1x64x128xf32, #tpu.memory_space<vmem>>
    %dma_wait3A_1902 = tpu.memref_squeeze %dma_wait3A_1901 : memref<1x64x128xf32, #tpu.memory_space<vmem>> -> memref<64x128xf32, #tpu.memory_space<vmem>>
    tpu.wait_dma2 semaphore(%arg30 : memref<!tpu.dma_semaphore, #tpu.memory_space<semaphore_mem>>) src(%dma_wait3A_1902 : memref<64x128xf32, #tpu.memory_space<vmem>>) dst(%dma_wait3A_1898 : memref<64x128xf32, #tpu.memory_space<hbm>>)
    %dma_wait3A_1903 = arith.constant 0 : i32
    %dma_wait3A_1904 = arith.constant 0 : i32
    %dma_wait3A_1905 = arith.constant 0 : i32
    %dma_wait3A_1906 = tpu.memref_slice %arg18[%dma_wait3A_1903, %dma_wait3A_1904, %dma_wait3A_1905] : memref<2x64x128xf32, #tpu.memory_space<vmem>> -> memref<1x64x128xf32, #tpu.memory_space<vmem>>
    %dma_wait3A_1907 = tpu.memref_squeeze %dma_wait3A_1906 : memref<1x64x128xf32, #tpu.memory_space<vmem>> -> memref<64x128xf32, #tpu.memory_space<vmem>>
    %dma_wait3A_1908 = arith.constant 128 : i32
    %dma_wait3A_1909 = tpu.memref_slice %arg10[%add3A_905, %dma_wait3A_1908] : memref<8192x768xf32, #tpu.memory_space<hbm>> -> memref<64x128xf32, #tpu.memory_space<hbm>>
    %dma_wait3A_1910 = arith.constant 128 : i32
    %dma_wait3A_1911 = tpu.memref_slice %arg10[%add3A_905, %dma_wait3A_1910] : memref<8192x768xf32, #tpu.memory_space<hbm>> -> memref<64x128xf32, #tpu.memory_space<hbm>>
    %dma_wait3A_1912 = arith.constant 0 : i32
    %dma_wait3A_1913 = arith.constant 0 : i32
    %dma_wait3A_1914 = tpu.memref_slice %arg18[%dma_wait3A_1903, %dma_wait3A_1912, %dma_wait3A_1913] : memref<2x64x128xf32, #tpu.memory_space<vmem>> -> memref<1x64x128xf32, #tpu.memory_space<vmem>>
    %dma_wait3A_1915 = tpu.memref_squeeze %dma_wait3A_1914 : memref<1x64x128xf32, #tpu.memory_space<vmem>> -> memref<64x128xf32, #tpu.memory_space<vmem>>
    tpu.wait_dma2 semaphore(%arg31 : memref<!tpu.dma_semaphore, #tpu.memory_space<semaphore_mem>>) src(%dma_wait3A_1915 : memref<64x128xf32, #tpu.memory_space<vmem>>) dst(%dma_wait3A_1911 : memref<64x128xf32, #tpu.memory_space<hbm>>)
    %dma_wait3A_1916 = arith.constant 0 : i32
    %dma_wait3A_1917 = arith.constant 0 : i32
    %dma_wait3A_1918 = arith.constant 0 : i32
    %dma_wait3A_1919 = tpu.memref_slice %arg19[%dma_wait3A_1916, %dma_wait3A_1917, %dma_wait3A_1918] : memref<2x64x128xf32, #tpu.memory_space<vmem>> -> memref<1x64x128xf32, #tpu.memory_space<vmem>>
    %dma_wait3A_1920 = tpu.memref_squeeze %dma_wait3A_1919 : memref<1x64x128xf32, #tpu.memory_space<vmem>> -> memref<64x128xf32, #tpu.memory_space<vmem>>
    %dma_wait3A_1921 = arith.constant 256 : i32
    %dma_wait3A_1922 = tpu.memref_slice %arg10[%add3A_905, %dma_wait3A_1921] : memref<8192x768xf32, #tpu.memory_space<hbm>> -> memref<64x128xf32, #tpu.memory_space<hbm>>
    %dma_wait3A_1923 = arith.constant 256 : i32
    %dma_wait3A_1924 = tpu.memref_slice %arg10[%add3A_905, %dma_wait3A_1923] : memref<8192x768xf32, #tpu.memory_space<hbm>> -> memref<64x128xf32, #tpu.memory_space<hbm>>
    %dma_wait3A_1925 = arith.constant 0 : i32
    %dma_wait3A_1926 = arith.constant 0 : i32
    %dma_wait3A_1927 = tpu.memref_slice %arg19[%dma_wait3A_1916, %dma_wait3A_1925, %dma_wait3A_1926] : memref<2x64x128xf32, #tpu.memory_space<vmem>> -> memref<1x64x128xf32, #tpu.memory_space<vmem>>
    %dma_wait3A_1928 = tpu.memref_squeeze %dma_wait3A_1927 : memref<1x64x128xf32, #tpu.memory_space<vmem>> -> memref<64x128xf32, #tpu.memory_space<vmem>>
    tpu.wait_dma2 semaphore(%arg32 : memref<!tpu.dma_semaphore, #tpu.memory_space<semaphore_mem>>) src(%dma_wait3A_1928 : memref<64x128xf32, #tpu.memory_space<vmem>>) dst(%dma_wait3A_1924 : memref<64x128xf32, #tpu.memory_space<hbm>>)
    %dma_wait3A_1929 = arith.constant 0 : i32
    %dma_wait3A_1930 = arith.constant 0 : i32
    %dma_wait3A_1931 = arith.constant 0 : i32
    %dma_wait3A_1932 = tpu.memref_slice %arg20[%dma_wait3A_1929, %dma_wait3A_1930, %dma_wait3A_1931] : memref<2x64x128xf32, #tpu.memory_space<vmem>> -> memref<1x64x128xf32, #tpu.memory_space<vmem>>
    %dma_wait3A_1933 = tpu.memref_squeeze %dma_wait3A_1932 : memref<1x64x128xf32, #tpu.memory_space<vmem>> -> memref<64x128xf32, #tpu.memory_space<vmem>>
    %dma_wait3A_1934 = arith.constant 384 : i32
    %dma_wait3A_1935 = tpu.memref_slice %arg10[%add3A_905, %dma_wait3A_1934] : memref<8192x768xf32, #tpu.memory_space<hbm>> -> memref<64x128xf32, #tpu.memory_space<hbm>>
    %dma_wait3A_1936 = arith.constant 384 : i32
    %dma_wait3A_1937 = tpu.memref_slice %arg10[%add3A_905, %dma_wait3A_1936] : memref<8192x768xf32, #tpu.memory_space<hbm>> -> memref<64x128xf32, #tpu.memory_space<hbm>>
    %dma_wait3A_1938 = arith.constant 0 : i32
    %dma_wait3A_1939 = arith.constant 0 : i32
    %dma_wait3A_1940 = tpu.memref_slice %arg20[%dma_wait3A_1929, %dma_wait3A_1938, %dma_wait3A_1939] : memref<2x64x128xf32, #tpu.memory_space<vmem>> -> memref<1x64x128xf32, #tpu.memory_space<vmem>>
    %dma_wait3A_1941 = tpu.memref_squeeze %dma_wait3A_1940 : memref<1x64x128xf32, #tpu.memory_space<vmem>> -> memref<64x128xf32, #tpu.memory_space<vmem>>
    tpu.wait_dma2 semaphore(%arg33 : memref<!tpu.dma_semaphore, #tpu.memory_space<semaphore_mem>>) src(%dma_wait3A_1941 : memref<64x128xf32, #tpu.memory_space<vmem>>) dst(%dma_wait3A_1937 : memref<64x128xf32, #tpu.memory_space<hbm>>)
    %dma_wait3A_1942 = arith.constant 0 : i32
    %dma_wait3A_1943 = arith.constant 0 : i32
    %dma_wait3A_1944 = arith.constant 0 : i32
    %dma_wait3A_1945 = tpu.memref_slice %arg21[%dma_wait3A_1942, %dma_wait3A_1943, %dma_wait3A_1944] : memref<2x64x128xf32, #tpu.memory_space<vmem>> -> memref<1x64x128xf32, #tpu.memory_space<vmem>>
    %dma_wait3A_1946 = tpu.memref_squeeze %dma_wait3A_1945 : memref<1x64x128xf32, #tpu.memory_space<vmem>> -> memref<64x128xf32, #tpu.memory_space<vmem>>
    %dma_wait3A_1947 = arith.constant 512 : i32
    %dma_wait3A_1948 = tpu.memref_slice %arg10[%add3A_905, %dma_wait3A_1947] : memref<8192x768xf32, #tpu.memory_space<hbm>> -> memref<64x128xf32, #tpu.memory_space<hbm>>
    %dma_wait3A_1949 = arith.constant 512 : i32
    %dma_wait3A_1950 = tpu.memref_slice %arg10[%add3A_905, %dma_wait3A_1949] : memref<8192x768xf32, #tpu.memory_space<hbm>> -> memref<64x128xf32, #tpu.memory_space<hbm>>
    %dma_wait3A_1951 = arith.constant 0 : i32
    %dma_wait3A_1952 = arith.constant 0 : i32
    %dma_wait3A_1953 = tpu.memref_slice %arg21[%dma_wait3A_1942, %dma_wait3A_1951, %dma_wait3A_1952] : memref<2x64x128xf32, #tpu.memory_space<vmem>> -> memref<1x64x128xf32, #tpu.memory_space<vmem>>
    %dma_wait3A_1954 = tpu.memref_squeeze %dma_wait3A_1953 : memref<1x64x128xf32, #tpu.memory_space<vmem>> -> memref<64x128xf32, #tpu.memory_space<vmem>>
    tpu.wait_dma2 semaphore(%arg34 : memref<!tpu.dma_semaphore, #tpu.memory_space<semaphore_mem>>) src(%dma_wait3A_1954 : memref<64x128xf32, #tpu.memory_space<vmem>>) dst(%dma_wait3A_1950 : memref<64x128xf32, #tpu.memory_space<hbm>>)
    %dma_wait3A_1955 = arith.constant 0 : i32
    %dma_wait3A_1956 = arith.constant 0 : i32
    %dma_wait3A_1957 = arith.constant 0 : i32
    %dma_wait3A_1958 = tpu.memref_slice %arg22[%dma_wait3A_1955, %dma_wait3A_1956, %dma_wait3A_1957] : memref<2x64x128xf32, #tpu.memory_space<vmem>> -> memref<1x64x128xf32, #tpu.memory_space<vmem>>
    %dma_wait3A_1959 = tpu.memref_squeeze %dma_wait3A_1958 : memref<1x64x128xf32, #tpu.memory_space<vmem>> -> memref<64x128xf32, #tpu.memory_space<vmem>>
    %dma_wait3A_1960 = arith.constant 640 : i32
    %dma_wait3A_1961 = tpu.memref_slice %arg10[%add3A_905, %dma_wait3A_1960] : memref<8192x768xf32, #tpu.memory_space<hbm>> -> memref<64x128xf32, #tpu.memory_space<hbm>>
    %dma_wait3A_1962 = arith.constant 640 : i32
    %dma_wait3A_1963 = tpu.memref_slice %arg10[%add3A_905, %dma_wait3A_1962] : memref<8192x768xf32, #tpu.memory_space<hbm>> -> memref<64x128xf32, #tpu.memory_space<hbm>>
    %dma_wait3A_1964 = arith.constant 0 : i32
    %dma_wait3A_1965 = arith.constant 0 : i32
    %dma_wait3A_1966 = tpu.memref_slice %arg22[%dma_wait3A_1955, %dma_wait3A_1964, %dma_wait3A_1965] : memref<2x64x128xf32, #tpu.memory_space<vmem>> -> memref<1x64x128xf32, #tpu.memory_space<vmem>>
    %dma_wait3A_1967 = tpu.memref_squeeze %dma_wait3A_1966 : memref<1x64x128xf32, #tpu.memory_space<vmem>> -> memref<64x128xf32, #tpu.memory_space<vmem>>
    tpu.wait_dma2 semaphore(%arg35 : memref<!tpu.dma_semaphore, #tpu.memory_space<semaphore_mem>>) src(%dma_wait3A_1967 : memref<64x128xf32, #tpu.memory_space<vmem>>) dst(%dma_wait3A_1963 : memref<64x128xf32, #tpu.memory_space<hbm>>)
    %dma_wait3A_1968 = arith.constant 1 : i32
    %dma_wait3A_1969 = arith.constant 0 : i32
    %dma_wait3A_1970 = arith.constant 0 : i32
    %dma_wait3A_1971 = tpu.memref_slice %arg17[%dma_wait3A_1968, %dma_wait3A_1969, %dma_wait3A_1970] : memref<2x64x128xf32, #tpu.memory_space<vmem>> -> memref<1x64x128xf32, #tpu.memory_space<vmem>>
    %dma_wait3A_1972 = tpu.memref_squeeze %dma_wait3A_1971 : memref<1x64x128xf32, #tpu.memory_space<vmem>> -> memref<64x128xf32, #tpu.memory_space<vmem>>
    %dma_wait3A_1973 = arith.constant 0 : i32
    %dma_wait3A_1974 = tpu.memref_slice %arg10[%add3A_1417, %dma_wait3A_1973] : memref<8192x768xf32, #tpu.memory_space<hbm>> -> memref<64x128xf32, #tpu.memory_space<hbm>>
    %dma_wait3A_1975 = arith.constant 0 : i32
    %dma_wait3A_1976 = tpu.memref_slice %arg10[%add3A_1417, %dma_wait3A_1975] : memref<8192x768xf32, #tpu.memory_space<hbm>> -> memref<64x128xf32, #tpu.memory_space<hbm>>
    %dma_wait3A_1977 = arith.constant 0 : i32
    %dma_wait3A_1978 = arith.constant 0 : i32
    %dma_wait3A_1979 = tpu.memref_slice %arg17[%dma_wait3A_1968, %dma_wait3A_1977, %dma_wait3A_1978] : memref<2x64x128xf32, #tpu.memory_space<vmem>> -> memref<1x64x128xf32, #tpu.memory_space<vmem>>
    %dma_wait3A_1980 = tpu.memref_squeeze %dma_wait3A_1979 : memref<1x64x128xf32, #tpu.memory_space<vmem>> -> memref<64x128xf32, #tpu.memory_space<vmem>>
    tpu.wait_dma2 semaphore(%arg30 : memref<!tpu.dma_semaphore, #tpu.memory_space<semaphore_mem>>) src(%dma_wait3A_1980 : memref<64x128xf32, #tpu.memory_space<vmem>>) dst(%dma_wait3A_1976 : memref<64x128xf32, #tpu.memory_space<hbm>>)
    %dma_wait3A_1981 = arith.constant 1 : i32
    %dma_wait3A_1982 = arith.constant 0 : i32
    %dma_wait3A_1983 = arith.constant 0 : i32
    %dma_wait3A_1984 = tpu.memref_slice %arg18[%dma_wait3A_1981, %dma_wait3A_1982, %dma_wait3A_1983] : memref<2x64x128xf32, #tpu.memory_space<vmem>> -> memref<1x64x128xf32, #tpu.memory_space<vmem>>
    %dma_wait3A_1985 = tpu.memref_squeeze %dma_wait3A_1984 : memref<1x64x128xf32, #tpu.memory_space<vmem>> -> memref<64x128xf32, #tpu.memory_space<vmem>>
    %dma_wait3A_1986 = arith.constant 128 : i32
    %dma_wait3A_1987 = tpu.memref_slice %arg10[%add3A_1417, %dma_wait3A_1986] : memref<8192x768xf32, #tpu.memory_space<hbm>> -> memref<64x128xf32, #tpu.memory_space<hbm>>
    %dma_wait3A_1988 = arith.constant 128 : i32
    %dma_wait3A_1989 = tpu.memref_slice %arg10[%add3A_1417, %dma_wait3A_1988] : memref<8192x768xf32, #tpu.memory_space<hbm>> -> memref<64x128xf32, #tpu.memory_space<hbm>>
    %dma_wait3A_1990 = arith.constant 0 : i32
    %dma_wait3A_1991 = arith.constant 0 : i32
    %dma_wait3A_1992 = tpu.memref_slice %arg18[%dma_wait3A_1981, %dma_wait3A_1990, %dma_wait3A_1991] : memref<2x64x128xf32, #tpu.memory_space<vmem>> -> memref<1x64x128xf32, #tpu.memory_space<vmem>>
    %dma_wait3A_1993 = tpu.memref_squeeze %dma_wait3A_1992 : memref<1x64x128xf32, #tpu.memory_space<vmem>> -> memref<64x128xf32, #tpu.memory_space<vmem>>
    tpu.wait_dma2 semaphore(%arg31 : memref<!tpu.dma_semaphore, #tpu.memory_space<semaphore_mem>>) src(%dma_wait3A_1993 : memref<64x128xf32, #tpu.memory_space<vmem>>) dst(%dma_wait3A_1989 : memref<64x128xf32, #tpu.memory_space<hbm>>)
    %dma_wait3A_1994 = arith.constant 1 : i32
    %dma_wait3A_1995 = arith.constant 0 : i32
    %dma_wait3A_1996 = arith.constant 0 : i32
    %dma_wait3A_1997 = tpu.memref_slice %arg19[%dma_wait3A_1994, %dma_wait3A_1995, %dma_wait3A_1996] : memref<2x64x128xf32, #tpu.memory_space<vmem>> -> memref<1x64x128xf32, #tpu.memory_space<vmem>>
    %dma_wait3A_1998 = tpu.memref_squeeze %dma_wait3A_1997 : memref<1x64x128xf32, #tpu.memory_space<vmem>> -> memref<64x128xf32, #tpu.memory_space<vmem>>
    %dma_wait3A_1999 = arith.constant 256 : i32
    %dma_wait3A_2000 = tpu.memref_slice %arg10[%add3A_1417, %dma_wait3A_1999] : memref<8192x768xf32, #tpu.memory_space<hbm>> -> memref<64x128xf32, #tpu.memory_space<hbm>>
    %dma_wait3A_2001 = arith.constant 256 : i32
    %dma_wait3A_2002 = tpu.memref_slice %arg10[%add3A_1417, %dma_wait3A_2001] : memref<8192x768xf32, #tpu.memory_space<hbm>> -> memref<64x128xf32, #tpu.memory_space<hbm>>
    %dma_wait3A_2003 = arith.constant 0 : i32
    %dma_wait3A_2004 = arith.constant 0 : i32
    %dma_wait3A_2005 = tpu.memref_slice %arg19[%dma_wait3A_1994, %dma_wait3A_2003, %dma_wait3A_2004] : memref<2x64x128xf32, #tpu.memory_space<vmem>> -> memref<1x64x128xf32, #tpu.memory_space<vmem>>
    %dma_wait3A_2006 = tpu.memref_squeeze %dma_wait3A_2005 : memref<1x64x128xf32, #tpu.memory_space<vmem>> -> memref<64x128xf32, #tpu.memory_space<vmem>>
    tpu.wait_dma2 semaphore(%arg32 : memref<!tpu.dma_semaphore, #tpu.memory_space<semaphore_mem>>) src(%dma_wait3A_2006 : memref<64x128xf32, #tpu.memory_space<vmem>>) dst(%dma_wait3A_2002 : memref<64x128xf32, #tpu.memory_space<hbm>>)
    %dma_wait3A_2007 = arith.constant 1 : i32
    %dma_wait3A_2008 = arith.constant 0 : i32
    %dma_wait3A_2009 = arith.constant 0 : i32
    %dma_wait3A_2010 = tpu.memref_slice %arg20[%dma_wait3A_2007, %dma_wait3A_2008, %dma_wait3A_2009] : memref<2x64x128xf32, #tpu.memory_space<vmem>> -> memref<1x64x128xf32, #tpu.memory_space<vmem>>
    %dma_wait3A_2011 = tpu.memref_squeeze %dma_wait3A_2010 : memref<1x64x128xf32, #tpu.memory_space<vmem>> -> memref<64x128xf32, #tpu.memory_space<vmem>>
    %dma_wait3A_2012 = arith.constant 384 : i32
    %dma_wait3A_2013 = tpu.memref_slice %arg10[%add3A_1417, %dma_wait3A_2012] : memref<8192x768xf32, #tpu.memory_space<hbm>> -> memref<64x128xf32, #tpu.memory_space<hbm>>
    %dma_wait3A_2014 = arith.constant 384 : i32
    %dma_wait3A_2015 = tpu.memref_slice %arg10[%add3A_1417, %dma_wait3A_2014] : memref<8192x768xf32, #tpu.memory_space<hbm>> -> memref<64x128xf32, #tpu.memory_space<hbm>>
    %dma_wait3A_2016 = arith.constant 0 : i32
    %dma_wait3A_2017 = arith.constant 0 : i32
    %dma_wait3A_2018 = tpu.memref_slice %arg20[%dma_wait3A_2007, %dma_wait3A_2016, %dma_wait3A_2017] : memref<2x64x128xf32, #tpu.memory_space<vmem>> -> memref<1x64x128xf32, #tpu.memory_space<vmem>>
    %dma_wait3A_2019 = tpu.memref_squeeze %dma_wait3A_2018 : memref<1x64x128xf32, #tpu.memory_space<vmem>> -> memref<64x128xf32, #tpu.memory_space<vmem>>
    tpu.wait_dma2 semaphore(%arg33 : memref<!tpu.dma_semaphore, #tpu.memory_space<semaphore_mem>>) src(%dma_wait3A_2019 : memref<64x128xf32, #tpu.memory_space<vmem>>) dst(%dma_wait3A_2015 : memref<64x128xf32, #tpu.memory_space<hbm>>)
    %dma_wait3A_2020 = arith.constant 1 : i32
    %dma_wait3A_2021 = arith.constant 0 : i32
    %dma_wait3A_2022 = arith.constant 0 : i32
    %dma_wait3A_2023 = tpu.memref_slice %arg21[%dma_wait3A_2020, %dma_wait3A_2021, %dma_wait3A_2022] : memref<2x64x128xf32, #tpu.memory_space<vmem>> -> memref<1x64x128xf32, #tpu.memory_space<vmem>>
    %dma_wait3A_2024 = tpu.memref_squeeze %dma_wait3A_2023 : memref<1x64x128xf32, #tpu.memory_space<vmem>> -> memref<64x128xf32, #tpu.memory_space<vmem>>
    %dma_wait3A_2025 = arith.constant 512 : i32
    %dma_wait3A_2026 = tpu.memref_slice %arg10[%add3A_1417, %dma_wait3A_2025] : memref<8192x768xf32, #tpu.memory_space<hbm>> -> memref<64x128xf32, #tpu.memory_space<hbm>>
    %dma_wait3A_2027 = arith.constant 512 : i32
    %dma_wait3A_2028 = tpu.memref_slice %arg10[%add3A_1417, %dma_wait3A_2027] : memref<8192x768xf32, #tpu.memory_space<hbm>> -> memref<64x128xf32, #tpu.memory_space<hbm>>
    %dma_wait3A_2029 = arith.constant 0 : i32
    %dma_wait3A_2030 = arith.constant 0 : i32
    %dma_wait3A_2031 = tpu.memref_slice %arg21[%dma_wait3A_2020, %dma_wait3A_2029, %dma_wait3A_2030] : memref<2x64x128xf32, #tpu.memory_space<vmem>> -> memref<1x64x128xf32, #tpu.memory_space<vmem>>
    %dma_wait3A_2032 = tpu.memref_squeeze %dma_wait3A_2031 : memref<1x64x128xf32, #tpu.memory_space<vmem>> -> memref<64x128xf32, #tpu.memory_space<vmem>>
    tpu.wait_dma2 semaphore(%arg34 : memref<!tpu.dma_semaphore, #tpu.memory_space<semaphore_mem>>) src(%dma_wait3A_2032 : memref<64x128xf32, #tpu.memory_space<vmem>>) dst(%dma_wait3A_2028 : memref<64x128xf32, #tpu.memory_space<hbm>>)
    %dma_wait3A_2033 = arith.constant 1 : i32
    %dma_wait3A_2034 = arith.constant 0 : i32
    %dma_wait3A_2035 = arith.constant 0 : i32
    %dma_wait3A_2036 = tpu.memref_slice %arg22[%dma_wait3A_2033, %dma_wait3A_2034, %dma_wait3A_2035] : memref<2x64x128xf32, #tpu.memory_space<vmem>> -> memref<1x64x128xf32, #tpu.memory_space<vmem>>
    %dma_wait3A_2037 = tpu.memref_squeeze %dma_wait3A_2036 : memref<1x64x128xf32, #tpu.memory_space<vmem>> -> memref<64x128xf32, #tpu.memory_space<vmem>>
    %dma_wait3A_2038 = arith.constant 640 : i32
    %dma_wait3A_2039 = tpu.memref_slice %arg10[%add3A_1417, %dma_wait3A_2038] : memref<8192x768xf32, #tpu.memory_space<hbm>> -> memref<64x128xf32, #tpu.memory_space<hbm>>
    %dma_wait3A_2040 = arith.constant 640 : i32
    %dma_wait3A_2041 = tpu.memref_slice %arg10[%add3A_1417, %dma_wait3A_2040] : memref<8192x768xf32, #tpu.memory_space<hbm>> -> memref<64x128xf32, #tpu.memory_space<hbm>>
    %dma_wait3A_2042 = arith.constant 0 : i32
    %dma_wait3A_2043 = arith.constant 0 : i32
    %dma_wait3A_2044 = tpu.memref_slice %arg22[%dma_wait3A_2033, %dma_wait3A_2042, %dma_wait3A_2043] : memref<2x64x128xf32, #tpu.memory_space<vmem>> -> memref<1x64x128xf32, #tpu.memory_space<vmem>>
    %dma_wait3A_2045 = tpu.memref_squeeze %dma_wait3A_2044 : memref<1x64x128xf32, #tpu.memory_space<vmem>> -> memref<64x128xf32, #tpu.memory_space<vmem>>
    tpu.wait_dma2 semaphore(%arg35 : memref<!tpu.dma_semaphore, #tpu.memory_space<semaphore_mem>>) src(%dma_wait3A_2045 : memref<64x128xf32, #tpu.memory_space<vmem>>) dst(%dma_wait3A_2041 : memref<64x128xf32, #tpu.memory_space<hbm>>)
    return
  }
}

</mosaic_0001>

<sc_bundles>
// kernel: kernel.3.cloned.1.call-start
scs
__scs_entry_jumppad:
0x0: {  	(pc) =	sbr.rel $0x88, $3  }
0x1: {  	(tag) =	ssettag $0x0;
	lr =	simm.s32 $0x1  }
0x2: {  	[smem:$0x3F9C] =	sst lr;
	_ =	strace $0xD0000000  }
0x3: {  	_ = 	snop  }
0x4: {  	_ = 	snop  }
0x5: {  	_ = 	snop  }
0x6: {  	_ = 	snop  }
0x7: {  	_ = 	snop  }
__scs_overlays_trampoline_lowered:
0x8: {  	[smem:$0x3FAB] =	sst s0  }
0x9: {  	[smem:$0x3FAC] =	sst s1  }
0xa: {  	[smem:$0x3FAD] =	sst s2  }
0xb: {  	[smem:$0x3FAE] =	sst s3  }
0xc: {  	[smem:$0x3FAF] =	sst s4  }
0xd: {  	[smem:$0x3FB0] =	sst s5  }
0xe: {  	[smem:$0x3FB1] =	sst s6  }
0xf: {  	[smem:$0x3FB2] =	sst s7  }
0x10: {  	[smem:$0x3FB3] =	sst s8  }
0x11: {  	[smem:$0x3FB4] =	sst s9;
	s0 =	simm.s32 @!p0 $0x0  }
0x12: {  	s1 =	sld [smem:$0x3F9A];
	s0 =	simm.s32 @p0 $0x1  }
0x13: {  	[smem:$0x3FB5] =	sst s0;
	s0 =	simm.s32 @!p1 $0x0  }
0x14: {  	s2 =	sld [smem:$0x3F99];
	s0 =	simm.s32 @p1 $0x1  }
0x15: {  	[smem:$0x3FB6] =	sst s0;
	s0 =	simm.s32 @!p2 $0x0  }
0x16: {  	s3 =	sld [smem:$0x3FDB];
	s0 =	simm.s32 @p2 $0x1  }
0x17: {  	s4 =	simm.s32 $0x1BF5;
	[smem:$0x3FB8] =	sst s0  }
0x18: {  	s0 =	sld [smem:$0x3F9B];
	_ =	swait.ge [sflag:s4], $0x0  }
0x19: {  	s7 =	sld [smem:$0x3F9C]  }
0x1a: {  	s8 =	sadd.s32 $0xFFFFE003, lr  }
0x1b: {  	s9 =	sadd.s32 $0xFFFFFEF7, lr;
	s5 =	simm.s32 $0xFFFFFFFF;
	p2 =	slt.u32 s8, $0xFFFFF086  }
0x1c: {  	p1 =	slt.u32 s9, $0xF7A;
	s5 =	simm.s32 @!p2 $0x0  }
0x1d: {  	s5 =	simm.s32 @p1 $0x1;
	p0 =	seq.s32 s7, s2  }
0x1e: {  	s7 =	smul.u32 @!p0 $0xF7A, s2;
	p2 =	seq.s32 @!p0 s5, $0x0  }
0x1f: {  	s9 =	smul.u32 $0xF7A, s1;
	s8 =	simm.s32 @!p0 $0x1BF5;
	p2 =	por !p2, p0  }
0x20: {  	[sflag:s8] =	ssyncset.s32 @!p0 $0xFFFFF086;
	s6 =	sadd.s32 @!p0 s3, s7;
	s7 =	simm.s32 @!p0 $0x108  }
0x21: {  	s3 =	sadd.s32 s3, s9;
	s6 =	sadd.s32 @!p0 $0x88, s6;
	s7 =	simm.s32 @p2 $0x1082  }
0x22: {  	[simem:s7], [sflag:s8] =	dma.local @!p0 [hbm:s6], $0xF7A  }
0x23: {  	s9 =	sor.u32 $0xD0000000, s2;
	s6 =	simm.s32 $0x108;
	_ =	swait.ge @!p0 [sflag:s8], $0x0  }
0x24: {  	s3 =	sadd.s32 $0x88, s3;
	s6 =	simm.s32 @!p1 $0x1082;
	[sflag:s4] =	ssyncset.s32 $0xFFFFF086  }
0x25: {  	[simem:s6], [sflag:s4] =	dma.local [hbm:s3], $0xF7A  }
0x26: {  	[smem:$0x3F9C] =	sst s1;
	(tag) =	ssettag s2;
	_ =	strace s9  }
0x27: {  	s1 =	sld [smem:$0x3FAC]  }
0x28: {  	s2 =	sld [smem:$0x3FAD]  }
0x29: {  	s4 =	sld [smem:$0x3FAF]  }
0x2a: {  	p0 =	seq.s32 s5, $0x0;
	s5 =	sld [smem:$0x3FB0]  }
0x2b: {  	s6 =	sld [smem:$0x3FB1]  }
0x2c: {  	s7 =	sld [smem:$0x3FB2]  }
0x2d: {  	s3 =	simm.s32 $0x108;
	s8 =	sld [smem:$0x3FB3]  }
0x2e: {  	s3 =	simm.s32 @!p0 $0x1082;
	s9 =	sld [smem:$0x3FB4]  }
0x2f: {  	lr =	sadd.s32 s0, s3;
	s0 =	sld [smem:$0x3FAB]  }
0x30: {  	s3 =	sld [smem:$0x3FAE]  }
0x31: {  	[smem:$0x3FB7] =	sst s10  }
0x32: {  	s10 =	sld [smem:$0x3FB5];
	_ =	sdelay $0x3  }
0x33: {  	p0 =	seq.s32 s10, $0x1;
	s10 =	sld [smem:$0x3FB7];
	_ =	sdelay $0x3  }
0x34: {  	[smem:$0x3FB7] =	sst s10  }
0x35: {  	s10 =	sld [smem:$0x3FB6];
	_ =	sdelay $0x3  }
0x36: {  	p1 =	seq.s32 s10, $0x1;
	s10 =	sld [smem:$0x3FB7];
	_ =	sdelay $0x3  }
0x37: {  	[smem:$0x3FB7] =	sst s10  }
0x38: {  	s10 =	sld [smem:$0x3FB8]  }
0x39: {  	_ = 	snop;
	(pc) =	sbr.ind lr, $3  }
0x3a: {  	_ = 	snop  }
0x3b: {  	_ = 	snop  }
0x3c: {  	p2 =	seq.s32 s10, $0x1;
	s10 =	sld [smem:$0x3FB7]  }
0x3d: {  	_ =	shalt  }
0x3e: {  	_ =	shalt  }
0x3f: {  	_ =	shalt  }
0x40: {  	_ =	shalt  }
0x41: {  	_ =	shalt  }
0x42: {  	_ =	shalt  }
0x43: {  	_ =	shalt  }
0x44: {  	_ =	shalt  }
0x45: {  	_ =	shalt  }
0x46: {  	_ =	shalt  }
0x47: {  	_ =	shalt  }
0x48: {  	_ =	shalt  }
0x49: {  	_ =	shalt  }
0x4a: {  	_ =	shalt  }
0x4b: {  	_ =	shalt  }
0x4c: {  	_ =	shalt  }
0x4d: {  	_ =	shalt  }
0x4e: {  	_ =	shalt  }
0x4f: {  	_ =	shalt  }
0x50: {  	_ =	shalt  }
0x51: {  	_ =	shalt  }
0x52: {  	_ =	shalt  }
0x53: {  	_ =	shalt  }
0x54: {  	_ =	shalt  }
0x55: {  	_ =	shalt  }
0x56: {  	_ =	shalt  }
0x57: {  	_ =	shalt  }
0x58: {  	_ =	shalt  }
0x59: {  	_ =	shalt  }
0x5a: {  	_ =	shalt  }
0x5b: {  	_ =	shalt  }
0x5c: {  	_ =	shalt  }
0x5d: {  	_ =	shalt  }
0x5e: {  	_ =	shalt  }
0x5f: {  	_ =	shalt  }
0x60: {  	_ =	shalt  }
0x61: {  	_ =	shalt  }
0x62: {  	_ =	shalt  }
0x63: {  	_ =	shalt  }
0x64: {  	_ =	shalt  }
0x65: {  	_ =	shalt  }
0x66: {  	_ =	shalt  }
0x67: {  	_ =	shalt  }
0x68: {  	_ =	shalt  }
0x69: {  	_ =	shalt  }
0x6a: {  	_ =	shalt  }
0x6b: {  	_ =	shalt  }
0x6c: {  	_ =	shalt  }
0x6d: {  	_ =	shalt  }
0x6e: {  	_ =	shalt  }
0x6f: {  	_ =	shalt  }
0x70: {  	_ =	shalt  }
0x71: {  	_ =	shalt  }
0x72: {  	_ =	shalt  }
0x73: {  	_ =	shalt  }
0x74: {  	_ =	shalt  }
0x75: {  	_ =	shalt  }
0x76: {  	_ =	shalt  }
0x77: {  	_ =	shalt  }
0x78: {  	_ =	shalt  }
0x79: {  	_ =	shalt  }
0x7a: {  	_ =	shalt  }
0x7b: {  	_ =	shalt  }
0x7c: {  	_ =	shalt  }
0x7d: {  	_ =	shalt  }
0x7e: {  	_ =	shalt  }
0x7f: {  	_ =	shalt  }
0x80: {  	_ =	shalt  }
0x81: {  	_ =	shalt  }
0x82: {  	_ =	shalt  }
0x83: {  	_ =	shalt  }
0x84: {  	_ =	shalt  }
0x85: {  	_ =	shalt  }
0x86: {  	_ =	shalt  }
0x87: {  	_ =	shalt  }
.Lfunc_end0:
.L_simem_size_0:
called_computation_lowered:
.L_overlay_start_0:
0x88: {  	s2 =	sld [smem:$0x3FD9]  }
0x89: {  	s3 =	sld [smem:$0x3FFE];
	_ =	sdelay $0x1  }
0x8a: {  	s1 =	srdreg.scid  }
0x8b: {  	s0 =	sand.u32 $0x1, s1  }
0x8c: {  	s17 =	sshll.u32 s0, $0xA;
	s2 =	sadd.s32 s3, s2  }
0x8d: {  	s2 =	sadd.s32 s2, s17  }
0x8e: {  	[smem:$0x3FC3] =	sst s2  }
0x8f: {  	_ = 	snop  }
0x90: {  	s2 =	sld [smem:$0x3FC8]  }
0x91: {  	s18 =	sld [smem:$0x3FC7]  }
0x92: {  	s4 =	sld [smem:$0x3FC6]  }
0x93: {  	s5 =	sld [smem:$0x3FC5]  }
0x94: {  	s6 =	sld [smem:$0x3FD0];
	(tm) =	ssettm $0x1  }
0x95: {  	s7 =	sld [smem:$0x3FFB];
	_ =	sdelay $0x3  }
0x96: {  	_ =	strace s7  }
0x97: {  	s7 =	sld [smem:$0x3FFC];
	_ =	sdelay $0x3  }
0x98: {  	_ =	strace s7  }
0x99: {  	s7 =	sld [smem:$0x3FFD];
	_ =	sdelay $0x3  }
0x9a: {  	_ =	strace s7  }
0x9b: {  	_ =	strace $0x8FFFFFFF  }
0x9c: {  	s19 =	sld [smem:$0x3FDB];
	_ =	sdelay $0x1  }
0x9d: {  	s8 =	simm.s32 $_scs_section_size  }
0x9e: {  	s9 =	simm.s32 $_size__tile_overlayer_lowered;
	s10 =	simm.s32 $_tile_overlayer_lowered  }
0x9f: {  	s22 =	simm.s32 $0x1BFF;
	s21 =	sshll.u32 s10, $0x1;
	s7 =	sadd.s32 s8, s19  }
0xa0: {  	s11 =	simm.s32 $0x0;
	s20 =	sshll.u32 s9, $0x1;
	s9 =	sadd.s32 s21, s7  }
0xa1: {  	[timem:s11], [sflag:s22] =	dma.local [hbm:s9], s20  }
0xa2: {  	_ =	swait.ge [sflag:s22], s20  }
0xa3: {  	s8 =	ssub.s32 $0x0, s20;
	[sflag:s22] =	ssyncset.done $0x0  }
0xa4: {  	[sflag:s22] =	ssyncadd.s32 s8;
	_ =	sdelay $0x1  }
0xa5: {  	s23 =	simm.s32 $0x1B8B  }
0xa6: {  	_ =	swait.ge [sflag:s23], $0x1  }
0xa7: {  	[sflag:s23] =	ssyncset.done $0x0  }
0xa8: {  	s25 =	simm.s32 $0x1B8E;
	s24 =	sld [smem:$0x3FFE];
	[sflag:s23] =	ssyncadd.s32 $0xFFFFFFFF  }
0xa9: {  	s26 =	simm.s32 $execute0_lowered;
	[smem:$0x3FD2] =	sst s25  }
0xaa: {  	s9 =	sshll.u32 s26, $0x1;
	_ =	strace $0x80000046;
	[dreg:$0x1] =	wrdreg $0xFFFFFFFF  }
0xab: {  	s28 =	simm.s32 $_size_execute0_lowered;
	s7 =	sadd.s32 s7, s9;
	[dreg:$0x0] =	wrdreg $0x0  }
0xac: {  	s9 =	sshll.u32 s28, $0x1;
	[dreg:$0x2] =	wrdreg s7  }
0xad: {  	[dreg:$0x3] =	wrdreg s9  }
0xae: {  	[dreg:$0x4] =	wrdreg $0xC0  }
0xaf: {  	_ =	task [dreg:s11], $0x5FFFF  }
0xb0: {  	[dreg:$0x1] =	wrdreg $0xFFFFFFFF  }
0xb1: {  	[dreg:$0x0] =	wrdreg $0x60  }
0xb2: {  	[dreg:$0x2] =	wrdreg s24  }
0xb3: {  	[dreg:$0x3] =	wrdreg s2  }
0xb4: {  	[dreg:$0x4] =	wrdreg s18  }
0xb5: {  	[dreg:$0x5] =	wrdreg s4  }
0xb6: {  	[dreg:$0x6] =	wrdreg s5  }
0xb7: {  	[dreg:$0x7] =	wrdreg s6  }
0xb8: {  	[dreg:$0x8] =	wrdreg $0x9  }
0xb9: {  	_ =	task.clear_ibuf [dreg:s11], $0x9FFFF;
	_ =	strace $0x90000046  }
0xba: {  	s29 =	simm.s32 $0x9;
	_ =	strace $0x80000048  }
0xbb: {  	_ =	swait.ge [sflag:s29], $0x1  }
0xbc: {  	[sflag:s29] =	ssyncadd.s32 $0xFFFFFFFF  }
0xbd: {  	_ =	strace $0x90000048  }
0xbe: {  	_ =	sfence  }
0xbf: {  	s30 =	sld [smem:$0x0];
	_ =	sdelay $0x2  }
0xc0: {  	s31 =	sshll.u32 s1, $0xD;
	s1 =	sshrl.u32 s1, $0x2  }
0xc1: {  	s3 =	sand.u32 $0x4000, s31;
	s1 =	sadd.s32 s1, s30  }
0xc2: {  	s0 =	sor.u32 s3, s0;
	s1 =	sshll.u32 s1, $0x11  }
0xc3: {  	s0 =	sor.u32 s1, s0  }
0xc4: {  	s0 =	sadd.s32 $0x8F2B, s0  }
0xc5: {  	[sflag:s0] =	ssyncadd.remote.s32 $0x1  }
0xc6: {  	_ =	sfence.sel $0xFFFF  }
0xc7: {  	[dreg:$0x0] =	wrdreg $0xFFFFFFFF;
	(pc) =	sbr.abs _section_cstart, $3  }
0xc8: {  	[dreg:$0x1] =	wrdreg $0xFFFFFFFF  }
0xc9: {  	_ =	task.clear_ibuf [dreg:s11], $0x2FFFF;
	_ =	strace $0x9FFFFFFF  }
0xca: {  	(tm) =	ssettm $0x7FFFFFFF  }
0xcb: {  	_ =	shalt  }
tec
execute0_lowered:
.L_overlay_start_1:
0x0: {  	(tag) =	ssettag $0x1  }
0x1: {  	s8 =	rddreg [dreg:$0x0];
	s0 =	srdreg.scid  }
0x2: {  	s3 =	rddreg [dreg:$0x5];
	s4 =	stileid.u32;
	s0 =	sand.u32 $0x1, s0  }
0x3: {  	s1 =	simm.s32 $0x0;
	s5 =	sshll.u32 s4, $0x6;
	s7 =	sshll.u32 s0, $0x5  }
0x4: {  	[smem:$0x7FF] =	sst s1;
	s4 =	sadd.s32 $0x1200, s8;
	s10 =	sor.u32 s7, s5  }
0x5: {  	_ =	strace $0x80000047;
	s5 =	sadd.s32 $0xE00, s8;
	s9 =	sadd.s32 s4, s10  }
0x6: {  	s7 =	sadd.s32 $0xA00, s8;
	s19 =	sadd.s32 s5, s10;
	[dreg:$0x7] =	wrdreg s9  }
0x7: {  	s8 =	sadd.s32 $0x600, s8;
	s20 =	sadd.s32 s7, s10;
	[dreg:$0x8] =	wrdreg s19  }
0x8: {  	s21 =	sadd.s32 s8, s10;
	s11 =	sor.u32 $0x8, s10;
	[dreg:$0x9] =	wrdreg s20  }
0x9: {  	[dreg:$0xa] =	wrdreg s21;
	s22 =	sadd.s32 s4, s11  }
0xa: {  	s23 =	sadd.s32 s5, s11;
	[dreg:$0xb] =	wrdreg s22  }
0xb: {  	s24 =	sadd.s32 s7, s11;
	[dreg:$0xc] =	wrdreg s23  }
0xc: {  	s18 =	sor.u32 $0x10, s10;
	s25 =	sadd.s32 s8, s11;
	[dreg:$0xd] =	wrdreg s24  }
0xd: {  	s19 =	sadd.s32 s4, s18;
	[dreg:$0xe] =	wrdreg s25  }
0xe: {  	s12 =	smul.u32 $0x300, s10;
	s20 =	sadd.s32 s5, s18;
	[dreg:$0x15] =	wrdreg s19  }
0xf: {  	s10 =	sor.u32 $0x18, s10;
	s21 =	sadd.s32 s7, s18;
	[dreg:$0x16] =	wrdreg s20  }
0x10: {  	s4 =	sadd.s32 s4, s10;
	[dreg:$0x17] =	wrdreg s21  }
0x11: {  	s9 =	sadd.s32 $0x80, s3;
	s13 =	sadd.s32 s3, s12;
	[dreg:$0x1f] =	wrdreg s4  }
0x12: {  	s14 =	sadd.s32 $0x100, s3;
	s26 =	sadd.s32 s12, s9;
	[dreg:$0xf] =	wrdreg s13  }
0x13: {  	s15 =	sadd.s32 $0x180, s3;
	s1 =	sadd.s32 s12, s14;
	[dreg:$0x10] =	wrdreg s26  }
0x14: {  	s16 =	sadd.s32 $0x200, s3;
	s2 =	sadd.s32 s12, s15;
	[dreg:$0x11] =	wrdreg s1  }
0x15: {  	s17 =	sadd.s32 $0x280, s3;
	s6 =	sadd.s32 s12, s16;
	[dreg:$0x12] =	wrdreg s2  }
0x16: {  	s11 =	smul.u32 $0x300, s11;
	s12 =	sadd.s32 s12, s17;
	[dreg:$0x13] =	wrdreg s6  }
0x17: {  	s22 =	sadd.s32 s8, s18;
	[dreg:$0x14] =	wrdreg s12  }
0x18: {  	[dreg:$0x18] =	wrdreg s22;
	s23 =	sadd.s32 s3, s11  }
0x19: {  	s24 =	sadd.s32 s11, s9;
	[dreg:$0x19] =	wrdreg s23  }
0x1a: {  	s25 =	sadd.s32 s11, s14;
	[dreg:$0x1a] =	wrdreg s24  }
0x1b: {  	s26 =	sadd.s32 s11, s15;
	[dreg:$0x1b] =	wrdreg s25  }
0x1c: {  	s1 =	sadd.s32 s11, s16;
	[dreg:$0x1c] =	wrdreg s26  }
0x1d: {  	s11 =	sadd.s32 s11, s17;
	[dreg:$0x1d] =	wrdreg s1  }
0x1e: {  	s2 =	sadd.s32 s5, s10;
	[dreg:$0x1e] =	wrdreg s11  }
0x1f: {  	s19 =	smul.u32 $0x300, s10;
	s5 =	sadd.s32 s7, s10;
	[smem:$0x7EF] =	sst s2  }
0x20: {  	s7 =	sadd.s32 s8, s10;
	[smem:$0x7F0] =	sst s5  }
0x21: {  	s29 =	simm.s32 $0x40;
	[smem:$0x7F1] =	sst s7;
	s21 =	sadd.s32 s19, s9  }
0x22: {  	s28 =	simm.s32 $0x2;
	s22 =	sadd.s32 s19, s14;
	[smem:$0x7F9] =	sst s21  }
0x23: {  	s30 =	simm.s32 $0x4;
	s23 =	sadd.s32 s19, s15;
	[smem:$0x7FA] =	sst s22  }
0x24: {  	s6 =	smul.u32 $0x300, s18;
	s24 =	sadd.s32 s19, s16;
	[smem:$0x7FB] =	sst s23  }
0x25: {  	s31 =	simm.s32 $0x5;
	s26 =	sadd.s32 s19, s17;
	[smem:$0x7FC] =	sst s24  }
0x26: {  	s0 =	ssub.s32 $0x2, s0;
	s8 =	sadd.s32 s3, s6;
	[smem:$0x7FD] =	sst s26  }
0x27: {  	s25 =	sshrl.u32 s0, $0x1;
	s11 =	sadd.s32 s6, s9;
	[smem:$0x7F2] =	sst s8  }
0x28: {  	s12 =	sadd.s32 s6, s14;
	s13 =	sadd.s32 s6, s15;
	[smem:$0x7F3] =	sst s11  }
0x29: {  	s18 =	sadd.s32 s6, s16;
	s20 =	sadd.s32 s6, s17;
	[smem:$0x7F4] =	sst s12  }
0x2a: {  	s3 =	sadd.s32 s3, s19;
	s0 =	ssub.s32 s0, s25;
	[smem:$0x7F5] =	sst s13  }
0x2b: {  	s17 =	simm.s32 $0x400;
	s26 =	simm.s32 $0x1800;
	[smem:$0x7F6] =	sst s18  }
0x2c: {  	s24 =	simm.s32 $0x3;
	s22 =	simm.s32 $0x6;
	[smem:$0x7F7] =	sst s20  }
0x2d: {  	s23 =	simm.s32 $0x7;
	s16 =	simm.s32 $0xB;
	[smem:$0x7F8] =	sst s3  }
0x2e: {  	s0 =	smax.u32 s0, $0x1;
	s11 =	simm.s32 $0x1;
	s18 =	simm.s32 $0xC  }
.LBB2_1:
0x2f: {  	[smem:$0x7EE] =	sst s0  }
0x30: {  	s20 =	rddreg [dreg:$0x7];
	s4 =	simm.s32 $0x0  }
0x31: {  	[tilespmem:s4], [sflag:$0x1] =	stream.linear.gather [hbm4b:s20+s4], $0x40, $0x38;
	[tilespmem:$0x18600] =	vst v63  }
0x32: {  	s21 =	rddreg [dreg:$0x8];
	s1 =	simm.s32 $0x100  }
0x33: {  	[tilespmem:s1], [sflag:$0x1] =	stream.linear.gather [hbm4b:s21+s4], $0x40, $0x38;
	[tilespmem:$0x18600] =	vst v63  }
0x34: {  	s7 =	rddreg [dreg:$0x9];
	s9 =	simm.s32 $0x200  }
0x35: {  	[tilespmem:s9], [sflag:$0x1] =	stream.linear.gather [hbm4b:s7+s4], $0x40, $0x38;
	[tilespmem:$0x18600] =	vst v63  }
0x36: {  	s8 =	rddreg [dreg:$0xa];
	s10 =	simm.s32 $0x300  }
0x37: {  	[tilespmem:s10], [sflag:$0x1] =	stream.linear.gather [hbm4b:s8+s4], $0x40, $0x38;
	[tilespmem:$0x18600] =	vst v63  }
0x38: {  	_ =	swait.ge [sflag:s11], $0x40  }
0x39: {  	[sflag:s11] =	ssyncset.done $0x0  }
0x3a: {  	[sflag:s11] =	ssyncadd.s32 $0xFFFFFFC0  }
0x3b: {  	_ =	swait.ge [sflag:s11], $0x40  }
0x3c: {  	[sflag:s11] =	ssyncset.done $0x0  }
0x3d: {  	[sflag:s11] =	ssyncadd.s32 $0xFFFFFFC0  }
0x3e: {  	_ =	swait.ge [sflag:s11], $0x40  }
0x3f: {  	[sflag:s11] =	ssyncset.done $0x0  }
0x40: {  	[sflag:s11] =	ssyncadd.s32 $0xFFFFFFC0  }
0x41: {  	_ =	swait.ge [sflag:s11], $0x40  }
0x42: {  	[sflag:s11] =	ssyncset.done $0x0  }
0x43: {  	[sflag:s11] =	ssyncadd.s32 $0xFFFFFFC0  }
0x44: {  	v0 =	vld [tilespmem:$0x300]  }
0x45: {  	v1 =	vld [tilespmem:$0x100]  }
0x46: {  	v2 =	vld [tilespmem:$0x200]  }
0x47: {  	v3 =	vld [tilespmem:$0x0]  }
0x48: {  	v4 =	vld [tilespmem:$0x310]  }
0x49: {  	v5 =	vld [tilespmem:$0x110]  }
0x4a: {  	v6 =	vld [tilespmem:$0x210]  }
0x4b: {  	v7 =	vld [tilespmem:$0x10]  }
0x4c: {  	v8 =	vld [tilespmem:$0x320]  }
0x4d: {  	v9 =	vld [tilespmem:$0x120]  }
0x4e: {  	v10 =	vld [tilespmem:$0x220]  }
0x4f: {  	v11 =	vld [tilespmem:$0x20]  }
0x50: {  	v12 =	vld [tilespmem:$0x330]  }
0x51: {  	v36 =	vld [tilespmem:$0x130];
	v0 =	vsub.s32 v0, v1  }
0x52: {  	v38 =	vld [tilespmem:$0x230];
	v37 =	vsub.s32 v2, v3;
	[tilespmem:$0x400] =	vst v0  }
0x53: {  	v40 =	vld [tilespmem:$0x30];
	v39 =	vsub.s32 v4, v5;
	[tilespmem:$0x500] =	vst v37  }
0x54: {  	v41 =	vsub.s32 v6, v7;
	[tilespmem:$0x410] =	vst v39  }
0x55: {  	v42 =	vsub.s32 v8, v9;
	[tilespmem:$0x510] =	vst v41  }
0x56: {  	v43 =	vsub.s32 v10, v11;
	[tilespmem:$0x420] =	vst v42  }
0x57: {  	v44 =	vsub.s32 v12, v36;
	[tilespmem:$0x520] =	vst v43  }
0x58: {  	v45 =	vsub.s32 v38, v40;
	[tilespmem:$0x430] =	vst v44  }
0x59: {  	s13 =	simm.s32 $0x600;
	s2 =	rddreg [dreg:$0x1];
	[tilespmem:$0x530] =	vst v45  }
0x5a: {  	[tilespmem:s13], [sflag:$0x2] =	stream.indirect.gather [hbm4b:s2+s29], $0x80, s4, s29, $0xb8;
	[tilespmem:$0x18600] =	vst v63  }
0x5b: {  	s5 =	simm.s32 $0x100;
	s14 =	simm.s32 $0x4600;
	s25 =	rddreg [dreg:$0x2]  }
0x5c: {  	[tilespmem:s14], [sflag:$0x3] =	stream.indirect.gather [hbm4b:s25+s29], $0x80, s5, s29, $0xb8;
	[tilespmem:$0x18600] =	vst v63  }
0x5d: {  	s15 =	simm.s32 $0x8600;
	s9 =	simm.s32 $0x200  }
0x5e: {  	[tilespmem:s15], [sflag:$0x4] =	stream.indirect.gather [hbm4b:s2+s29], $0x80, s9, s29, $0xb8;
	[tilespmem:$0x18600] =	vst v63  }
0x5f: {  	s12 =	simm.s32 $0x300;
	s19 =	simm.s32 $0xC600  }
0x60: {  	[tilespmem:s19], [sflag:$0x5] =	stream.indirect.gather [hbm4b:s25+s29], $0x80, s12, s29, $0xb8;
	[tilespmem:$0x18600] =	vst v63  }
0x61: {  	s20 =	simm.s32 $0x10600;
	s14 =	rddreg [dreg:$0x3]  }
0x62: {  	[tilespmem:s20], [sflag:$0x6] =	stream.indirect.gather [hbm4b:s14+s29], $0x80, s17, s29, $0xb8;
	[tilespmem:$0x18600] =	vst v63  }
0x63: {  	s7 =	rddreg [dreg:$0x4];
	s5 =	simm.s32 $0x500;
	s12 =	simm.s32 $0x14600  }
0x64: {  	[tilespmem:s12], [sflag:$0x7] =	stream.indirect.gather [hbm4b:s7+s29], $0x80, s5, s29, $0xb8;
	[tilespmem:$0x18600] =	vst v63  }
0x65: {  	s21 =	rddreg [dreg:$0xb];
	s19 =	simm.s32 $0x80  }
0x66: {  	[tilespmem:s19], [sflag:$0x1] =	stream.linear.gather [hbm4b:s21+s4], $0x40, $0x38;
	[tilespmem:$0x18600] =	vst v63  }
0x67: {  	s15 =	rddreg [dreg:$0xc];
	s12 =	simm.s32 $0x180  }
0x68: {  	[tilespmem:s12], [sflag:$0x1] =	stream.linear.gather [hbm4b:s15+s4], $0x40, $0x38;
	[tilespmem:$0x18600] =	vst v63  }
0x69: {  	s0 =	rddreg [dreg:$0xd];
	s15 =	simm.s32 $0x280  }
0x6a: {  	[tilespmem:s15], [sflag:$0x1] =	stream.linear.gather [hbm4b:s0+s4], $0x40, $0x38;
	[tilespmem:$0x18600] =	vst v63  }
0x6b: {  	s21 =	rddreg [dreg:$0xe];
	s0 =	simm.s32 $0x380  }
0x6c: {  	[tilespmem:s0], [sflag:$0x1] =	stream.linear.gather [hbm4b:s21+s4], $0x40, $0x38;
	[tilespmem:$0x18600] =	vst v63  }
0x6d: {  	_ =	swait.ge [sflag:s28], $0x2000  }
0x6e: {  	[sflag:s28] =	ssyncset.done $0x0  }
0x6f: {  	s3 =	simm.s32 $0x600;
	s1 =	rddreg [dreg:$0xf];
	[sflag:s28] =	ssyncadd.s32 $0xFFFFE000  }
0x70: {  	[hbm4b:s1+s17] =	stream.strided.scatter [tilespmem:s3], [sflag:$0x8], $0x2000, s26, s17, $0x38;
	[tilespmem:$0x18600] =	vst v63  }
0x71: {  	_ =	swait.ge [sflag:s24], $0x2000  }
0x72: {  	[sflag:s24] =	ssyncset.done $0x0  }
0x73: {  	s10 =	simm.s32 $0x4600;
	s0 =	rddreg [dreg:$0x10];
	[sflag:s24] =	ssyncadd.s32 $0xFFFFE000  }
0x74: {  	[hbm4b:s0+s17] =	stream.strided.scatter [tilespmem:s10], [sflag:$0x9], $0x2000, s26, s17, $0x38;
	[tilespmem:$0x18600] =	vst v63  }
0x75: {  	_ =	swait.ge [sflag:s30], $0x2000  }
0x76: {  	[sflag:s30] =	ssyncset.done $0x0  }
0x77: {  	s6 =	simm.s32 $0x8600;
	s1 =	rddreg [dreg:$0x11];
	[sflag:s30] =	ssyncadd.s32 $0xFFFFE000  }
0x78: {  	[hbm4b:s1+s17] =	stream.strided.scatter [tilespmem:s6], [sflag:$0xA], $0x2000, s26, s17, $0x38;
	[tilespmem:$0x18600] =	vst v63  }
0x79: {  	_ =	swait.ge [sflag:s31], $0x2000  }
0x7a: {  	[sflag:s31] =	ssyncset.done $0x0  }
0x7b: {  	s9 =	simm.s32 $0xC600;
	s3 =	rddreg [dreg:$0x12];
	[sflag:s31] =	ssyncadd.s32 $0xFFFFE000  }
0x7c: {  	[hbm4b:s3+s17] =	stream.strided.scatter [tilespmem:s9], [sflag:$0xB], $0x2000, s26, s17, $0x38;
	[tilespmem:$0x18600] =	vst v63  }
0x7d: {  	_ =	swait.ge [sflag:s22], $0x2000  }
0x7e: {  	[sflag:s22] =	ssyncset.done $0x0  }
0x7f: {  	s8 =	simm.s32 $0x10600;
	s6 =	rddreg [dreg:$0x13];
	[sflag:s22] =	ssyncadd.s32 $0xFFFFE000  }
0x80: {  	[hbm4b:s6+s17] =	stream.strided.scatter [tilespmem:s8], [sflag:$0xC], $0x2000, s26, s17, $0x38;
	[tilespmem:$0x18600] =	vst v63  }
0x81: {  	_ =	swait.ge [sflag:s23], $0x2000  }
0x82: {  	[sflag:s23] =	ssyncset.done $0x0  }
0x83: {  	s5 =	simm.s32 $0x14600;
	s9 =	rddreg [dreg:$0x14];
	[sflag:s23] =	ssyncadd.s32 $0xFFFFE000  }
0x84: {  	[hbm4b:s9+s17] =	stream.strided.scatter [tilespmem:s5], [sflag:$0xD], $0x2000, s26, s17, $0x38;
	[tilespmem:$0x18600] =	vst v63  }
0x85: {  	_ =	swait.ge [sflag:s11], $0x40  }
0x86: {  	[sflag:s11] =	ssyncset.done $0x0  }
0x87: {  	[sflag:s11] =	ssyncadd.s32 $0xFFFFFFC0  }
0x88: {  	_ =	swait.ge [sflag:s11], $0x40  }
0x89: {  	[sflag:s11] =	ssyncset.done $0x0  }
0x8a: {  	[sflag:s11] =	ssyncadd.s32 $0xFFFFFFC0  }
0x8b: {  	_ =	swait.ge [sflag:s11], $0x40  }
0x8c: {  	[sflag:s11] =	ssyncset.done $0x0  }
0x8d: {  	[sflag:s11] =	ssyncadd.s32 $0xFFFFFFC0  }
0x8e: {  	_ =	swait.ge [sflag:s11], $0x40  }
0x8f: {  	[sflag:s11] =	ssyncset.done $0x0  }
0x90: {  	[sflag:s11] =	ssyncadd.s32 $0xFFFFFFC0  }
0x91: {  	v46 =	vld [tilespmem:$0x380]  }
0x92: {  	v47 =	vld [tilespmem:$0x180]  }
0x93: {  	v48 =	vld [tilespmem:$0x280]  }
0x94: {  	v49 =	vld [tilespmem:$0x80]  }
0x95: {  	v50 =	vld [tilespmem:$0x390]  }
0x96: {  	v51 =	vld [tilespmem:$0x190]  }
0x97: {  	v52 =	vld [tilespmem:$0x290]  }
0x98: {  	v53 =	vld [tilespmem:$0x90]  }
0x99: {  	v54 =	vld [tilespmem:$0x3A0]  }
0x9a: {  	v55 =	vld [tilespmem:$0x1A0]  }
0x9b: {  	v56 =	vld [tilespmem:$0x2A0]  }
0x9c: {  	v57 =	vld [tilespmem:$0xA0]  }
0x9d: {  	v58 =	vld [tilespmem:$0x3B0]  }
0x9e: {  	v59 =	vld [tilespmem:$0x1B0];
	v0 =	vsub.s32 v46, v47  }
0x9f: {  	v61 =	vld [tilespmem:$0x2B0];
	v60 =	vsub.s32 v48, v49;
	[tilespmem:$0x480] =	vst v0  }
0xa0: {  	v63 =	vld [tilespmem:$0xB0];
	v62 =	vsub.s32 v50, v51;
	[tilespmem:$0x580] =	vst v60  }
0xa1: {  	v13 =	vsub.s32 v52, v53;
	[tilespmem:$0x490] =	vst v62  }
0xa2: {  	v14 =	vsub.s32 v54, v55;
	[tilespmem:$0x590] =	vst v13  }
0xa3: {  	v15 =	vsub.s32 v56, v57;
	[tilespmem:$0x4A0] =	vst v14  }
0xa4: {  	v16 =	vsub.s32 v58, v59;
	[tilespmem:$0x5A0] =	vst v15  }
0xa5: {  	v17 =	vsub.s32 v61, v63;
	[tilespmem:$0x4B0] =	vst v16  }
0xa6: {  	s19 =	simm.s32 $0x80;
	s10 =	simm.s32 $0x2600;
	[tilespmem:$0x5B0] =	vst v17  }
0xa7: {  	[tilespmem:s10], [sflag:$0x2] =	stream.indirect.gather [hbm4b:s2+s29], $0x80, s19, s29, $0xb8;
	[tilespmem:$0x18600] =	vst v63  }
0xa8: {  	s20 =	simm.s32 $0x6600;
	s12 =	simm.s32 $0x180  }
0xa9: {  	[tilespmem:s20], [sflag:$0x3] =	stream.indirect.gather [hbm4b:s25+s29], $0x80, s12, s29, $0xb8;
	[tilespmem:$0x18600] =	vst v63  }
0xaa: {  	s15 =	simm.s32 $0x280;
	s1 =	simm.s32 $0xA600  }
0xab: {  	[tilespmem:s1], [sflag:$0x4] =	stream.indirect.gather [hbm4b:s2+s29], $0x80, s15, s29, $0xb8;
	[tilespmem:$0x18600] =	vst v63  }
0xac: {  	s21 =	simm.s32 $0x380;
	s6 =	simm.s32 $0xE600  }
0xad: {  	[tilespmem:s6], [sflag:$0x5] =	stream.indirect.gather [hbm4b:s25+s29], $0x80, s21, s29, $0xb8;
	[tilespmem:$0x18600] =	vst v63  }
0xae: {  	s9 =	simm.s32 $0x480;
	s12 =	simm.s32 $0x12600  }
0xaf: {  	[tilespmem:s12], [sflag:$0x6] =	stream.indirect.gather [hbm4b:s14+s29], $0x80, s9, s29, $0xb8;
	[tilespmem:$0x18600] =	vst v63  }
0xb0: {  	s21 =	simm.s32 $0x580;
	s6 =	simm.s32 $0x16600  }
0xb1: {  	[tilespmem:s6], [sflag:$0x7] =	stream.indirect.gather [hbm4b:s7+s29], $0x80, s21, s29, $0xb8;
	[tilespmem:$0x18600] =	vst v63  }
0xb2: {  	s15 =	rddreg [dreg:$0x15]  }
0xb3: {  	[tilespmem:s4], [sflag:$0x1] =	stream.linear.gather [hbm4b:s15+s4], $0x40, $0x38;
	[tilespmem:$0x18600] =	vst v63  }
0xb4: {  	s13 =	simm.s32 $0x100;
	s12 =	rddreg [dreg:$0x16]  }
0xb5: {  	[tilespmem:s13], [sflag:$0x1] =	stream.linear.gather [hbm4b:s12+s4], $0x40, $0x38;
	[tilespmem:$0x18600] =	vst v63  }
0xb6: {  	s1 =	smov.u32 s14;
	s14 =	rddreg [dreg:$0x17];
	s6 =	simm.s32 $0x200  }
0xb7: {  	[tilespmem:s6], [sflag:$0x1] =	stream.linear.gather [hbm4b:s14+s4], $0x40, $0x38;
	[tilespmem:$0x18600] =	vst v63  }
0xb8: {  	s9 =	simm.s32 $0x300;
	s15 =	rddreg [dreg:$0x18]  }
0xb9: {  	[tilespmem:s9], [sflag:$0x1] =	stream.linear.gather [hbm4b:s15+s4], $0x40, $0x38;
	[tilespmem:$0x18600] =	vst v63  }
0xba: {  	_ =	swait.ge [sflag:s28], $0x2000  }
0xbb: {  	[sflag:s28] =	ssyncset.done $0x0  }
0xbc: {  	s0 =	simm.s32 $0x2600;
	s21 =	rddreg [dreg:$0x19];
	[sflag:s28] =	ssyncadd.s32 $0xFFFFE000  }
0xbd: {  	[hbm4b:s21+s17] =	stream.strided.scatter [tilespmem:s0], [sflag:$0x8], $0x2000, s26, s17, $0x38;
	[tilespmem:$0x18600] =	vst v63  }
0xbe: {  	_ =	swait.ge [sflag:s24], $0x2000  }
0xbf: {  	[sflag:s24] =	ssyncset.done $0x0  }
0xc0: {  	s3 =	simm.s32 $0x6600;
	s0 =	rddreg [dreg:$0x1a];
	[sflag:s24] =	ssyncadd.s32 $0xFFFFE000  }
0xc1: {  	[hbm4b:s0+s17] =	stream.strided.scatter [tilespmem:s3], [sflag:$0x9], $0x2000, s26, s17, $0x38;
	[tilespmem:$0x18600] =	vst v63  }
0xc2: {  	_ =	swait.ge [sflag:s30], $0x2000  }
0xc3: {  	[sflag:s30] =	ssyncset.done $0x0  }
0xc4: {  	s10 =	simm.s32 $0xA600;
	s7 =	rddreg [dreg:$0x1b];
	[sflag:s30] =	ssyncadd.s32 $0xFFFFE000  }
0xc5: {  	[hbm4b:s7+s17] =	stream.strided.scatter [tilespmem:s10], [sflag:$0xA], $0x2000, s26, s17, $0x38;
	[tilespmem:$0x18600] =	vst v63  }
0xc6: {  	_ =	swait.ge [sflag:s31], $0x2000  }
0xc7: {  	[sflag:s31] =	ssyncset.done $0x0  }
0xc8: {  	s5 =	simm.s32 $0xE600;
	s12 =	rddreg [dreg:$0x1c];
	[sflag:s31] =	ssyncadd.s32 $0xFFFFE000  }
0xc9: {  	[hbm4b:s12+s17] =	stream.strided.scatter [tilespmem:s5], [sflag:$0xB], $0x2000, s26, s17, $0x38;
	[tilespmem:$0x18600] =	vst v63  }
0xca: {  	_ =	swait.ge [sflag:s22], $0x2000  }
0xcb: {  	[sflag:s22] =	ssyncset.done $0x0  }
0xcc: {  	s8 =	simm.s32 $0x12600;
	s14 =	rddreg [dreg:$0x1d];
	[sflag:s22] =	ssyncadd.s32 $0xFFFFE000  }
0xcd: {  	[hbm4b:s14+s17] =	stream.strided.scatter [tilespmem:s8], [sflag:$0xC], $0x2000, s26, s17, $0x38;
	[tilespmem:$0x18600] =	vst v63  }
0xce: {  	_ =	swait.ge [sflag:s23], $0x2000  }
0xcf: {  	[sflag:s23] =	ssyncset.done $0x0  }
0xd0: {  	s19 =	simm.s32 $0x16600;
	s15 =	rddreg [dreg:$0x1e];
	[sflag:s23] =	ssyncadd.s32 $0xFFFFE000  }
0xd1: {  	[hbm4b:s15+s17] =	stream.strided.scatter [tilespmem:s19], [sflag:$0xD], $0x2000, s26, s17, $0x38;
	[tilespmem:$0x18600] =	vst v63  }
0xd2: {  	_ =	swait.ge [sflag:s11], $0x40  }
0xd3: {  	[sflag:s11] =	ssyncset.done $0x0  }
0xd4: {  	[sflag:s11] =	ssyncadd.s32 $0xFFFFFFC0  }
0xd5: {  	_ =	swait.ge [sflag:s11], $0x40  }
0xd6: {  	[sflag:s11] =	ssyncset.done $0x0  }
0xd7: {  	[sflag:s11] =	ssyncadd.s32 $0xFFFFFFC0  }
0xd8: {  	_ =	swait.ge [sflag:s11], $0x40  }
0xd9: {  	[sflag:s11] =	ssyncset.done $0x0  }
0xda: {  	[sflag:s11] =	ssyncadd.s32 $0xFFFFFFC0  }
0xdb: {  	_ =	swait.ge [sflag:s11], $0x40  }
0xdc: {  	[sflag:s11] =	ssyncset.done $0x0  }
0xdd: {  	[sflag:s11] =	ssyncadd.s32 $0xFFFFFFC0  }
0xde: {  	v18 =	vld [tilespmem:$0x300]  }
0xdf: {  	v19 =	vld [tilespmem:$0x100]  }
0xe0: {  	v20 =	vld [tilespmem:$0x200]  }
0xe1: {  	v21 =	vld [tilespmem:$0x0]  }
0xe2: {  	v22 =	vld [tilespmem:$0x310]  }
0xe3: {  	v23 =	vld [tilespmem:$0x110]  }
0xe4: {  	v24 =	vld [tilespmem:$0x210]  }
0xe5: {  	v25 =	vld [tilespmem:$0x10]  }
0xe6: {  	v26 =	vld [tilespmem:$0x320]  }
0xe7: {  	v27 =	vld [tilespmem:$0x120]  }
0xe8: {  	v28 =	vld [tilespmem:$0x220]  }
0xe9: {  	v29 =	vld [tilespmem:$0x20]  }
0xea: {  	v30 =	vld [tilespmem:$0x330]  }
0xeb: {  	v31 =	vld [tilespmem:$0x130];
	v0 =	vsub.s32 v18, v19  }
0xec: {  	v33 =	vld [tilespmem:$0x230];
	v32 =	vsub.s32 v20, v21;
	[tilespmem:$0x400] =	vst v0  }
0xed: {  	v35 =	vld [tilespmem:$0x30];
	v34 =	vsub.s32 v22, v23;
	[tilespmem:$0x500] =	vst v32  }
0xee: {  	v36 =	vsub.s32 v24, v25;
	[tilespmem:$0x410] =	vst v34  }
0xef: {  	v37 =	vsub.s32 v26, v27;
	[tilespmem:$0x510] =	vst v36  }
0xf0: {  	v38 =	vsub.s32 v28, v29;
	[tilespmem:$0x420] =	vst v37  }
0xf1: {  	v39 =	vsub.s32 v30, v31;
	[tilespmem:$0x520] =	vst v38  }
0xf2: {  	v40 =	vsub.s32 v33, v35;
	[tilespmem:$0x430] =	vst v39  }
0xf3: {  	s8 =	simm.s32 $0x8;
	[tilespmem:$0x530] =	vst v40  }
0xf4: {  	_ =	swait.ge [sflag:s8], $0x2000  }
0xf5: {  	[sflag:s8] =	ssyncset.done $0x0  }
0xf6: {  	s14 =	simm.s32 $0x9;
	[sflag:s8] =	ssyncadd.s32 $0xFFFFE000  }
0xf7: {  	_ =	swait.ge [sflag:s14], $0x2000  }
0xf8: {  	[sflag:s14] =	ssyncset.done $0x0  }
0xf9: {  	s15 =	simm.s32 $0xA;
	[sflag:s14] =	ssyncadd.s32 $0xFFFFE000  }
0xfa: {  	_ =	swait.ge [sflag:s15], $0x2000  }
0xfb: {  	[sflag:s15] =	ssyncset.done $0x0  }
0xfc: {  	[sflag:s15] =	ssyncadd.s32 $0xFFFFE000  }
0xfd: {  	_ =	swait.ge [sflag:s16], $0x2000  }
0xfe: {  	[sflag:s16] =	ssyncset.done $0x0  }
0xff: {  	[sflag:s16] =	ssyncadd.s32 $0xFFFFE000  }
0x100: {  	_ =	swait.ge [sflag:s18], $0x2000  }
0x101: {  	[sflag:s18] =	ssyncset.done $0x0  }
0x102: {  	s7 =	simm.s32 $0xD;
	[sflag:s18] =	ssyncadd.s32 $0xFFFFE000  }
0x103: {  	_ =	swait.ge [sflag:s7], $0x2000  }
0x104: {  	[sflag:s7] =	ssyncset.done $0x0  }
0x105: {  	s12 =	simm.s32 $0x600;
	[sflag:s7] =	ssyncadd.s32 $0xFFFFE000  }
0x106: {  	[tilespmem:s12], [sflag:$0x2] =	stream.indirect.gather [hbm4b:s2+s29], $0x80, s4, s29, $0xb8;
	[tilespmem:$0x18600] =	vst v63  }
0x107: {  	s5 =	simm.s32 $0x4600  }
0x108: {  	[tilespmem:s5], [sflag:$0x3] =	stream.indirect.gather [hbm4b:s25+s29], $0x80, s13, s29, $0xb8;
	[tilespmem:$0x18600] =	vst v63  }
0x109: {  	s0 =	simm.s32 $0x8600  }
0x10a: {  	[tilespmem:s0], [sflag:$0x4] =	stream.indirect.gather [hbm4b:s2+s29], $0x80, s6, s29, $0xb8;
	[tilespmem:$0x18600] =	vst v63  }
0x10b: {  	s6 =	simm.s32 $0xC600  }
0x10c: {  	[tilespmem:s6], [sflag:$0x5] =	stream.indirect.gather [hbm4b:s25+s29], $0x80, s9, s29, $0xb8;
	[tilespmem:$0x18600] =	vst v63  }
0x10d: {  	s20 =	rddreg [dreg:$0x1f];
	s13 =	simm.s32 $0x10600  }
0x10e: {  	[tilespmem:s13], [sflag:$0x6] =	stream.indirect.gather [hbm4b:s1+s29], $0x80, s17, s29, $0xb8;
	[tilespmem:$0x18600] =	vst v63  }
0x10f: {  	s21 =	simm.s32 $0x500;
	s19 =	rddreg [dreg:$0x4];
	s1 =	simm.s32 $0x14600  }
0x110: {  	[tilespmem:s1], [sflag:$0x7] =	stream.indirect.gather [hbm4b:s19+s29], $0x80, s21, s29, $0xb8;
	[tilespmem:$0x18600] =	vst v63  }
0x111: {  	s10 =	simm.s32 $0x80;
	s3 =	sld [smem:$0x7EF]  }
0x112: {  	[tilespmem:s10], [sflag:$0x1] =	stream.linear.gather [hbm4b:s20+s4], $0x40, $0x38;
	[tilespmem:$0x18600] =	vst v63  }
0x113: {  	s9 =	sld [smem:$0x7F0];
	s19 =	simm.s32 $0x180  }
0x114: {  	[tilespmem:s19], [sflag:$0x1] =	stream.linear.gather [hbm4b:s3+s4], $0x40, $0x38;
	[tilespmem:$0x18600] =	vst v63  }
0x115: {  	s21 =	sld [smem:$0x7F1];
	s3 =	simm.s32 $0x280  }
0x116: {  	[tilespmem:s3], [sflag:$0x1] =	stream.linear.gather [hbm4b:s9+s4], $0x40, $0x38;
	[tilespmem:$0x18600] =	vst v63  }
0x117: {  	s9 =	simm.s32 $0x380  }
0x118: {  	[tilespmem:s9], [sflag:$0x1] =	stream.linear.gather [hbm4b:s21+s4], $0x40, $0x38;
	[tilespmem:$0x18600] =	vst v63  }
0x119: {  	_ =	swait.ge [sflag:s28], $0x2000  }
0x11a: {  	s21 =	sld [smem:$0x7F2]  }
0x11b: {  	[sflag:s28] =	ssyncset.done $0x0  }
0x11c: {  	[sflag:s28] =	ssyncadd.s32 $0xFFFFE000  }
0x11d: {  	[hbm4b:s21+s17] =	stream.strided.scatter [tilespmem:s12], [sflag:$0x8], $0x2000, s26, s17, $0x38;
	[tilespmem:$0x18600] =	vst v63  }
0x11e: {  	_ =	swait.ge [sflag:s24], $0x2000  }
0x11f: {  	s4 =	sld [smem:$0x7F3]  }
0x120: {  	[sflag:s24] =	ssyncset.done $0x0  }
0x121: {  	[sflag:s24] =	ssyncadd.s32 $0xFFFFE000  }
0x122: {  	[hbm4b:s4+s17] =	stream.strided.scatter [tilespmem:s5], [sflag:$0x9], $0x2000, s26, s17, $0x38;
	[tilespmem:$0x18600] =	vst v63  }
0x123: {  	_ =	swait.ge [sflag:s30], $0x2000  }
0x124: {  	s12 =	sld [smem:$0x7F4]  }
0x125: {  	[sflag:s30] =	ssyncset.done $0x0  }
0x126: {  	[sflag:s30] =	ssyncadd.s32 $0xFFFFE000  }
0x127: {  	[hbm4b:s12+s17] =	stream.strided.scatter [tilespmem:s0], [sflag:$0xA], $0x2000, s26, s17, $0x38;
	[tilespmem:$0x18600] =	vst v63  }
0x128: {  	_ =	swait.ge [sflag:s31], $0x2000  }
0x129: {  	s21 =	sld [smem:$0x7F5]  }
0x12a: {  	[sflag:s31] =	ssyncset.done $0x0  }
0x12b: {  	[sflag:s31] =	ssyncadd.s32 $0xFFFFE000  }
0x12c: {  	[hbm4b:s21+s17] =	stream.strided.scatter [tilespmem:s6], [sflag:$0xB], $0x2000, s26, s17, $0x38;
	[tilespmem:$0x18600] =	vst v63  }
0x12d: {  	_ =	swait.ge [sflag:s22], $0x2000  }
0x12e: {  	s0 =	sld [smem:$0x7F6]  }
0x12f: {  	[sflag:s22] =	ssyncset.done $0x0  }
0x130: {  	[sflag:s22] =	ssyncadd.s32 $0xFFFFE000  }
0x131: {  	[hbm4b:s0+s17] =	stream.strided.scatter [tilespmem:s13], [sflag:$0xC], $0x2000, s26, s17, $0x38;
	[tilespmem:$0x18600] =	vst v63  }
0x132: {  	_ =	swait.ge [sflag:s23], $0x2000  }
0x133: {  	s4 =	sld [smem:$0x7F7]  }
0x134: {  	[sflag:s23] =	ssyncset.done $0x0  }
0x135: {  	[sflag:s23] =	ssyncadd.s32 $0xFFFFE000  }
0x136: {  	[hbm4b:s4+s17] =	stream.strided.scatter [tilespmem:s1], [sflag:$0xD], $0x2000, s26, s17, $0x38;
	[tilespmem:$0x18600] =	vst v63  }
0x137: {  	_ =	swait.ge [sflag:s11], $0x40  }
0x138: {  	[sflag:s11] =	ssyncset.done $0x0  }
0x139: {  	[sflag:s11] =	ssyncadd.s32 $0xFFFFFFC0  }
0x13a: {  	_ =	swait.ge [sflag:s11], $0x40  }
0x13b: {  	[sflag:s11] =	ssyncset.done $0x0  }
0x13c: {  	[sflag:s11] =	ssyncadd.s32 $0xFFFFFFC0  }
0x13d: {  	_ =	swait.ge [sflag:s11], $0x40  }
0x13e: {  	[sflag:s11] =	ssyncset.done $0x0  }
0x13f: {  	[sflag:s11] =	ssyncadd.s32 $0xFFFFFFC0  }
0x140: {  	_ =	swait.ge [sflag:s11], $0x40  }
0x141: {  	[sflag:s11] =	ssyncset.done $0x0  }
0x142: {  	[sflag:s11] =	ssyncadd.s32 $0xFFFFFFC0  }
0x143: {  	v41 =	vld [tilespmem:$0x380]  }
0x144: {  	v42 =	vld [tilespmem:$0x180]  }
0x145: {  	v43 =	vld [tilespmem:$0x280]  }
0x146: {  	v44 =	vld [tilespmem:$0x80]  }
0x147: {  	v45 =	vld [tilespmem:$0x390]  }
0x148: {  	v46 =	vld [tilespmem:$0x190]  }
0x149: {  	v47 =	vld [tilespmem:$0x290]  }
0x14a: {  	v48 =	vld [tilespmem:$0x90]  }
0x14b: {  	v49 =	vld [tilespmem:$0x3A0]  }
0x14c: {  	v50 =	vld [tilespmem:$0x1A0]  }
0x14d: {  	v51 =	vld [tilespmem:$0x2A0]  }
0x14e: {  	v52 =	vld [tilespmem:$0xA0]  }
0x14f: {  	v53 =	vld [tilespmem:$0x3B0]  }
0x150: {  	v54 =	vld [tilespmem:$0x1B0];
	v0 =	vsub.s32 v41, v42  }
0x151: {  	v56 =	vld [tilespmem:$0x2B0];
	v55 =	vsub.s32 v43, v44;
	[tilespmem:$0x480] =	vst v0  }
0x152: {  	v58 =	vld [tilespmem:$0xB0];
	v57 =	vsub.s32 v45, v46;
	[tilespmem:$0x580] =	vst v55  }
0x153: {  	v59 =	vsub.s32 v47, v48;
	[tilespmem:$0x490] =	vst v57  }
0x154: {  	v60 =	vsub.s32 v49, v50;
	[tilespmem:$0x590] =	vst v59  }
0x155: {  	v61 =	vsub.s32 v51, v52;
	[tilespmem:$0x4A0] =	vst v60  }
0x156: {  	v62 =	vsub.s32 v53, v54;
	[tilespmem:$0x5A0] =	vst v61  }
0x157: {  	v63 =	vsub.s32 v56, v58;
	[tilespmem:$0x4B0] =	vst v62  }
0x158: {  	[tilespmem:$0x5B0] =	vst v63  }
0x159: {  	_ =	swait.ge [sflag:s8], $0x2000  }
0x15a: {  	[sflag:s8] =	ssyncset.done $0x0  }
0x15b: {  	[sflag:s8] =	ssyncadd.s32 $0xFFFFE000  }
0x15c: {  	_ =	swait.ge [sflag:s14], $0x2000  }
0x15d: {  	[sflag:s14] =	ssyncset.done $0x0  }
0x15e: {  	[sflag:s14] =	ssyncadd.s32 $0xFFFFE000  }
0x15f: {  	_ =	swait.ge [sflag:s15], $0x2000  }
0x160: {  	[sflag:s15] =	ssyncset.done $0x0  }
0x161: {  	[sflag:s15] =	ssyncadd.s32 $0xFFFFE000  }
0x162: {  	_ =	swait.ge [sflag:s16], $0x2000  }
0x163: {  	[sflag:s16] =	ssyncset.done $0x0  }
0x164: {  	[sflag:s16] =	ssyncadd.s32 $0xFFFFE000  }
0x165: {  	_ =	swait.ge [sflag:s18], $0x2000  }
0x166: {  	[sflag:s18] =	ssyncset.done $0x0  }
0x167: {  	[sflag:s18] =	ssyncadd.s32 $0xFFFFE000  }
0x168: {  	_ =	swait.ge [sflag:s7], $0x2000  }
0x169: {  	[sflag:s7] =	ssyncset.done $0x0  }
0x16a: {  	s5 =	simm.s32 $0x2600;
	[sflag:s7] =	ssyncadd.s32 $0xFFFFE000  }
0x16b: {  	[tilespmem:s5], [sflag:$0x2] =	stream.indirect.gather [hbm4b:s2+s29], $0x80, s10, s29, $0xb8;
	[tilespmem:$0x18600] =	vst v63  }
0x16c: {  	s12 =	simm.s32 $0x6600  }
0x16d: {  	[tilespmem:s12], [sflag:$0x3] =	stream.indirect.gather [hbm4b:s25+s29], $0x80, s19, s29, $0xb8;
	[tilespmem:$0x18600] =	vst v63  }
0x16e: {  	s13 =	simm.s32 $0xA600  }
0x16f: {  	[tilespmem:s13], [sflag:$0x4] =	stream.indirect.gather [hbm4b:s2+s29], $0x80, s3, s29, $0xb8;
	[tilespmem:$0x18600] =	vst v63  }
0x170: {  	s4 =	simm.s32 $0xE600  }
0x171: {  	[tilespmem:s4], [sflag:$0x5] =	stream.indirect.gather [hbm4b:s25+s29], $0x80, s9, s29, $0xb8;
	[tilespmem:$0x18600] =	vst v63  }
0x172: {  	s20 =	rddreg [dreg:$0x3];
	s19 =	simm.s32 $0x480;
	s3 =	simm.s32 $0x12600  }
0x173: {  	[tilespmem:s3], [sflag:$0x6] =	stream.indirect.gather [hbm4b:s20+s29], $0x80, s19, s29, $0xb8;
	[tilespmem:$0x18600] =	vst v63  }
0x174: {  	s21 =	simm.s32 $0x580;
	s2 =	simm.s32 $0x16600;
	s25 =	rddreg [dreg:$0x4]  }
0x175: {  	[tilespmem:s2], [sflag:$0x7] =	stream.indirect.gather [hbm4b:s25+s29], $0x80, s21, s29, $0xb8;
	[tilespmem:$0x18600] =	vst v63  }
0x176: {  	_ =	swait.ge [sflag:s28], $0x2000  }
0x177: {  	s6 =	sld [smem:$0x7F8]  }
0x178: {  	[sflag:s28] =	ssyncset.done $0x0  }
0x179: {  	[sflag:s28] =	ssyncadd.s32 $0xFFFFE000  }
0x17a: {  	[hbm4b:s6+s17] =	stream.strided.scatter [tilespmem:s5], [sflag:$0x8], $0x2000, s26, s17, $0x38;
	[tilespmem:$0x18600] =	vst v63  }
0x17b: {  	_ =	swait.ge [sflag:s24], $0x2000  }
0x17c: {  	s9 =	sld [smem:$0x7F9]  }
0x17d: {  	[sflag:s24] =	ssyncset.done $0x0  }
0x17e: {  	[sflag:s24] =	ssyncadd.s32 $0xFFFFE000  }
0x17f: {  	[hbm4b:s9+s17] =	stream.strided.scatter [tilespmem:s12], [sflag:$0x9], $0x2000, s26, s17, $0x38;
	[tilespmem:$0x18600] =	vst v63  }
0x180: {  	_ =	swait.ge [sflag:s30], $0x2000  }
0x181: {  	s12 =	sld [smem:$0x7FA]  }
0x182: {  	[sflag:s30] =	ssyncset.done $0x0  }
0x183: {  	[sflag:s30] =	ssyncadd.s32 $0xFFFFE000  }
0x184: {  	[hbm4b:s12+s17] =	stream.strided.scatter [tilespmem:s13], [sflag:$0xA], $0x2000, s26, s17, $0x38;
	[tilespmem:$0x18600] =	vst v63  }
0x185: {  	_ =	swait.ge [sflag:s31], $0x2000  }
0x186: {  	s13 =	sld [smem:$0x7FB]  }
0x187: {  	[sflag:s31] =	ssyncset.done $0x0  }
0x188: {  	[sflag:s31] =	ssyncadd.s32 $0xFFFFE000  }
0x189: {  	[hbm4b:s13+s17] =	stream.strided.scatter [tilespmem:s4], [sflag:$0xB], $0x2000, s26, s17, $0x38;
	[tilespmem:$0x18600] =	vst v63  }
0x18a: {  	_ =	swait.ge [sflag:s22], $0x2000  }
0x18b: {  	s19 =	sld [smem:$0x7FC]  }
0x18c: {  	[sflag:s22] =	ssyncset.done $0x0  }
0x18d: {  	[sflag:s22] =	ssyncadd.s32 $0xFFFFE000  }
0x18e: {  	[hbm4b:s19+s17] =	stream.strided.scatter [tilespmem:s3], [sflag:$0xC], $0x2000, s26, s17, $0x38;
	[tilespmem:$0x18600] =	vst v63  }
0x18f: {  	s21 =	sld [smem:$0x7EE];
	_ =	swait.ge [sflag:s23], $0x2000  }
0x190: {  	s25 =	sld [smem:$0x7FD]  }
0x191: {  	[sflag:s23] =	ssyncset.done $0x0  }
0x192: {  	[sflag:s23] =	ssyncadd.s32 $0xFFFFE000  }
0x193: {  	[hbm4b:s25+s17] =	stream.strided.scatter [tilespmem:s2], [sflag:$0xD], $0x2000, s26, s17, $0x38;
	[tilespmem:$0x18600] =	vst v63  }
0x194: {  	_ =	swait.ge [sflag:s8], $0x2000  }
0x195: {  	[sflag:s8] =	ssyncset.done $0x0  }
0x196: {  	[sflag:s8] =	ssyncadd.s32 $0xFFFFE000  }
0x197: {  	_ =	swait.ge [sflag:s14], $0x2000  }
0x198: {  	[sflag:s14] =	ssyncset.done $0x0  }
0x199: {  	[sflag:s14] =	ssyncadd.s32 $0xFFFFE000  }
0x19a: {  	_ =	swait.ge [sflag:s15], $0x2000  }
0x19b: {  	[sflag:s15] =	ssyncset.done $0x0  }
0x19c: {  	[sflag:s15] =	ssyncadd.s32 $0xFFFFE000  }
0x19d: {  	_ =	swait.ge [sflag:s16], $0x2000  }
0x19e: {  	[sflag:s16] =	ssyncset.done $0x0  }
0x19f: {  	[sflag:s16] =	ssyncadd.s32 $0xFFFFE000  }
0x1a0: {  	_ =	swait.ge [sflag:s18], $0x2000  }
0x1a1: {  	[sflag:s18] =	ssyncset.done $0x0  }
0x1a2: {  	[sflag:s18] =	ssyncadd.s32 $0xFFFFE000  }
0x1a3: {  	_ =	swait.ge [sflag:s7], $0x2000  }
0x1a4: {  	[sflag:s7] =	ssyncset.done $0x0  }
0x1a5: {  	[sflag:s7] =	ssyncadd.s32 $0xFFFFE000  }
0x1a6: {  	_ =	swait.ge [sflag:s8], $0x2000  }
0x1a7: {  	[sflag:s8] =	ssyncset.done $0x0  }
0x1a8: {  	[sflag:s8] =	ssyncadd.s32 $0xFFFFE000  }
0x1a9: {  	_ =	swait.ge [sflag:s14], $0x2000  }
0x1aa: {  	[sflag:s14] =	ssyncset.done $0x0  }
0x1ab: {  	[sflag:s14] =	ssyncadd.s32 $0xFFFFE000  }
0x1ac: {  	_ =	swait.ge [sflag:s15], $0x2000  }
0x1ad: {  	[sflag:s15] =	ssyncset.done $0x0  }
0x1ae: {  	[sflag:s15] =	ssyncadd.s32 $0xFFFFE000  }
0x1af: {  	_ =	swait.ge [sflag:s16], $0x2000  }
0x1b0: {  	[sflag:s16] =	ssyncset.done $0x0  }
0x1b1: {  	[sflag:s16] =	ssyncadd.s32 $0xFFFFE000  }
0x1b2: {  	p0 =	sne.s32 s21, $0x1;
	_ =	swait.ge [sflag:s18], $0x2000  }
.Ltmp0:
0x1b3: {  	[sflag:s18] =	ssyncset.done $0x0;
	(pc) =	sbr.rel @p0 .LBB2_1-.Ltmp0, $4  }
0x1b4: {  	[sflag:s18] =	ssyncadd.s32 $0xFFFFE000  }
0x1b5: {  	_ =	swait.ge [sflag:s7], $0x2000  }
0x1b6: {  	[sflag:s7] =	ssyncset.done $0x0  }
0x1b7: {  	s0 =	sadd.s32 $0xFFFFFFFF, s21;
	[sflag:s7] =	ssyncadd.s32 $0xFFFFE000  }
0x1b8: {  	_ =	sfence.sel $0x180000  }
0x1b9: {  	[bflag:$0x0] =	sbarrier.arrive $0xFFFF  }
0x1ba: {  	_ =	strace $0x90000047  }
0x1bb: {  	s0 =	stileid.u32;
	[bflag:$0x2] =	sbarrier.arrive $0xFFFF  }
0x1bc: {  	p0 =	sne.s32 s0, $0x0;
	s0 =	rddreg [dreg:$0x6]  }
0x1bd: {  	s0 =	sadd.s32 @!p0 $0x100000, s0  }
0x1be: {  	[sflag:s0] =	ssyncadd.tile.s32 @!p0 $0x1;
	_ =	shalt  }
.Lfunc_end2:
_tile_overlayer_lowered:
.L_overlay_start_2:
0x1bf: {  	(tag) =	ssettag $0x2  }
0x1c0: {  	s0 =	rddreg [dreg:$0x0];
	s2 =	stileid.u32  }
0x1c1: {  	s1 =	rddreg [dreg:$0x1];
	p0 =	sne.s32 s2, $0x0  }
0x1c2: {  	s3 =	rddreg [dreg:$0x2];
	[bflag:$0x3] =	sbarrier.arrive $0xFFFF;
	s2 =	simm.s32 @!p0 $0x1C0E  }
0x1c3: {  	[timem:s3], [sflag:s2] =	dma.local @!p0 [hbm:s0], s1  }
0x1c4: {  	s0 =	simm.s32 @!p0 $0xE  }
0x1c5: {  	_ =	swait.ge @!p0 [sflag:s0], s1  }
0x1c6: {  	s1 =	ssub.s32 @!p0 $0x0, s1;
	[sflag:s0] =	ssyncset.done @!p0 $0x0  }
0x1c7: {  	[sflag:s0] =	ssyncadd.s32 @!p0 s1  }
0x1c8: {  	[bflag:$0x3] =	sbarrier.arrive $0xFFFF  }
0x1c9: {  	_ =	shalt  }

</sc_bundles>
